<compile_context>
chip_gen: v7x
topology: tpu7x:2x2x1
jax: 0.10.2.dev20260603
libtpu: 0.0.44.dev20260713+nightly
codegen_flags: <defaults>
</compile_context>

<pallas_src>
import jax
import jax.numpy as jnp
from jax import lax
from jax.experimental import pallas as pl
from jax.experimental.pallas import tpu as pltpu
from jax.experimental.pallas import tpu_sc as plsc

B, C, N, K = 4, 64, 8192, 16
O = 64
EPS = 1e-5
SLOPE = 0.2
BN = B * N

NC, NS = 2, 16
NW = NC * NS
CPT = BN // NW
CHUNK = 32
NCHUNK = CPT // CHUNK
RPC = CHUNK * K
GPC = RPC // 128
IDX_ROWS = CPT * K // 128


def _mm_body(x_ref, wa_ref, wq_ref, u_ref, v_ref):
    xb = x_ref[0]
    dn = (((0,), (0,)), ((), ()))
    u = lax.dot_general(xb, wa_ref[...], dn,
                        preferred_element_type=jnp.float32)
    v = lax.dot_general(xb, wq_ref[...], dn,
                        preferred_element_type=jnp.float32)
    u_ref[...] = jnp.concatenate([u[:N // 2], u[N // 2:]], axis=1)
    v_ref[...] = jnp.concatenate([v[:N // 2], v[N // 2:]], axis=1)


def _sc_body(table_hbm, fidx_hbm, m_hbm, s_hbm, s2_hbm,
             idx_all, rows0, rows1, outm0, outs0, outm1, outs1, s2acc,
             sem0, sem1, wsem0, wsem1):
    wid = lax.axis_index("s") * NC + lax.axis_index("c")

    pltpu.sync_copy(fidx_hbm.at[pl.ds(wid * IDX_ROWS, IDX_ROWS)], idx_all)

    off = (wid // (NW // B)) * N

    def add_off(r, carry):
        for g in range(8):
            sl = pl.ds(g * 16, 16)
            n = idx_all[r, sl]
            idx_all[r, sl] = (off + 2 * (n & (N // 2 - 1))
                              + lax.shift_right_logical(n, 12))
        return carry
    lax.fori_loop(0, IDX_ROWS, add_off, 0)

    def issue(chunk, rows_ref, sem):
        for g in range(GPC):
            pltpu.async_copy(
                table_hbm.at[idx_all.at[chunk * GPC + g]],
                rows_ref.at[pl.ds(g * 128, 128)],
                sem)

    def drain(rows_ref, sem):
        pltpu.make_async_copy(table_hbm.at[pl.ds(0, RPC)], rows_ref, sem).wait()

    def compute(chunk, rows_ref, outm, outs, wsem, s2state):
        rowb = ((wid // (NW // B)) * (N // 2) + (wid % (NW // B // 2)) * CPT
                + chunk * CHUNK)
        half = pl.ds(((wid % (NW // B)) // (NW // B // 2)) * O, O)

        @pl.when(chunk >= 2)
        def _():
            pltpu.make_async_copy(outm, m_hbm.at[pl.ds(rowb, CHUNK), half],
                                  wsem).wait()
            pltpu.make_async_copy(outs, s_hbm.at[pl.ds(rowb, CHUNK), half],
                                  wsem).wait()

        def center_body(c, s2):
            r0 = c * K
            ms, ss, qs = [], [], []
            for g in range(O // 16):
                col = pl.ds(g * 16, 16)
                val = rows_ref[r0, col]
                m = val
                s = val
                q = val * val
                for r in range(1, K):
                    val = rows_ref[r0 + r, col]
                    m = jnp.maximum(m, val)
                    s = s + val
                    q = q + val * val
                ms.append(m)
                ss.append(s)
                qs.append(q)
            for g in range(O // 16):
                col = pl.ds(g * 16, 16)
                outm[c, col] = ms[g]
                outs[c, col] = ss[g]
            return tuple(s2[g] + qs[g] for g in range(O // 16))
        s2state = plsc.parallel_loop(0, CHUNK, step=1, unroll=2,
                                     carry=s2state)(center_body)
        pltpu.async_copy(outm, m_hbm.at[pl.ds(rowb, CHUNK), half], wsem)
        pltpu.async_copy(outs, s_hbm.at[pl.ds(rowb, CHUNK), half], wsem)
        return s2state

    issue(0, rows0, sem0)

    def outer(p, s2state):
        a = p * 2
        drain(rows0, sem0)
        issue(a + 1, rows1, sem1)
        s2state = compute(a, rows0, outm0, outs0, wsem0, s2state)
        drain(rows1, sem1)

        @pl.when(p < NCHUNK // 2 - 1)
        def _():
            issue(a + 2, rows0, sem0)

        return compute(a + 1, rows1, outm1, outs1, wsem1, s2state)

    zero = jnp.zeros((16,), jnp.float32)
    s2fin = lax.fori_loop(0, NCHUNK // 2, outer,
                          tuple(zero for _ in range(O // 16)))
    for g in range(O // 16):
        s2acc[0, pl.ds(g * 16, 16)] = s2fin[g]
    for om, os, ws in ((outm0, outs0, wsem0), (outm1, outs1, wsem1)):
        pltpu.make_async_copy(om, m_hbm.at[pl.ds(0, CHUNK),
                                           pl.ds(0, O)], ws).wait()
        pltpu.make_async_copy(os, s_hbm.at[pl.ds(0, CHUNK),
                                           pl.ds(0, O)], ws).wait()
    pltpu.sync_copy(s2acc.at[0],
                    s2_hbm.at[wid // 2, pl.ds((wid % 2) * O, O)])


def _make_sc_gather():
    return pl.kernel(
        _sc_body,
        out_type=(
            jax.ShapeDtypeStruct((BN // 2, 2 * O), jnp.float32),
            jax.ShapeDtypeStruct((BN // 2, 2 * O), jnp.float32),
            jax.ShapeDtypeStruct((NW // 2, 2 * O), jnp.float32),
        ),
        mesh=plsc.VectorSubcoreMesh(core_axis_name="c", subcore_axis_name="s",
                                    num_cores=NC, num_subcores=NS),
        scratch_types=[
            pltpu.VMEM((IDX_ROWS, 128), jnp.int32),
            pltpu.VMEM((RPC, O), jnp.float32),
            pltpu.VMEM((RPC, O), jnp.float32),
            pltpu.VMEM((CHUNK, O), jnp.float32),
            pltpu.VMEM((CHUNK, O), jnp.float32),
            pltpu.VMEM((CHUNK, O), jnp.float32),
            pltpu.VMEM((CHUNK, O), jnp.float32),
            pltpu.VMEM((1, O), jnp.float32),
            pltpu.SemaphoreType.DMA,
            pltpu.SemaphoreType.DMA,
            pltpu.SemaphoreType.DMA,
            pltpu.SemaphoreType.DMA,
        ],
        compiler_params=pltpu.CompilerParams(use_tc_tiling_on_sc=False),
    )


def _norm_body(m_ref, s_ref, v_ref, s2_ref, o_ref):
    Sb = s_ref[...]
    vb = v_ref[...]
    Mb = m_ref[...]

    def fold(z):
        return z[:O] + z[O:]

    sS = fold(jnp.sum(Sb, axis=0))
    sv = fold(jnp.sum(vb, axis=0))
    sv2 = fold(jnp.sum(vb * vb, axis=0))
    cross = fold(jnp.sum(vb * Sb, axis=0))
    s2 = fold(jnp.sum(s2_ref[0], axis=0))
    cnt = float(N * K)
    mean = (sS + K * sv) / cnt
    eh2 = (s2 + 2.0 * cross + K * sv2) / cnt
    var = eh2 - mean * mean
    rstd = lax.rsqrt(var + EPS)
    mean2 = jnp.concatenate([mean, mean])
    rstd2 = jnp.concatenate([rstd, rstd])
    t = (Mb + vb - mean2[None, :]) * rstd2[None, :]
    t = jnp.where(t >= 0, t, SLOPE * t)
    o_ref[0] = jnp.concatenate([t[:, :O].T, t[:, O:].T], axis=1)


def kernel(x, idx, W0):
    x = x.astype(jnp.float32)
    idx32 = idx.astype(jnp.int32)
    A = W0[:, :C]
    Qm = W0[:, C:] - A
    wa = A.T
    wq = Qm.T

    u, v = pl.pallas_call(
        _mm_body,
        grid=(B,),
        in_specs=[
            pl.BlockSpec((1, C, N), lambda b: (b, 0, 0)),
            pl.BlockSpec((C, O), lambda b: (0, 0)),
            pl.BlockSpec((C, O), lambda b: (0, 0)),
        ],
        out_specs=[
            pl.BlockSpec((N // 2, 2 * O), lambda b: (b, 0)),
            pl.BlockSpec((N // 2, 2 * O), lambda b: (b, 0)),
        ],
        out_shape=[
            jax.ShapeDtypeStruct((BN // 2, 2 * O), jnp.float32),
            jax.ShapeDtypeStruct((BN // 2, 2 * O), jnp.float32),
        ],
    )(x, wa, wq)

    fidx = idx32.reshape(BN * K // 128, 128)
    table = u.reshape(BN, O)

    Mg, Sg, S2p = _make_sc_gather()(table, fidx)

    out = pl.pallas_call(
        _norm_body,
        grid=(B,),
        in_specs=[
            pl.BlockSpec((N // 2, 2 * O), lambda b: (b, 0)),
            pl.BlockSpec((N // 2, 2 * O), lambda b: (b, 0)),
            pl.BlockSpec((N // 2, 2 * O), lambda b: (b, 0)),
            pl.BlockSpec((1, NW // B // 2, 2 * O), lambda b: (b, 0, 0)),
        ],
        out_specs=pl.BlockSpec((1, O, N), lambda b: (b, 0, 0)),
        out_shape=jax.ShapeDtypeStruct((B, O, N), jnp.float32),
    )(Mg, Sg, v, S2p.reshape(B, NW // B // 2, 2 * O))
    return out

# --- scband reference (transcript-rebuilt; emitter-appended) ---
"""Pipeline reference for scband-edge-conv-32942399160848 (READ-ONLY COPY).

The authoritative reference and input builder live on the scoring server;
editing this copy changes nothing except your own understanding.
"""

import jax, jax.numpy as jnp
import numpy as np

B, C, N, K = 4, 64, 8192, 16
CH = [2 * C, 64]
EPS = 1e-5
SLOPE = 0.2


def setup_inputs(seed: int = 0) -> dict:
    key = jax.random.key(seed)
    k1, k2, k3 = jax.random.split(key, 3)
    x = jax.random.normal(k1, (B, C, N), dtype=jnp.float32)
    idx = jax.random.randint(k2, (B, N, K), 0, N).astype(jnp.int64)
    # Conv2d(128, 64, kernel_size=1, bias=False) weight, squeezed to [out, in]
    W0 = jax.random.normal(k3, (CH[1], CH[0]), dtype=jnp.float32) * 0.05
    return {"x": x, "idx": idx, "W0": W0}


def _leaky_relu(x, slope=SLOPE):
    return jnp.where(x >= 0, x, slope * x)


def _instance_norm(x, eps=EPS):
    # InstanceNorm2d (affine=False, track_running_stats=False):
    # normalize each [H, W] slice per (batch, channel) with biased variance
    mean = jnp.mean(x, axis=(2, 3), keepdims=True)
    var = jnp.var(x, axis=(2, 3), keepdims=True)
    return (x - mean) / jnp.sqrt(var + eps)


def _get_graph_feature(x, idx, k):
    # x: [B, C, N], idx: [B, N, K] with values in [0, N)
    b, c, n = x.shape
    xt = jnp.transpose(x, (0, 2, 1))  # [B, N, C]
    # gather neighbor features: equivalent to flat-index gather in torch code
    feature = jax.vmap(lambda xb, ib: jnp.take(xb, ib, axis=0))(xt, idx)  # [B, N, K, C]
    center = jnp.broadcast_to(xt[:, :, None, :], (b, n, k, c))  # [B, N, K, C]
    feat = jnp.concatenate([feature - center, center], axis=3)  # [B, N, K, 2C]
    return jnp.transpose(feat, (0, 3, 1, 2))  # [B, 2C, N, K]


def reference(x, idx, W0):
    feat = _get_graph_feature(x, idx, K)  # [B, 2C, N, K]
    # SharedMLP2d: Conv2d 1x1 (no bias) -> InstanceNorm2d -> LeakyReLU(0.2)
    h = jnp.einsum('oc,bcnk->bonk', W0, feat)
    h = _instance_norm(h)
    h = _leaky_relu(h)
    # max over neighbor dim
    out = jnp.max(h, axis=-1)  # [B, out_channels, N]
    return out

if __name__ == "__main__":
    import jax
    _d = setup_inputs()
    print(jax.jit(kernel)(*tuple(_d.values())))

</pallas_src>

<mosaic_0001>
#map = affine_map<(d0, d1) -> (0, 0)>
module attributes {stable_mosaic.version = 14 : i64} {
  func.func @_sc_body(%arg0: i32, %arg1: i32, %arg2: memref<32768x64xf32, #tpu.memory_space<hbm>>, %arg3: memref<4096x128xi32, #tpu.memory_space<hbm>>, %arg4: memref<16384x128xf32, #tpu.memory_space<hbm>>, %arg5: memref<16384x128xf32, #tpu.memory_space<hbm>>, %arg6: memref<16x128xf32, #tpu.memory_space<hbm>>, %arg7: memref<128x128xi32, #tpu.memory_space<vmem>>, %arg8: memref<512x64xf32, #tpu.memory_space<vmem>>, %arg9: memref<512x64xf32, #tpu.memory_space<vmem>>, %arg10: memref<32x64xf32, #tpu.memory_space<vmem>>, %arg11: memref<32x64xf32, #tpu.memory_space<vmem>>, %arg12: memref<32x64xf32, #tpu.memory_space<vmem>>, %arg13: memref<32x64xf32, #tpu.memory_space<vmem>>, %arg14: memref<1x64xf32, #tpu.memory_space<vmem>>, %arg15: memref<!tpu.dma_semaphore, #tpu.memory_space<semaphore_mem>>, %arg16: memref<!tpu.dma_semaphore, #tpu.memory_space<semaphore_mem>>, %arg17: memref<!tpu.dma_semaphore, #tpu.memory_space<semaphore_mem>>, %arg18: memref<!tpu.dma_semaphore, #tpu.memory_space<semaphore_mem>>) attributes {dimension_semantics = [#tpu.dimension_semantics<core_parallel>, #tpu.dimension_semantics<subcore_parallel>], iteration_bounds = array<i64: 2, 16>, scalar_prefetch = 0 : i64, scratch_operands = 12 : i64, tpu.core_type = #tpu.core_type<sc_vector_subcore>, window_params = [{transform_indices = #map}, {transform_indices = #map}, {transform_indices = #map}, {transform_indices = #map}, {transform_indices = #map}]} {
    %mul3A = arith.constant 2 : i32
    %mul3A_0 = arith.muli %arg1, %mul3A : i32
    %add3A = arith.addi %mul3A_0, %arg0 : i32
    %mul3A_1 = arith.constant 128 : i32
    %mul3A_2 = arith.muli %add3A, %mul3A_1 : i32
    "tpu.region"() ({
      %run_scoped3A_158 = tpu.sem_alloc : memref<!tpu.dma_semaphore, #tpu.memory_space<semaphore_mem>>
      %dma_start3A_159 = arith.constant 0 : i32
      %dma_start3A_160 = tpu.memref_slice %arg3[%mul3A_2, %dma_start3A_159] : memref<4096x128xi32, #tpu.memory_space<hbm>> -> memref<128x128xi32, #tpu.memory_space<hbm>>
      %dma_start3A_161 = arith.constant 0 : i32
      %dma_start3A_162 = tpu.memref_slice %arg3[%mul3A_2, %dma_start3A_161] : memref<4096x128xi32, #tpu.memory_space<hbm>> -> memref<128x128xi32, #tpu.memory_space<hbm>>
      tpu.enqueue_dma source(%dma_start3A_162 : memref<128x128xi32, #tpu.memory_space<hbm>>) target(%arg7 : memref<128x128xi32, #tpu.memory_space<vmem>>) target_semaphore(%run_scoped3A_158 : memref<!tpu.dma_semaphore, #tpu.memory_space<semaphore_mem>>)
      %dma_wait3A_163 = arith.constant 0 : i32
      %dma_wait3A_164 = tpu.memref_slice %arg3[%mul3A_2, %dma_wait3A_163] : memref<4096x128xi32, #tpu.memory_space<hbm>> -> memref<128x128xi32, #tpu.memory_space<hbm>>
      %dma_wait3A_165 = arith.constant 0 : i32
      %dma_wait3A_166 = tpu.memref_slice %arg3[%mul3A_2, %dma_wait3A_165] : memref<4096x128xi32, #tpu.memory_space<hbm>> -> memref<128x128xi32, #tpu.memory_space<hbm>>
      tpu.wait_dma2 semaphore(%run_scoped3A_158 : memref<!tpu.dma_semaphore, #tpu.memory_space<semaphore_mem>>) src(%dma_wait3A_166 : memref<128x128xi32, #tpu.memory_space<hbm>>) dst(%arg7 : memref<128x128xi32, #tpu.memory_space<vmem>>)
      tpu.yield
    }) : () -> ()
    %jit3A = arith.constant 8 : i32
    %div3A = arith.divsi %add3A, %jit3A : i32
    %sign3A = arith.constant 0 : i32
    %sign3A_3 = arith.cmpi sgt, %add3A, %sign3A : i32
    %sign3A_4 = arith.extui %sign3A_3 : i1 to i32
    %sign3A_5 = arith.constant 0 : i32
    %sign3A_6 = arith.cmpi slt, %add3A, %sign3A_5 : i32
    %sign3A_7 = arith.extui %sign3A_6 : i1 to i32
    %sign3A_8 = arith.subi %sign3A_4, %sign3A_7 : i32
    %sign3A_9 = arith.constant 0 : i32
    %sign3A_10 = arith.cmpi sgt, %jit3A, %sign3A_9 : i32
    %sign3A_11 = arith.extui %sign3A_10 : i1 to i32
    %sign3A_12 = arith.constant 0 : i32
    %sign3A_13 = arith.cmpi slt, %jit3A, %sign3A_12 : i32
    %sign3A_14 = arith.extui %sign3A_13 : i1 to i32
    %sign3A_15 = arith.subi %sign3A_11, %sign3A_14 : i32
    %ne3A = arith.cmpi ne, %sign3A_8, %sign3A_15 : i32
    %rem3A = arith.remsi %add3A, %jit3A : i32
    %ne3A_16 = arith.constant 0 : i32
    %ne3A_17 = arith.cmpi ne, %rem3A, %ne3A_16 : i32
    %and3A = arith.andi %ne3A, %ne3A_17 : i1
    %sub3A = arith.constant 1 : i32
    %sub3A_18 = arith.subi %div3A, %sub3A : i32
    %select_n3A = arith.select %and3A, %sub3A_18, %div3A : i32
    %mul3A_19 = arith.constant 8192 : i32
    %mul3A_20 = arith.muli %select_n3A, %mul3A_19 : i32
    %scan3A = arith.constant 0 : i32
    %scan3A_21 = arith.constant 0 : i32
    %scan3A_22 = arith.constant 128 : i32
    %scan3A_23 = arith.addi %scan3A_21, %scan3A_22 : i32
    %scan3A_24 = arith.constant 1 : i32
    scf.for %scan3A_158 = %scan3A_21 to %scan3A_23 step %scan3A_24  : i32 {
      %get3A = arith.index_cast %scan3A_158 : i32 to index
      %get3A_159 = arith.constant 0 : index
      %get3A_160 = tpu.vector_load %arg7[%get3A, %get3A_159] {strides = array<i32>} : memref<128x128xi32, #tpu.memory_space<vmem>>, vector<1x16xi32>,
      %get3A_161 = vector.shape_cast %get3A_160 : vector<1x16xi32> to vector<16xi32>
      %and3A_162 = arith.constant 4095 : i32
      %and3A_163 = vector.broadcast %and3A_162 : i32 to vector<16xi32>
      %and3A_164 = arith.andi %get3A_161, %and3A_163 : vector<16xi32>
      %mul3A_165 = arith.constant 2 : i32
      %mul3A_166 = vector.broadcast %mul3A_165 : i32 to vector<16xi32>
      %mul3A_167 = arith.muli %mul3A_166, %and3A_164 : vector<16xi32>
      %add3A_168 = vector.broadcast %mul3A_20 : i32 to vector<16xi32>
      %add3A_169 = arith.addi %add3A_168, %mul3A_167 : vector<16xi32>
      %shift_right_logical3A = arith.constant 12 : i32
      %shift_right_logical3A_170 = vector.broadcast %shift_right_logical3A : i32 to vector<16xi32>
      %shift_right_logical3A_171 = arith.shrui %get3A_161, %shift_right_logical3A_170 : vector<16xi32>
      %add3A_172 = arith.addi %add3A_169, %shift_right_logical3A_171 : vector<16xi32>
      %swap3A_173 = arith.index_cast %scan3A_158 : i32 to index
      %swap3A_174 = arith.constant 0 : index
      %swap3A_175 = tpu.vector_load %arg7[%swap3A_173, %swap3A_174] {strides = array<i32>} : memref<128x128xi32, #tpu.memory_space<vmem>>, vector<1x16xi32>,
      %swap3A_176 = vector.shape_cast %swap3A_175 : vector<1x16xi32> to vector<16xi32>
      %swap3A_177 = vector.shape_cast %add3A_172 : vector<16xi32> to vector<1x16xi32>
      tpu.vector_store %arg7[%swap3A_173, %swap3A_174], %swap3A_177 {strides = array<i32>} : memref<128x128xi32, #tpu.memory_space<vmem>>, vector<1x16xi32>,
      %get3A_178 = arith.index_cast %scan3A_158 : i32 to index
      %get3A_179 = arith.constant 16 : index
      %get3A_180 = tpu.vector_load %arg7[%get3A_178, %get3A_179] {strides = array<i32>} : memref<128x128xi32, #tpu.memory_space<vmem>>, vector<1x16xi32>,
      %get3A_181 = vector.shape_cast %get3A_180 : vector<1x16xi32> to vector<16xi32>
      %and3A_182 = arith.constant 4095 : i32
      %and3A_183 = vector.broadcast %and3A_182 : i32 to vector<16xi32>
      %and3A_184 = arith.andi %get3A_181, %and3A_183 : vector<16xi32>
      %mul3A_185 = arith.constant 2 : i32
      %mul3A_186 = vector.broadcast %mul3A_185 : i32 to vector<16xi32>
      %mul3A_187 = arith.muli %mul3A_186, %and3A_184 : vector<16xi32>
      %add3A_188 = vector.broadcast %mul3A_20 : i32 to vector<16xi32>
      %add3A_189 = arith.addi %add3A_188, %mul3A_187 : vector<16xi32>
      %shift_right_logical3A_190 = arith.constant 12 : i32
      %shift_right_logical3A_191 = vector.broadcast %shift_right_logical3A_190 : i32 to vector<16xi32>
      %shift_right_logical3A_192 = arith.shrui %get3A_181, %shift_right_logical3A_191 : vector<16xi32>
      %add3A_193 = arith.addi %add3A_189, %shift_right_logical3A_192 : vector<16xi32>
      %swap3A_194 = arith.index_cast %scan3A_158 : i32 to index
      %swap3A_195 = arith.constant 16 : index
      %swap3A_196 = tpu.vector_load %arg7[%swap3A_194, %swap3A_195] {strides = array<i32>} : memref<128x128xi32, #tpu.memory_space<vmem>>, vector<1x16xi32>,
      %swap3A_197 = vector.shape_cast %swap3A_196 : vector<1x16xi32> to vector<16xi32>
      %swap3A_198 = vector.shape_cast %add3A_193 : vector<16xi32> to vector<1x16xi32>
      tpu.vector_store %arg7[%swap3A_194, %swap3A_195], %swap3A_198 {strides = array<i32>} : memref<128x128xi32, #tpu.memory_space<vmem>>, vector<1x16xi32>,
      %get3A_199 = arith.index_cast %scan3A_158 : i32 to index
      %get3A_200 = arith.constant 32 : index
      %get3A_201 = tpu.vector_load %arg7[%get3A_199, %get3A_200] {strides = array<i32>} : memref<128x128xi32, #tpu.memory_space<vmem>>, vector<1x16xi32>,
      %get3A_202 = vector.shape_cast %get3A_201 : vector<1x16xi32> to vector<16xi32>
      %and3A_203 = arith.constant 4095 : i32
      %and3A_204 = vector.broadcast %and3A_203 : i32 to vector<16xi32>
      %and3A_205 = arith.andi %get3A_202, %and3A_204 : vector<16xi32>
      %mul3A_206 = arith.constant 2 : i32
      %mul3A_207 = vector.broadcast %mul3A_206 : i32 to vector<16xi32>
      %mul3A_208 = arith.muli %mul3A_207, %and3A_205 : vector<16xi32>
      %add3A_209 = vector.broadcast %mul3A_20 : i32 to vector<16xi32>
      %add3A_210 = arith.addi %add3A_209, %mul3A_208 : vector<16xi32>
      %shift_right_logical3A_211 = arith.constant 12 : i32
      %shift_right_logical3A_212 = vector.broadcast %shift_right_logical3A_211 : i32 to vector<16xi32>
      %shift_right_logical3A_213 = arith.shrui %get3A_202, %shift_right_logical3A_212 : vector<16xi32>
      %add3A_214 = arith.addi %add3A_210, %shift_right_logical3A_213 : vector<16xi32>
      %swap3A_215 = arith.index_cast %scan3A_158 : i32 to index
      %swap3A_216 = arith.constant 32 : index
      %swap3A_217 = tpu.vector_load %arg7[%swap3A_215, %swap3A_216] {strides = array<i32>} : memref<128x128xi32, #tpu.memory_space<vmem>>, vector<1x16xi32>,
      %swap3A_218 = vector.shape_cast %swap3A_217 : vector<1x16xi32> to vector<16xi32>
      %swap3A_219 = vector.shape_cast %add3A_214 : vector<16xi32> to vector<1x16xi32>
      tpu.vector_store %arg7[%swap3A_215, %swap3A_216], %swap3A_219 {strides = array<i32>} : memref<128x128xi32, #tpu.memory_space<vmem>>, vector<1x16xi32>,
      %get3A_220 = arith.index_cast %scan3A_158 : i32 to index
      %get3A_221 = arith.constant 48 : index
      %get3A_222 = tpu.vector_load %arg7[%get3A_220, %get3A_221] {strides = array<i32>} : memref<128x128xi32, #tpu.memory_space<vmem>>, vector<1x16xi32>,
      %get3A_223 = vector.shape_cast %get3A_222 : vector<1x16xi32> to vector<16xi32>
      %and3A_224 = arith.constant 4095 : i32
      %and3A_225 = vector.broadcast %and3A_224 : i32 to vector<16xi32>
      %and3A_226 = arith.andi %get3A_223, %and3A_225 : vector<16xi32>
      %mul3A_227 = arith.constant 2 : i32
      %mul3A_228 = vector.broadcast %mul3A_227 : i32 to vector<16xi32>
      %mul3A_229 = arith.muli %mul3A_228, %and3A_226 : vector<16xi32>
      %add3A_230 = vector.broadcast %mul3A_20 : i32 to vector<16xi32>
      %add3A_231 = arith.addi %add3A_230, %mul3A_229 : vector<16xi32>
      %shift_right_logical3A_232 = arith.constant 12 : i32
      %shift_right_logical3A_233 = vector.broadcast %shift_right_logical3A_232 : i32 to vector<16xi32>
      %shift_right_logical3A_234 = arith.shrui %get3A_223, %shift_right_logical3A_233 : vector<16xi32>
      %add3A_235 = arith.addi %add3A_231, %shift_right_logical3A_234 : vector<16xi32>
      %swap3A_236 = arith.index_cast %scan3A_158 : i32 to index
      %swap3A_237 = arith.constant 48 : index
      %swap3A_238 = tpu.vector_load %arg7[%swap3A_236, %swap3A_237] {strides = array<i32>} : memref<128x128xi32, #tpu.memory_space<vmem>>, vector<1x16xi32>,
      %swap3A_239 = vector.shape_cast %swap3A_238 : vector<1x16xi32> to vector<16xi32>
      %swap3A_240 = vector.shape_cast %add3A_235 : vector<16xi32> to vector<1x16xi32>
      tpu.vector_store %arg7[%swap3A_236, %swap3A_237], %swap3A_240 {strides = array<i32>} : memref<128x128xi32, #tpu.memory_space<vmem>>, vector<1x16xi32>,
      %get3A_241 = arith.index_cast %scan3A_158 : i32 to index
      %get3A_242 = arith.constant 64 : index
      %get3A_243 = tpu.vector_load %arg7[%get3A_241, %get3A_242] {strides = array<i32>} : memref<128x128xi32, #tpu.memory_space<vmem>>, vector<1x16xi32>,
      %get3A_244 = vector.shape_cast %get3A_243 : vector<1x16xi32> to vector<16xi32>
      %and3A_245 = arith.constant 4095 : i32
      %and3A_246 = vector.broadcast %and3A_245 : i32 to vector<16xi32>
      %and3A_247 = arith.andi %get3A_244, %and3A_246 : vector<16xi32>
      %mul3A_248 = arith.constant 2 : i32
      %mul3A_249 = vector.broadcast %mul3A_248 : i32 to vector<16xi32>
      %mul3A_250 = arith.muli %mul3A_249, %and3A_247 : vector<16xi32>
      %add3A_251 = vector.broadcast %mul3A_20 : i32 to vector<16xi32>
      %add3A_252 = arith.addi %add3A_251, %mul3A_250 : vector<16xi32>
      %shift_right_logical3A_253 = arith.constant 12 : i32
      %shift_right_logical3A_254 = vector.broadcast %shift_right_logical3A_253 : i32 to vector<16xi32>
      %shift_right_logical3A_255 = arith.shrui %get3A_244, %shift_right_logical3A_254 : vector<16xi32>
      %add3A_256 = arith.addi %add3A_252, %shift_right_logical3A_255 : vector<16xi32>
      %swap3A_257 = arith.index_cast %scan3A_158 : i32 to index
      %swap3A_258 = arith.constant 64 : index
      %swap3A_259 = tpu.vector_load %arg7[%swap3A_257, %swap3A_258] {strides = array<i32>} : memref<128x128xi32, #tpu.memory_space<vmem>>, vector<1x16xi32>,
      %swap3A_260 = vector.shape_cast %swap3A_259 : vector<1x16xi32> to vector<16xi32>
      %swap3A_261 = vector.shape_cast %add3A_256 : vector<16xi32> to vector<1x16xi32>
      tpu.vector_store %arg7[%swap3A_257, %swap3A_258], %swap3A_261 {strides = array<i32>} : memref<128x128xi32, #tpu.memory_space<vmem>>, vector<1x16xi32>,
      %get3A_262 = arith.index_cast %scan3A_158 : i32 to index
      %get3A_263 = arith.constant 80 : index
      %get3A_264 = tpu.vector_load %arg7[%get3A_262, %get3A_263] {strides = array<i32>} : memref<128x128xi32, #tpu.memory_space<vmem>>, vector<1x16xi32>,
      %get3A_265 = vector.shape_cast %get3A_264 : vector<1x16xi32> to vector<16xi32>
      %and3A_266 = arith.constant 4095 : i32
      %and3A_267 = vector.broadcast %and3A_266 : i32 to vector<16xi32>
      %and3A_268 = arith.andi %get3A_265, %and3A_267 : vector<16xi32>
      %mul3A_269 = arith.constant 2 : i32
      %mul3A_270 = vector.broadcast %mul3A_269 : i32 to vector<16xi32>
      %mul3A_271 = arith.muli %mul3A_270, %and3A_268 : vector<16xi32>
      %add3A_272 = vector.broadcast %mul3A_20 : i32 to vector<16xi32>
      %add3A_273 = arith.addi %add3A_272, %mul3A_271 : vector<16xi32>
      %shift_right_logical3A_274 = arith.constant 12 : i32
      %shift_right_logical3A_275 = vector.broadcast %shift_right_logical3A_274 : i32 to vector<16xi32>
      %shift_right_logical3A_276 = arith.shrui %get3A_265, %shift_right_logical3A_275 : vector<16xi32>
      %add3A_277 = arith.addi %add3A_273, %shift_right_logical3A_276 : vector<16xi32>
      %swap3A_278 = arith.index_cast %scan3A_158 : i32 to index
      %swap3A_279 = arith.constant 80 : index
      %swap3A_280 = tpu.vector_load %arg7[%swap3A_278, %swap3A_279] {strides = array<i32>} : memref<128x128xi32, #tpu.memory_space<vmem>>, vector<1x16xi32>,
      %swap3A_281 = vector.shape_cast %swap3A_280 : vector<1x16xi32> to vector<16xi32>
      %swap3A_282 = vector.shape_cast %add3A_277 : vector<16xi32> to vector<1x16xi32>
      tpu.vector_store %arg7[%swap3A_278, %swap3A_279], %swap3A_282 {strides = array<i32>} : memref<128x128xi32, #tpu.memory_space<vmem>>, vector<1x16xi32>,
      %get3A_283 = arith.index_cast %scan3A_158 : i32 to index
      %get3A_284 = arith.constant 96 : index
      %get3A_285 = tpu.vector_load %arg7[%get3A_283, %get3A_284] {strides = array<i32>} : memref<128x128xi32, #tpu.memory_space<vmem>>, vector<1x16xi32>,
      %get3A_286 = vector.shape_cast %get3A_285 : vector<1x16xi32> to vector<16xi32>
      %and3A_287 = arith.constant 4095 : i32
      %and3A_288 = vector.broadcast %and3A_287 : i32 to vector<16xi32>
      %and3A_289 = arith.andi %get3A_286, %and3A_288 : vector<16xi32>
      %mul3A_290 = arith.constant 2 : i32
      %mul3A_291 = vector.broadcast %mul3A_290 : i32 to vector<16xi32>
      %mul3A_292 = arith.muli %mul3A_291, %and3A_289 : vector<16xi32>
      %add3A_293 = vector.broadcast %mul3A_20 : i32 to vector<16xi32>
      %add3A_294 = arith.addi %add3A_293, %mul3A_292 : vector<16xi32>
      %shift_right_logical3A_295 = arith.constant 12 : i32
      %shift_right_logical3A_296 = vector.broadcast %shift_right_logical3A_295 : i32 to vector<16xi32>
      %shift_right_logical3A_297 = arith.shrui %get3A_286, %shift_right_logical3A_296 : vector<16xi32>
      %add3A_298 = arith.addi %add3A_294, %shift_right_logical3A_297 : vector<16xi32>
      %swap3A_299 = arith.index_cast %scan3A_158 : i32 to index
      %swap3A_300 = arith.constant 96 : index
      %swap3A_301 = tpu.vector_load %arg7[%swap3A_299, %swap3A_300] {strides = array<i32>} : memref<128x128xi32, #tpu.memory_space<vmem>>, vector<1x16xi32>,
      %swap3A_302 = vector.shape_cast %swap3A_301 : vector<1x16xi32> to vector<16xi32>
      %swap3A_303 = vector.shape_cast %add3A_298 : vector<16xi32> to vector<1x16xi32>
      tpu.vector_store %arg7[%swap3A_299, %swap3A_300], %swap3A_303 {strides = array<i32>} : memref<128x128xi32, #tpu.memory_space<vmem>>, vector<1x16xi32>,
      %get3A_304 = arith.index_cast %scan3A_158 : i32 to index
      %get3A_305 = arith.constant 112 : index
      %get3A_306 = tpu.vector_load %arg7[%get3A_304, %get3A_305] {strides = array<i32>} : memref<128x128xi32, #tpu.memory_space<vmem>>, vector<1x16xi32>,
      %get3A_307 = vector.shape_cast %get3A_306 : vector<1x16xi32> to vector<16xi32>
      %and3A_308 = arith.constant 4095 : i32
      %and3A_309 = vector.broadcast %and3A_308 : i32 to vector<16xi32>
      %and3A_310 = arith.andi %get3A_307, %and3A_309 : vector<16xi32>
      %mul3A_311 = arith.constant 2 : i32
      %mul3A_312 = vector.broadcast %mul3A_311 : i32 to vector<16xi32>
      %mul3A_313 = arith.muli %mul3A_312, %and3A_310 : vector<16xi32>
      %add3A_314 = vector.broadcast %mul3A_20 : i32 to vector<16xi32>
      %add3A_315 = arith.addi %add3A_314, %mul3A_313 : vector<16xi32>
      %shift_right_logical3A_316 = arith.constant 12 : i32
      %shift_right_logical3A_317 = vector.broadcast %shift_right_logical3A_316 : i32 to vector<16xi32>
      %shift_right_logical3A_318 = arith.shrui %get3A_307, %shift_right_logical3A_317 : vector<16xi32>
      %add3A_319 = arith.addi %add3A_315, %shift_right_logical3A_318 : vector<16xi32>
      %swap3A_320 = arith.index_cast %scan3A_158 : i32 to index
      %swap3A_321 = arith.constant 112 : index
      %swap3A_322 = tpu.vector_load %arg7[%swap3A_320, %swap3A_321] {strides = array<i32>} : memref<128x128xi32, #tpu.memory_space<vmem>>, vector<1x16xi32>,
      %swap3A_323 = vector.shape_cast %swap3A_322 : vector<1x16xi32> to vector<16xi32>
      %swap3A_324 = vector.shape_cast %add3A_319 : vector<16xi32> to vector<1x16xi32>
      tpu.vector_store %arg7[%swap3A_320, %swap3A_321], %swap3A_324 {strides = array<i32>} : memref<128x128xi32, #tpu.memory_space<vmem>>, vector<1x16xi32>,
    }
    %scan3A_25 = arith.constant 128 : i32
    %dma_start3A = arith.constant 0 : i32
    %dma_start3A_26 = arith.constant 0 : i32
    %dma_start3A_27 = arith.constant 0 : i32
    %dma_start3A_28 = tpu.memref_slice %arg8[%dma_start3A_26, %dma_start3A_27] : memref<512x64xf32, #tpu.memory_space<vmem>> -> memref<128x64xf32, #tpu.memory_space<vmem>>
    %dma_start3A_29 = arith.constant 0 : i32
    %dma_start3A_30 = tpu.memref_slice %arg7[%dma_start3A, %dma_start3A_29] : memref<128x128xi32, #tpu.memory_space<vmem>> -> memref<1x128xi32, #tpu.memory_space<vmem>>
    %dma_start3A_31 = tpu.memref_squeeze %dma_start3A_30 : memref<1x128xi32, #tpu.memory_space<vmem>> -> memref<128xi32, #tpu.memory_space<vmem>>
    %dma_start3A_32 = arith.constant 0 : i32
    %dma_start3A_33 = arith.constant 0 : i32
    %dma_start3A_34 = tpu.memref_slice %arg2[%dma_start3A_32, %dma_start3A_33] : memref<32768x64xf32, #tpu.memory_space<hbm>> -> memref<32768x64xf32, #tpu.memory_space<hbm>>
    tpu.enqueue_indirect_dma source(%dma_start3A_34 : memref<32768x64xf32, #tpu.memory_space<hbm>>) target(%dma_start3A_28 : memref<128x64xf32, #tpu.memory_space<vmem>>) offsets(%dma_start3A_31 : memref<128xi32, #tpu.memory_space<vmem>>) semaphore(%arg15 : memref<!tpu.dma_semaphore, #tpu.memory_space<semaphore_mem>>)
    %dma_start3A_35 = arith.constant 1 : i32
    %dma_start3A_36 = arith.constant 128 : i32
    %dma_start3A_37 = arith.constant 0 : i32
    %dma_start3A_38 = tpu.memref_slice %arg8[%dma_start3A_36, %dma_start3A_37] : memref<512x64xf32, #tpu.memory_space<vmem>> -> memref<128x64xf32, #tpu.memory_space<vmem>>
    %dma_start3A_39 = arith.constant 0 : i32
    %dma_start3A_40 = tpu.memref_slice %arg7[%dma_start3A_35, %dma_start3A_39] : memref<128x128xi32, #tpu.memory_space<vmem>> -> memref<1x128xi32, #tpu.memory_space<vmem>>
    %dma_start3A_41 = tpu.memref_squeeze %dma_start3A_40 : memref<1x128xi32, #tpu.memory_space<vmem>> -> memref<128xi32, #tpu.memory_space<vmem>>
    %dma_start3A_42 = arith.constant 0 : i32
    %dma_start3A_43 = arith.constant 0 : i32
    %dma_start3A_44 = tpu.memref_slice %arg2[%dma_start3A_42, %dma_start3A_43] : memref<32768x64xf32, #tpu.memory_space<hbm>> -> memref<32768x64xf32, #tpu.memory_space<hbm>>
    tpu.enqueue_indirect_dma source(%dma_start3A_44 : memref<32768x64xf32, #tpu.memory_space<hbm>>) target(%dma_start3A_38 : memref<128x64xf32, #tpu.memory_space<vmem>>) offsets(%dma_start3A_41 : memref<128xi32, #tpu.memory_space<vmem>>) semaphore(%arg15 : memref<!tpu.dma_semaphore, #tpu.memory_space<semaphore_mem>>)
    %dma_start3A_45 = arith.constant 2 : i32
    %dma_start3A_46 = arith.constant 256 : i32
    %dma_start3A_47 = arith.constant 0 : i32
    %dma_start3A_48 = tpu.memref_slice %arg8[%dma_start3A_46, %dma_start3A_47] : memref<512x64xf32, #tpu.memory_space<vmem>> -> memref<128x64xf32, #tpu.memory_space<vmem>>
    %dma_start3A_49 = arith.constant 0 : i32
    %dma_start3A_50 = tpu.memref_slice %arg7[%dma_start3A_45, %dma_start3A_49] : memref<128x128xi32, #tpu.memory_space<vmem>> -> memref<1x128xi32, #tpu.memory_space<vmem>>
    %dma_start3A_51 = tpu.memref_squeeze %dma_start3A_50 : memref<1x128xi32, #tpu.memory_space<vmem>> -> memref<128xi32, #tpu.memory_space<vmem>>
    %dma_start3A_52 = arith.constant 0 : i32
    %dma_start3A_53 = arith.constant 0 : i32
    %dma_start3A_54 = tpu.memref_slice %arg2[%dma_start3A_52, %dma_start3A_53] : memref<32768x64xf32, #tpu.memory_space<hbm>> -> memref<32768x64xf32, #tpu.memory_space<hbm>>
    tpu.enqueue_indirect_dma source(%dma_start3A_54 : memref<32768x64xf32, #tpu.memory_space<hbm>>) target(%dma_start3A_48 : memref<128x64xf32, #tpu.memory_space<vmem>>) offsets(%dma_start3A_51 : memref<128xi32, #tpu.memory_space<vmem>>) semaphore(%arg15 : memref<!tpu.dma_semaphore, #tpu.memory_space<semaphore_mem>>)
    %dma_start3A_55 = arith.constant 3 : i32
    %dma_start3A_56 = arith.constant 384 : i32
    %dma_start3A_57 = arith.constant 0 : i32
    %dma_start3A_58 = tpu.memref_slice %arg8[%dma_start3A_56, %dma_start3A_57] : memref<512x64xf32, #tpu.memory_space<vmem>> -> memref<128x64xf32, #tpu.memory_space<vmem>>
    %dma_start3A_59 = arith.constant 0 : i32
    %dma_start3A_60 = tpu.memref_slice %arg7[%dma_start3A_55, %dma_start3A_59] : memref<128x128xi32, #tpu.memory_space<vmem>> -> memref<1x128xi32, #tpu.memory_space<vmem>>
    %dma_start3A_61 = tpu.memref_squeeze %dma_start3A_60 : memref<1x128xi32, #tpu.memory_space<vmem>> -> memref<128xi32, #tpu.memory_space<vmem>>
    %dma_start3A_62 = arith.constant 0 : i32
    %dma_start3A_63 = arith.constant 0 : i32
    %dma_start3A_64 = tpu.memref_slice %arg2[%dma_start3A_62, %dma_start3A_63] : memref<32768x64xf32, #tpu.memory_space<hbm>> -> memref<32768x64xf32, #tpu.memory_space<hbm>>
    tpu.enqueue_indirect_dma source(%dma_start3A_64 : memref<32768x64xf32, #tpu.memory_space<hbm>>) target(%dma_start3A_58 : memref<128x64xf32, #tpu.memory_space<vmem>>) offsets(%dma_start3A_61 : memref<128xi32, #tpu.memory_space<vmem>>) semaphore(%arg15 : memref<!tpu.dma_semaphore, #tpu.memory_space<semaphore_mem>>)
    %broadcast_in_dim3A = arith.constant 0.000000e+00 : f32
    %broadcast_in_dim3A_65 = vector.broadcast %broadcast_in_dim3A : f32 to vector<16xf32>
    %scan3A_66 = arith.constant 0 : i32
    %scan3A_67 = arith.constant 16 : i32
    %scan3A_68 = arith.addi %scan3A_66, %scan3A_67 : i32
    %scan3A_69 = arith.constant 1 : i32
    %scan3A_70:4 = scf.for %scan3A_158 = %scan3A_66 to %scan3A_68 step %scan3A_69 iter_args(%scan3A_159 = %broadcast_in_dim3A_65, %scan3A_160 = %broadcast_in_dim3A_65, %scan3A_161 = %broadcast_in_dim3A_65, %scan3A_162 = %broadcast_in_dim3A_65) -> (vector<16xf32>, vector<16xf32>, vector<16xf32>, vector<16xf32>)  : i32 {
      %mul3A_163 = arith.constant 2 : i32
      %mul3A_164 = arith.muli %scan3A_158, %mul3A_163 : i32
      %dma_wait3A_165 = arith.constant 0 : i32
      %dma_wait3A_166 = arith.constant 0 : i32
      %dma_wait3A_167 = tpu.memref_slice %arg2[%dma_wait3A_165, %dma_wait3A_166] : memref<32768x64xf32, #tpu.memory_space<hbm>> -> memref<512x64xf32, #tpu.memory_space<hbm>>
      %dma_wait3A_168 = arith.constant 0 : i32
      %dma_wait3A_169 = arith.constant 0 : i32
      %dma_wait3A_170 = tpu.memref_slice %arg2[%dma_wait3A_168, %dma_wait3A_169] : memref<32768x64xf32, #tpu.memory_space<hbm>> -> memref<512x64xf32, #tpu.memory_space<hbm>>
      tpu.wait_dma2 semaphore(%arg15 : memref<!tpu.dma_semaphore, #tpu.memory_space<semaphore_mem>>) src(%dma_wait3A_170 : memref<512x64xf32, #tpu.memory_space<hbm>>) dst(%arg8 : memref<512x64xf32, #tpu.memory_space<vmem>>)
      %add3A_171 = arith.constant 1 : i32
      %add3A_172 = arith.addi %mul3A_164, %add3A_171 : i32
      %mul3A_173 = arith.constant 4 : i32
      %mul3A_174 = arith.muli %add3A_172, %mul3A_173 : i32
      %add3A_175 = arith.constant 0 : i32
      %add3A_176 = arith.addi %mul3A_174, %add3A_175 : i32
      %dma_start3A_177 = arith.constant 0 : i32
      %dma_start3A_178 = arith.constant 0 : i32
      %dma_start3A_179 = tpu.memref_slice %arg9[%dma_start3A_177, %dma_start3A_178] : memref<512x64xf32, #tpu.memory_space<vmem>> -> memref<128x64xf32, #tpu.memory_space<vmem>>
      %dma_start3A_180 = arith.constant 0 : i32
      %dma_start3A_181 = tpu.memref_slice %arg7[%add3A_176, %dma_start3A_180] : memref<128x128xi32, #tpu.memory_space<vmem>> -> memref<1x128xi32, #tpu.memory_space<vmem>>
      %dma_start3A_182 = tpu.memref_squeeze %dma_start3A_181 : memref<1x128xi32, #tpu.memory_space<vmem>> -> memref<128xi32, #tpu.memory_space<vmem>>
      %dma_start3A_183 = arith.constant 0 : i32
      %dma_start3A_184 = arith.constant 0 : i32
      %dma_start3A_185 = tpu.memref_slice %arg2[%dma_start3A_183, %dma_start3A_184] : memref<32768x64xf32, #tpu.memory_space<hbm>> -> memref<32768x64xf32, #tpu.memory_space<hbm>>
      tpu.enqueue_indirect_dma source(%dma_start3A_185 : memref<32768x64xf32, #tpu.memory_space<hbm>>) target(%dma_start3A_179 : memref<128x64xf32, #tpu.memory_space<vmem>>) offsets(%dma_start3A_182 : memref<128xi32, #tpu.memory_space<vmem>>) semaphore(%arg16 : memref<!tpu.dma_semaphore, #tpu.memory_space<semaphore_mem>>)
      %mul3A_186 = arith.constant 4 : i32
      %mul3A_187 = arith.muli %add3A_172, %mul3A_186 : i32
      %add3A_188 = arith.constant 1 : i32
      %add3A_189 = arith.addi %mul3A_187, %add3A_188 : i32
      %dma_start3A_190 = arith.constant 128 : i32
      %dma_start3A_191 = arith.constant 0 : i32
      %dma_start3A_192 = tpu.memref_slice %arg9[%dma_start3A_190, %dma_start3A_191] : memref<512x64xf32, #tpu.memory_space<vmem>> -> memref<128x64xf32, #tpu.memory_space<vmem>>
      %dma_start3A_193 = arith.constant 0 : i32
      %dma_start3A_194 = tpu.memref_slice %arg7[%add3A_189, %dma_start3A_193] : memref<128x128xi32, #tpu.memory_space<vmem>> -> memref<1x128xi32, #tpu.memory_space<vmem>>
      %dma_start3A_195 = tpu.memref_squeeze %dma_start3A_194 : memref<1x128xi32, #tpu.memory_space<vmem>> -> memref<128xi32, #tpu.memory_space<vmem>>
      %dma_start3A_196 = arith.constant 0 : i32
      %dma_start3A_197 = arith.constant 0 : i32
      %dma_start3A_198 = tpu.memref_slice %arg2[%dma_start3A_196, %dma_start3A_197] : memref<32768x64xf32, #tpu.memory_space<hbm>> -> memref<32768x64xf32, #tpu.memory_space<hbm>>
      tpu.enqueue_indirect_dma source(%dma_start3A_198 : memref<32768x64xf32, #tpu.memory_space<hbm>>) target(%dma_start3A_192 : memref<128x64xf32, #tpu.memory_space<vmem>>) offsets(%dma_start3A_195 : memref<128xi32, #tpu.memory_space<vmem>>) semaphore(%arg16 : memref<!tpu.dma_semaphore, #tpu.memory_space<semaphore_mem>>)
      %mul3A_199 = arith.constant 4 : i32
      %mul3A_200 = arith.muli %add3A_172, %mul3A_199 : i32
      %add3A_201 = arith.constant 2 : i32
      %add3A_202 = arith.addi %mul3A_200, %add3A_201 : i32
      %dma_start3A_203 = arith.constant 256 : i32
      %dma_start3A_204 = arith.constant 0 : i32
      %dma_start3A_205 = tpu.memref_slice %arg9[%dma_start3A_203, %dma_start3A_204] : memref<512x64xf32, #tpu.memory_space<vmem>> -> memref<128x64xf32, #tpu.memory_space<vmem>>
      %dma_start3A_206 = arith.constant 0 : i32
      %dma_start3A_207 = tpu.memref_slice %arg7[%add3A_202, %dma_start3A_206] : memref<128x128xi32, #tpu.memory_space<vmem>> -> memref<1x128xi32, #tpu.memory_space<vmem>>
      %dma_start3A_208 = tpu.memref_squeeze %dma_start3A_207 : memref<1x128xi32, #tpu.memory_space<vmem>> -> memref<128xi32, #tpu.memory_space<vmem>>
      %dma_start3A_209 = arith.constant 0 : i32
      %dma_start3A_210 = arith.constant 0 : i32
      %dma_start3A_211 = tpu.memref_slice %arg2[%dma_start3A_209, %dma_start3A_210] : memref<32768x64xf32, #tpu.memory_space<hbm>> -> memref<32768x64xf32, #tpu.memory_space<hbm>>
      tpu.enqueue_indirect_dma source(%dma_start3A_211 : memref<32768x64xf32, #tpu.memory_space<hbm>>) target(%dma_start3A_205 : memref<128x64xf32, #tpu.memory_space<vmem>>) offsets(%dma_start3A_208 : memref<128xi32, #tpu.memory_space<vmem>>) semaphore(%arg16 : memref<!tpu.dma_semaphore, #tpu.memory_space<semaphore_mem>>)
      %mul3A_212 = arith.constant 4 : i32
      %mul3A_213 = arith.muli %add3A_172, %mul3A_212 : i32
      %add3A_214 = arith.constant 3 : i32
      %add3A_215 = arith.addi %mul3A_213, %add3A_214 : i32
      %dma_start3A_216 = arith.constant 384 : i32
      %dma_start3A_217 = arith.constant 0 : i32
      %dma_start3A_218 = tpu.memref_slice %arg9[%dma_start3A_216, %dma_start3A_217] : memref<512x64xf32, #tpu.memory_space<vmem>> -> memref<128x64xf32, #tpu.memory_space<vmem>>
      %dma_start3A_219 = arith.constant 0 : i32
      %dma_start3A_220 = tpu.memref_slice %arg7[%add3A_215, %dma_start3A_219] : memref<128x128xi32, #tpu.memory_space<vmem>> -> memref<1x128xi32, #tpu.memory_space<vmem>>
      %dma_start3A_221 = tpu.memref_squeeze %dma_start3A_220 : memref<1x128xi32, #tpu.memory_space<vmem>> -> memref<128xi32, #tpu.memory_space<vmem>>
      %dma_start3A_222 = arith.constant 0 : i32
      %dma_start3A_223 = arith.constant 0 : i32
      %dma_start3A_224 = tpu.memref_slice %arg2[%dma_start3A_222, %dma_start3A_223] : memref<32768x64xf32, #tpu.memory_space<hbm>> -> memref<32768x64xf32, #tpu.memory_space<hbm>>
      tpu.enqueue_indirect_dma source(%dma_start3A_224 : memref<32768x64xf32, #tpu.memory_space<hbm>>) target(%dma_start3A_218 : memref<128x64xf32, #tpu.memory_space<vmem>>) offsets(%dma_start3A_221 : memref<128xi32, #tpu.memory_space<vmem>>) semaphore(%arg16 : memref<!tpu.dma_semaphore, #tpu.memory_space<semaphore_mem>>)
      %jit3A_225 = arith.constant 8 : i32
      %div3A_226 = arith.divsi %add3A, %jit3A_225 : i32
      %sign3A_227 = arith.constant 0 : i32
      %sign3A_228 = arith.cmpi sgt, %add3A, %sign3A_227 : i32
      %sign3A_229 = arith.extui %sign3A_228 : i1 to i32
      %sign3A_230 = arith.constant 0 : i32
      %sign3A_231 = arith.cmpi slt, %add3A, %sign3A_230 : i32
      %sign3A_232 = arith.extui %sign3A_231 : i1 to i32
      %sign3A_233 = arith.subi %sign3A_229, %sign3A_232 : i32
      %sign3A_234 = arith.constant 0 : i32
      %sign3A_235 = arith.cmpi sgt, %jit3A_225, %sign3A_234 : i32
      %sign3A_236 = arith.extui %sign3A_235 : i1 to i32
      %sign3A_237 = arith.constant 0 : i32
      %sign3A_238 = arith.cmpi slt, %jit3A_225, %sign3A_237 : i32
      %sign3A_239 = arith.extui %sign3A_238 : i1 to i32
      %sign3A_240 = arith.subi %sign3A_236, %sign3A_239 : i32
      %ne3A_241 = arith.cmpi ne, %sign3A_233, %sign3A_240 : i32
      %rem3A_242 = arith.remsi %add3A, %jit3A_225 : i32
      %ne3A_243 = arith.constant 0 : i32
      %ne3A_244 = arith.cmpi ne, %rem3A_242, %ne3A_243 : i32
      %and3A_245 = arith.andi %ne3A_241, %ne3A_244 : i1
      %sub3A_246 = arith.constant 1 : i32
      %sub3A_247 = arith.subi %div3A_226, %sub3A_246 : i32
      %select_n3A_248 = arith.select %and3A_245, %sub3A_247, %div3A_226 : i32
      %mul3A_249 = arith.constant 4096 : i32
      %mul3A_250 = arith.muli %select_n3A_248, %mul3A_249 : i32
      %jit3A_251 = arith.constant 4 : i32
      %eq3A_252 = arith.constant 0 : i32
      %eq3A_253 = arith.cmpi eq, %jit3A_251, %eq3A_252 : i32
      %jit3A_254 = arith.constant 1 : i32
      %select_n3A_255 = arith.select %eq3A_253, %jit3A_254, %jit3A_251 : i32
      %rem3A_256 = arith.remsi %add3A, %select_n3A_255 : i32
      %ne3A_257 = arith.constant 0 : i32
      %ne3A_258 = arith.cmpi ne, %rem3A_256, %ne3A_257 : i32
      %lt3A_259 = arith.constant 0 : i32
      %lt3A_260 = arith.cmpi slt, %rem3A_256, %lt3A_259 : i32
      %lt3A_261 = arith.constant 0 : i32
      %lt3A_262 = arith.cmpi slt, %select_n3A_255, %lt3A_261 : i32
      %ne3A_263 = arith.xori %lt3A_260, %lt3A_262 : i1
      %and3A_264 = arith.andi %ne3A_263, %ne3A_258 : i1
      %add3A_265 = arith.addi %rem3A_256, %select_n3A_255 : i32
      %select_n3A_266 = arith.select %and3A_264, %add3A_265, %rem3A_256 : i32
      %mul3A_267 = arith.constant 1024 : i32
      %mul3A_268 = arith.muli %select_n3A_266, %mul3A_267 : i32
      %add3A_269 = arith.addi %mul3A_250, %mul3A_268 : i32
      %mul3A_270 = arith.constant 32 : i32
      %mul3A_271 = arith.muli %mul3A_164, %mul3A_270 : i32
      %add3A_272 = arith.addi %add3A_269, %mul3A_271 : i32
      %jit3A_273 = arith.constant 8 : i32
      %eq3A_274 = arith.constant 0 : i32
      %eq3A_275 = arith.cmpi eq, %jit3A_273, %eq3A_274 : i32
      %jit3A_276 = arith.constant 1 : i32
      %select_n3A_277 = arith.select %eq3A_275, %jit3A_276, %jit3A_273 : i32
      %rem3A_278 = arith.remsi %add3A, %select_n3A_277 : i32
      %ne3A_279 = arith.constant 0 : i32
      %ne3A_280 = arith.cmpi ne, %rem3A_278, %ne3A_279 : i32
      %lt3A_281 = arith.constant 0 : i32
      %lt3A_282 = arith.cmpi slt, %rem3A_278, %lt3A_281 : i32
      %lt3A_283 = arith.constant 0 : i32
      %lt3A_284 = arith.cmpi slt, %select_n3A_277, %lt3A_283 : i32
      %ne3A_285 = arith.xori %lt3A_282, %lt3A_284 : i1
      %and3A_286 = arith.andi %ne3A_285, %ne3A_280 : i1
      %add3A_287 = arith.addi %rem3A_278, %select_n3A_277 : i32
      %select_n3A_288 = arith.select %and3A_286, %add3A_287, %rem3A_278 : i32
      %jit3A_289 = arith.constant 4 : i32
      %div3A_290 = arith.divsi %select_n3A_288, %jit3A_289 : i32
      %sign3A_291 = arith.constant 0 : i32
      %sign3A_292 = arith.cmpi sgt, %select_n3A_288, %sign3A_291 : i32
      %sign3A_293 = arith.extui %sign3A_292 : i1 to i32
      %sign3A_294 = arith.constant 0 : i32
      %sign3A_295 = arith.cmpi slt, %select_n3A_288, %sign3A_294 : i32
      %sign3A_296 = arith.extui %sign3A_295 : i1 to i32
      %sign3A_297 = arith.subi %sign3A_293, %sign3A_296 : i32
      %sign3A_298 = arith.constant 0 : i32
      %sign3A_299 = arith.cmpi sgt, %jit3A_289, %sign3A_298 : i32
      %sign3A_300 = arith.extui %sign3A_299 : i1 to i32
      %sign3A_301 = arith.constant 0 : i32
      %sign3A_302 = arith.cmpi slt, %jit3A_289, %sign3A_301 : i32
      %sign3A_303 = arith.extui %sign3A_302 : i1 to i32
      %sign3A_304 = arith.subi %sign3A_300, %sign3A_303 : i32
      %ne3A_305 = arith.cmpi ne, %sign3A_297, %sign3A_304 : i32
      %rem3A_306 = arith.remsi %select_n3A_288, %jit3A_289 : i32
      %ne3A_307 = arith.constant 0 : i32
      %ne3A_308 = arith.cmpi ne, %rem3A_306, %ne3A_307 : i32
      %and3A_309 = arith.andi %ne3A_305, %ne3A_308 : i1
      %sub3A_310 = arith.constant 1 : i32
      %sub3A_311 = arith.subi %div3A_290, %sub3A_310 : i32
      %select_n3A_312 = arith.select %and3A_309, %sub3A_311, %div3A_290 : i32
      %mul3A_313 = arith.constant 64 : i32
      %mul3A_314 = arith.muli %select_n3A_312, %mul3A_313 : i32
      %ge3A = arith.constant 2 : i32
      %ge3A_315 = arith.cmpi sge, %mul3A_164, %ge3A : i32
      %convert_element_type3A = arith.extui %ge3A_315 : i1 to i32
      %cond3A = arith.constant 0 : i32
      %cond3A_316 = arith.cmpi ne, %convert_element_type3A, %cond3A : i32
      scf.if %cond3A_316 {
        %dma_wait3A_440 = tpu.memref_slice %arg4[%add3A_272, %mul3A_314] : memref<16384x128xf32, #tpu.memory_space<hbm>> -> memref<32x64xf32, #tpu.memory_space<hbm>>
        %dma_wait3A_441 = tpu.memref_slice %arg4[%add3A_272, %mul3A_314] : memref<16384x128xf32, #tpu.memory_space<hbm>> -> memref<32x64xf32, #tpu.memory_space<hbm>>
        tpu.wait_dma2 semaphore(%arg17 : memref<!tpu.dma_semaphore, #tpu.memory_space<semaphore_mem>>) src(%arg10 : memref<32x64xf32, #tpu.memory_space<vmem>>) dst(%dma_wait3A_441 : memref<32x64xf32, #tpu.memory_space<hbm>>)
        %dma_wait3A_442 = tpu.memref_slice %arg5[%add3A_272, %mul3A_314] : memref<16384x128xf32, #tpu.memory_space<hbm>> -> memref<32x64xf32, #tpu.memory_space<hbm>>
        %dma_wait3A_443 = tpu.memref_slice %arg5[%add3A_272, %mul3A_314] : memref<16384x128xf32, #tpu.memory_space<hbm>> -> memref<32x64xf32, #tpu.memory_space<hbm>>
        tpu.wait_dma2 semaphore(%arg17 : memref<!tpu.dma_semaphore, #tpu.memory_space<semaphore_mem>>) src(%arg11 : memref<32x64xf32, #tpu.memory_space<vmem>>) dst(%dma_wait3A_443 : memref<32x64xf32, #tpu.memory_space<hbm>>)
      } else {
      }
      %parallel_loop3A = arith.constant 0 : i32
      %parallel_loop3A_317 = arith.constant 32 : i32
      %parallel_loop3A_318 = arith.constant 1 : i32
      %parallel_loop3A_319:4 = scf.for %parallel_loop3A_440 = %parallel_loop3A to %parallel_loop3A_317 step %parallel_loop3A_318 iter_args(%parallel_loop3A_441 = %scan3A_159, %parallel_loop3A_442 = %scan3A_160, %parallel_loop3A_443 = %scan3A_161, %parallel_loop3A_444 = %scan3A_162) -> (vector<16xf32>, vector<16xf32>, vector<16xf32>, vector<16xf32>)  : i32 {
        %parallel_loop3A_445 = arith.constant 16 : i32
        %parallel_loop3A_446 = arith.muli %parallel_loop3A_440, %parallel_loop3A_445 : i32
        %parallel_loop3A_447 = arith.index_cast %parallel_loop3A_446 : i32 to index
        %parallel_loop3A_448 = arith.constant 0 : index
        %parallel_loop3A_449 = tpu.vector_load %arg8[%parallel_loop3A_447, %parallel_loop3A_448] {strides = array<i32>} : memref<512x64xf32, #tpu.memory_space<vmem>>, vector<1x16xf32>,
        %parallel_loop3A_450 = vector.shape_cast %parallel_loop3A_449 : vector<1x16xf32> to vector<16xf32>
        %parallel_loop3A_451 = arith.mulf %parallel_loop3A_450, %parallel_loop3A_450 : vector<16xf32>
        %parallel_loop3A_452 = arith.constant 1 : i32
        %parallel_loop3A_453 = arith.addi %parallel_loop3A_446, %parallel_loop3A_452 : i32
        %parallel_loop3A_454 = arith.index_cast %parallel_loop3A_453 : i32 to index
        %parallel_loop3A_455 = arith.constant 0 : index
        %parallel_loop3A_456 = tpu.vector_load %arg8[%parallel_loop3A_454, %parallel_loop3A_455] {strides = array<i32>} : memref<512x64xf32, #tpu.memory_space<vmem>>, vector<1x16xf32>,
        %parallel_loop3A_457 = vector.shape_cast %parallel_loop3A_456 : vector<1x16xf32> to vector<16xf32>
        %parallel_loop3A_458 = arith.maximumf %parallel_loop3A_450, %parallel_loop3A_457 : vector<16xf32>
        %parallel_loop3A_459 = arith.addf %parallel_loop3A_450, %parallel_loop3A_457 : vector<16xf32>
        %parallel_loop3A_460 = arith.mulf %parallel_loop3A_457, %parallel_loop3A_457 : vector<16xf32>
        %parallel_loop3A_461 = arith.addf %parallel_loop3A_451, %parallel_loop3A_460 : vector<16xf32>
        %parallel_loop3A_462 = arith.constant 2 : i32
        %parallel_loop3A_463 = arith.addi %parallel_loop3A_446, %parallel_loop3A_462 : i32
        %parallel_loop3A_464 = arith.index_cast %parallel_loop3A_463 : i32 to index
        %parallel_loop3A_465 = arith.constant 0 : index
        %parallel_loop3A_466 = tpu.vector_load %arg8[%parallel_loop3A_464, %parallel_loop3A_465] {strides = array<i32>} : memref<512x64xf32, #tpu.memory_space<vmem>>, vector<1x16xf32>,
        %parallel_loop3A_467 = vector.shape_cast %parallel_loop3A_466 : vector<1x16xf32> to vector<16xf32>
        %parallel_loop3A_468 = arith.maximumf %parallel_loop3A_458, %parallel_loop3A_467 : vector<16xf32>
        %parallel_loop3A_469 = arith.addf %parallel_loop3A_459, %parallel_loop3A_467 : vector<16xf32>
        %parallel_loop3A_470 = arith.mulf %parallel_loop3A_467, %parallel_loop3A_467 : vector<16xf32>
        %parallel_loop3A_471 = arith.addf %parallel_loop3A_461, %parallel_loop3A_470 : vector<16xf32>
        %parallel_loop3A_472 = arith.constant 3 : i32
        %parallel_loop3A_473 = arith.addi %parallel_loop3A_446, %parallel_loop3A_472 : i32
        %parallel_loop3A_474 = arith.index_cast %parallel_loop3A_473 : i32 to index
        %parallel_loop3A_475 = arith.constant 0 : index
        %parallel_loop3A_476 = tpu.vector_load %arg8[%parallel_loop3A_474, %parallel_loop3A_475] {strides = array<i32>} : memref<512x64xf32, #tpu.memory_space<vmem>>, vector<1x16xf32>,
        %parallel_loop3A_477 = vector.shape_cast %parallel_loop3A_476 : vector<1x16xf32> to vector<16xf32>
        %parallel_loop3A_478 = arith.maximumf %parallel_loop3A_468, %parallel_loop3A_477 : vector<16xf32>
        %parallel_loop3A_479 = arith.addf %parallel_loop3A_469, %parallel_loop3A_477 : vector<16xf32>
        %parallel_loop3A_480 = arith.mulf %parallel_loop3A_477, %parallel_loop3A_477 : vector<16xf32>
        %parallel_loop3A_481 = arith.addf %parallel_loop3A_471, %parallel_loop3A_480 : vector<16xf32>
        %parallel_loop3A_482 = arith.constant 4 : i32
        %parallel_loop3A_483 = arith.addi %parallel_loop3A_446, %parallel_loop3A_482 : i32
        %parallel_loop3A_484 = arith.index_cast %parallel_loop3A_483 : i32 to index
        %parallel_loop3A_485 = arith.constant 0 : index
        %parallel_loop3A_486 = tpu.vector_load %arg8[%parallel_loop3A_484, %parallel_loop3A_485] {strides = array<i32>} : memref<512x64xf32, #tpu.memory_space<vmem>>, vector<1x16xf32>,
        %parallel_loop3A_487 = vector.shape_cast %parallel_loop3A_486 : vector<1x16xf32> to vector<16xf32>
        %parallel_loop3A_488 = arith.maximumf %parallel_loop3A_478, %parallel_loop3A_487 : vector<16xf32>
        %parallel_loop3A_489 = arith.addf %parallel_loop3A_479, %parallel_loop3A_487 : vector<16xf32>
        %parallel_loop3A_490 = arith.mulf %parallel_loop3A_487, %parallel_loop3A_487 : vector<16xf32>
        %parallel_loop3A_491 = arith.addf %parallel_loop3A_481, %parallel_loop3A_490 : vector<16xf32>
        %parallel_loop3A_492 = arith.constant 5 : i32
        %parallel_loop3A_493 = arith.addi %parallel_loop3A_446, %parallel_loop3A_492 : i32
        %parallel_loop3A_494 = arith.index_cast %parallel_loop3A_493 : i32 to index
        %parallel_loop3A_495 = arith.constant 0 : index
        %parallel_loop3A_496 = tpu.vector_load %arg8[%parallel_loop3A_494, %parallel_loop3A_495] {strides = array<i32>} : memref<512x64xf32, #tpu.memory_space<vmem>>, vector<1x16xf32>,
        %parallel_loop3A_497 = vector.shape_cast %parallel_loop3A_496 : vector<1x16xf32> to vector<16xf32>
        %parallel_loop3A_498 = arith.maximumf %parallel_loop3A_488, %parallel_loop3A_497 : vector<16xf32>
        %parallel_loop3A_499 = arith.addf %parallel_loop3A_489, %parallel_loop3A_497 : vector<16xf32>
        %parallel_loop3A_500 = arith.mulf %parallel_loop3A_497, %parallel_loop3A_497 : vector<16xf32>
        %parallel_loop3A_501 = arith.addf %parallel_loop3A_491, %parallel_loop3A_500 : vector<16xf32>
        %parallel_loop3A_502 = arith.constant 6 : i32
        %parallel_loop3A_503 = arith.addi %parallel_loop3A_446, %parallel_loop3A_502 : i32
        %parallel_loop3A_504 = arith.index_cast %parallel_loop3A_503 : i32 to index
        %parallel_loop3A_505 = arith.constant 0 : index
        %parallel_loop3A_506 = tpu.vector_load %arg8[%parallel_loop3A_504, %parallel_loop3A_505] {strides = array<i32>} : memref<512x64xf32, #tpu.memory_space<vmem>>, vector<1x16xf32>,
        %parallel_loop3A_507 = vector.shape_cast %parallel_loop3A_506 : vector<1x16xf32> to vector<16xf32>
        %parallel_loop3A_508 = arith.maximumf %parallel_loop3A_498, %parallel_loop3A_507 : vector<16xf32>
        %parallel_loop3A_509 = arith.addf %parallel_loop3A_499, %parallel_loop3A_507 : vector<16xf32>
        %parallel_loop3A_510 = arith.mulf %parallel_loop3A_507, %parallel_loop3A_507 : vector<16xf32>
        %parallel_loop3A_511 = arith.addf %parallel_loop3A_501, %parallel_loop3A_510 : vector<16xf32>
        %parallel_loop3A_512 = arith.constant 7 : i32
        %parallel_loop3A_513 = arith.addi %parallel_loop3A_446, %parallel_loop3A_512 : i32
        %parallel_loop3A_514 = arith.index_cast %parallel_loop3A_513 : i32 to index
        %parallel_loop3A_515 = arith.constant 0 : index
        %parallel_loop3A_516 = tpu.vector_load %arg8[%parallel_loop3A_514, %parallel_loop3A_515] {strides = array<i32>} : memref<512x64xf32, #tpu.memory_space<vmem>>, vector<1x16xf32>,
        %parallel_loop3A_517 = vector.shape_cast %parallel_loop3A_516 : vector<1x16xf32> to vector<16xf32>
        %parallel_loop3A_518 = arith.maximumf %parallel_loop3A_508, %parallel_loop3A_517 : vector<16xf32>
        %parallel_loop3A_519 = arith.addf %parallel_loop3A_509, %parallel_loop3A_517 : vector<16xf32>
        %parallel_loop3A_520 = arith.mulf %parallel_loop3A_517, %parallel_loop3A_517 : vector<16xf32>
        %parallel_loop3A_521 = arith.addf %parallel_loop3A_511, %parallel_loop3A_520 : vector<16xf32>
        %parallel_loop3A_522 = arith.constant 8 : i32
        %parallel_loop3A_523 = arith.addi %parallel_loop3A_446, %parallel_loop3A_522 : i32
        %parallel_loop3A_524 = arith.index_cast %parallel_loop3A_523 : i32 to index
        %parallel_loop3A_525 = arith.constant 0 : index
        %parallel_loop3A_526 = tpu.vector_load %arg8[%parallel_loop3A_524, %parallel_loop3A_525] {strides = array<i32>} : memref<512x64xf32, #tpu.memory_space<vmem>>, vector<1x16xf32>,
        %parallel_loop3A_527 = vector.shape_cast %parallel_loop3A_526 : vector<1x16xf32> to vector<16xf32>
        %parallel_loop3A_528 = arith.maximumf %parallel_loop3A_518, %parallel_loop3A_527 : vector<16xf32>
        %parallel_loop3A_529 = arith.addf %parallel_loop3A_519, %parallel_loop3A_527 : vector<16xf32>
        %parallel_loop3A_530 = arith.mulf %parallel_loop3A_527, %parallel_loop3A_527 : vector<16xf32>
        %parallel_loop3A_531 = arith.addf %parallel_loop3A_521, %parallel_loop3A_530 : vector<16xf32>
        %parallel_loop3A_532 = arith.constant 9 : i32
        %parallel_loop3A_533 = arith.addi %parallel_loop3A_446, %parallel_loop3A_532 : i32
        %parallel_loop3A_534 = arith.index_cast %parallel_loop3A_533 : i32 to index
        %parallel_loop3A_535 = arith.constant 0 : index
        %parallel_loop3A_536 = tpu.vector_load %arg8[%parallel_loop3A_534, %parallel_loop3A_535] {strides = array<i32>} : memref<512x64xf32, #tpu.memory_space<vmem>>, vector<1x16xf32>,
        %parallel_loop3A_537 = vector.shape_cast %parallel_loop3A_536 : vector<1x16xf32> to vector<16xf32>
        %parallel_loop3A_538 = arith.maximumf %parallel_loop3A_528, %parallel_loop3A_537 : vector<16xf32>
        %parallel_loop3A_539 = arith.addf %parallel_loop3A_529, %parallel_loop3A_537 : vector<16xf32>
        %parallel_loop3A_540 = arith.mulf %parallel_loop3A_537, %parallel_loop3A_537 : vector<16xf32>
        %parallel_loop3A_541 = arith.addf %parallel_loop3A_531, %parallel_loop3A_540 : vector<16xf32>
        %parallel_loop3A_542 = arith.constant 10 : i32
        %parallel_loop3A_543 = arith.addi %parallel_loop3A_446, %parallel_loop3A_542 : i32
        %parallel_loop3A_544 = arith.index_cast %parallel_loop3A_543 : i32 to index
        %parallel_loop3A_545 = arith.constant 0 : index
        %parallel_loop3A_546 = tpu.vector_load %arg8[%parallel_loop3A_544, %parallel_loop3A_545] {strides = array<i32>} : memref<512x64xf32, #tpu.memory_space<vmem>>, vector<1x16xf32>,
        %parallel_loop3A_547 = vector.shape_cast %parallel_loop3A_546 : vector<1x16xf32> to vector<16xf32>
        %parallel_loop3A_548 = arith.maximumf %parallel_loop3A_538, %parallel_loop3A_547 : vector<16xf32>
        %parallel_loop3A_549 = arith.addf %parallel_loop3A_539, %parallel_loop3A_547 : vector<16xf32>
        %parallel_loop3A_550 = arith.mulf %parallel_loop3A_547, %parallel_loop3A_547 : vector<16xf32>
        %parallel_loop3A_551 = arith.addf %parallel_loop3A_541, %parallel_loop3A_550 : vector<16xf32>
        %parallel_loop3A_552 = arith.constant 11 : i32
        %parallel_loop3A_553 = arith.addi %parallel_loop3A_446, %parallel_loop3A_552 : i32
        %parallel_loop3A_554 = arith.index_cast %parallel_loop3A_553 : i32 to index
        %parallel_loop3A_555 = arith.constant 0 : index
        %parallel_loop3A_556 = tpu.vector_load %arg8[%parallel_loop3A_554, %parallel_loop3A_555] {strides = array<i32>} : memref<512x64xf32, #tpu.memory_space<vmem>>, vector<1x16xf32>,
        %parallel_loop3A_557 = vector.shape_cast %parallel_loop3A_556 : vector<1x16xf32> to vector<16xf32>
        %parallel_loop3A_558 = arith.maximumf %parallel_loop3A_548, %parallel_loop3A_557 : vector<16xf32>
        %parallel_loop3A_559 = arith.addf %parallel_loop3A_549, %parallel_loop3A_557 : vector<16xf32>
        %parallel_loop3A_560 = arith.mulf %parallel_loop3A_557, %parallel_loop3A_557 : vector<16xf32>
        %parallel_loop3A_561 = arith.addf %parallel_loop3A_551, %parallel_loop3A_560 : vector<16xf32>
        %parallel_loop3A_562 = arith.constant 12 : i32
        %parallel_loop3A_563 = arith.addi %parallel_loop3A_446, %parallel_loop3A_562 : i32
        %parallel_loop3A_564 = arith.index_cast %parallel_loop3A_563 : i32 to index
        %parallel_loop3A_565 = arith.constant 0 : index
        %parallel_loop3A_566 = tpu.vector_load %arg8[%parallel_loop3A_564, %parallel_loop3A_565] {strides = array<i32>} : memref<512x64xf32, #tpu.memory_space<vmem>>, vector<1x16xf32>,
        %parallel_loop3A_567 = vector.shape_cast %parallel_loop3A_566 : vector<1x16xf32> to vector<16xf32>
        %parallel_loop3A_568 = arith.maximumf %parallel_loop3A_558, %parallel_loop3A_567 : vector<16xf32>
        %parallel_loop3A_569 = arith.addf %parallel_loop3A_559, %parallel_loop3A_567 : vector<16xf32>
        %parallel_loop3A_570 = arith.mulf %parallel_loop3A_567, %parallel_loop3A_567 : vector<16xf32>
        %parallel_loop3A_571 = arith.addf %parallel_loop3A_561, %parallel_loop3A_570 : vector<16xf32>
        %parallel_loop3A_572 = arith.constant 13 : i32
        %parallel_loop3A_573 = arith.addi %parallel_loop3A_446, %parallel_loop3A_572 : i32
        %parallel_loop3A_574 = arith.index_cast %parallel_loop3A_573 : i32 to index
        %parallel_loop3A_575 = arith.constant 0 : index
        %parallel_loop3A_576 = tpu.vector_load %arg8[%parallel_loop3A_574, %parallel_loop3A_575] {strides = array<i32>} : memref<512x64xf32, #tpu.memory_space<vmem>>, vector<1x16xf32>,
        %parallel_loop3A_577 = vector.shape_cast %parallel_loop3A_576 : vector<1x16xf32> to vector<16xf32>
        %parallel_loop3A_578 = arith.maximumf %parallel_loop3A_568, %parallel_loop3A_577 : vector<16xf32>
        %parallel_loop3A_579 = arith.addf %parallel_loop3A_569, %parallel_loop3A_577 : vector<16xf32>
        %parallel_loop3A_580 = arith.mulf %parallel_loop3A_577, %parallel_loop3A_577 : vector<16xf32>
        %parallel_loop3A_581 = arith.addf %parallel_loop3A_571, %parallel_loop3A_580 : vector<16xf32>
        %parallel_loop3A_582 = arith.constant 14 : i32
        %parallel_loop3A_583 = arith.addi %parallel_loop3A_446, %parallel_loop3A_582 : i32
        %parallel_loop3A_584 = arith.index_cast %parallel_loop3A_583 : i32 to index
        %parallel_loop3A_585 = arith.constant 0 : index
        %parallel_loop3A_586 = tpu.vector_load %arg8[%parallel_loop3A_584, %parallel_loop3A_585] {strides = array<i32>} : memref<512x64xf32, #tpu.memory_space<vmem>>, vector<1x16xf32>,
        %parallel_loop3A_587 = vector.shape_cast %parallel_loop3A_586 : vector<1x16xf32> to vector<16xf32>
        %parallel_loop3A_588 = arith.maximumf %parallel_loop3A_578, %parallel_loop3A_587 : vector<16xf32>
        %parallel_loop3A_589 = arith.addf %parallel_loop3A_579, %parallel_loop3A_587 : vector<16xf32>
        %parallel_loop3A_590 = arith.mulf %parallel_loop3A_587, %parallel_loop3A_587 : vector<16xf32>
        %parallel_loop3A_591 = arith.addf %parallel_loop3A_581, %parallel_loop3A_590 : vector<16xf32>
        %parallel_loop3A_592 = arith.constant 15 : i32
        %parallel_loop3A_593 = arith.addi %parallel_loop3A_446, %parallel_loop3A_592 : i32
        %parallel_loop3A_594 = arith.index_cast %parallel_loop3A_593 : i32 to index
        %parallel_loop3A_595 = arith.constant 0 : index
        %parallel_loop3A_596 = tpu.vector_load %arg8[%parallel_loop3A_594, %parallel_loop3A_595] {strides = array<i32>} : memref<512x64xf32, #tpu.memory_space<vmem>>, vector<1x16xf32>,
        %parallel_loop3A_597 = vector.shape_cast %parallel_loop3A_596 : vector<1x16xf32> to vector<16xf32>
        %parallel_loop3A_598 = arith.maximumf %parallel_loop3A_588, %parallel_loop3A_597 : vector<16xf32>
        %parallel_loop3A_599 = arith.addf %parallel_loop3A_589, %parallel_loop3A_597 : vector<16xf32>
        %parallel_loop3A_600 = arith.mulf %parallel_loop3A_597, %parallel_loop3A_597 : vector<16xf32>
        %parallel_loop3A_601 = arith.addf %parallel_loop3A_591, %parallel_loop3A_600 : vector<16xf32>
        %parallel_loop3A_602 = arith.index_cast %parallel_loop3A_446 : i32 to index
        %parallel_loop3A_603 = arith.constant 16 : index
        %parallel_loop3A_604 = tpu.vector_load %arg8[%parallel_loop3A_602, %parallel_loop3A_603] {strides = array<i32>} : memref<512x64xf32, #tpu.memory_space<vmem>>, vector<1x16xf32>,
        %parallel_loop3A_605 = vector.shape_cast %parallel_loop3A_604 : vector<1x16xf32> to vector<16xf32>
        %parallel_loop3A_606 = arith.mulf %parallel_loop3A_605, %parallel_loop3A_605 : vector<16xf32>
        %parallel_loop3A_607 = arith.constant 1 : i32
        %parallel_loop3A_608 = arith.addi %parallel_loop3A_446, %parallel_loop3A_607 : i32
        %parallel_loop3A_609 = arith.index_cast %parallel_loop3A_608 : i32 to index
        %parallel_loop3A_610 = arith.constant 16 : index
        %parallel_loop3A_611 = tpu.vector_load %arg8[%parallel_loop3A_609, %parallel_loop3A_610] {strides = array<i32>} : memref<512x64xf32, #tpu.memory_space<vmem>>, vector<1x16xf32>,
        %parallel_loop3A_612 = vector.shape_cast %parallel_loop3A_611 : vector<1x16xf32> to vector<16xf32>
        %parallel_loop3A_613 = arith.maximumf %parallel_loop3A_605, %parallel_loop3A_612 : vector<16xf32>
        %parallel_loop3A_614 = arith.addf %parallel_loop3A_605, %parallel_loop3A_612 : vector<16xf32>
        %parallel_loop3A_615 = arith.mulf %parallel_loop3A_612, %parallel_loop3A_612 : vector<16xf32>
        %parallel_loop3A_616 = arith.addf %parallel_loop3A_606, %parallel_loop3A_615 : vector<16xf32>
        %parallel_loop3A_617 = arith.constant 2 : i32
        %parallel_loop3A_618 = arith.addi %parallel_loop3A_446, %parallel_loop3A_617 : i32
        %parallel_loop3A_619 = arith.index_cast %parallel_loop3A_618 : i32 to index
        %parallel_loop3A_620 = arith.constant 16 : index
        %parallel_loop3A_621 = tpu.vector_load %arg8[%parallel_loop3A_619, %parallel_loop3A_620] {strides = array<i32>} : memref<512x64xf32, #tpu.memory_space<vmem>>, vector<1x16xf32>,
        %parallel_loop3A_622 = vector.shape_cast %parallel_loop3A_621 : vector<1x16xf32> to vector<16xf32>
        %parallel_loop3A_623 = arith.maximumf %parallel_loop3A_613, %parallel_loop3A_622 : vector<16xf32>
        %parallel_loop3A_624 = arith.addf %parallel_loop3A_614, %parallel_loop3A_622 : vector<16xf32>
        %parallel_loop3A_625 = arith.mulf %parallel_loop3A_622, %parallel_loop3A_622 : vector<16xf32>
        %parallel_loop3A_626 = arith.addf %parallel_loop3A_616, %parallel_loop3A_625 : vector<16xf32>
        %parallel_loop3A_627 = arith.constant 3 : i32
        %parallel_loop3A_628 = arith.addi %parallel_loop3A_446, %parallel_loop3A_627 : i32
        %parallel_loop3A_629 = arith.index_cast %parallel_loop3A_628 : i32 to index
        %parallel_loop3A_630 = arith.constant 16 : index
        %parallel_loop3A_631 = tpu.vector_load %arg8[%parallel_loop3A_629, %parallel_loop3A_630] {strides = array<i32>} : memref<512x64xf32, #tpu.memory_space<vmem>>, vector<1x16xf32>,
        %parallel_loop3A_632 = vector.shape_cast %parallel_loop3A_631 : vector<1x16xf32> to vector<16xf32>
        %parallel_loop3A_633 = arith.maximumf %parallel_loop3A_623, %parallel_loop3A_632 : vector<16xf32>
        %parallel_loop3A_634 = arith.addf %parallel_loop3A_624, %parallel_loop3A_632 : vector<16xf32>
        %parallel_loop3A_635 = arith.mulf %parallel_loop3A_632, %parallel_loop3A_632 : vector<16xf32>
        %parallel_loop3A_636 = arith.addf %parallel_loop3A_626, %parallel_loop3A_635 : vector<16xf32>
        %parallel_loop3A_637 = arith.constant 4 : i32
        %parallel_loop3A_638 = arith.addi %parallel_loop3A_446, %parallel_loop3A_637 : i32
        %parallel_loop3A_639 = arith.index_cast %parallel_loop3A_638 : i32 to index
        %parallel_loop3A_640 = arith.constant 16 : index
        %parallel_loop3A_641 = tpu.vector_load %arg8[%parallel_loop3A_639, %parallel_loop3A_640] {strides = array<i32>} : memref<512x64xf32, #tpu.memory_space<vmem>>, vector<1x16xf32>,
        %parallel_loop3A_642 = vector.shape_cast %parallel_loop3A_641 : vector<1x16xf32> to vector<16xf32>
        %parallel_loop3A_643 = arith.maximumf %parallel_loop3A_633, %parallel_loop3A_642 : vector<16xf32>
        %parallel_loop3A_644 = arith.addf %parallel_loop3A_634, %parallel_loop3A_642 : vector<16xf32>
        %parallel_loop3A_645 = arith.mulf %parallel_loop3A_642, %parallel_loop3A_642 : vector<16xf32>
        %parallel_loop3A_646 = arith.addf %parallel_loop3A_636, %parallel_loop3A_645 : vector<16xf32>
        %parallel_loop3A_647 = arith.constant 5 : i32
        %parallel_loop3A_648 = arith.addi %parallel_loop3A_446, %parallel_loop3A_647 : i32
        %parallel_loop3A_649 = arith.index_cast %parallel_loop3A_648 : i32 to index
        %parallel_loop3A_650 = arith.constant 16 : index
        %parallel_loop3A_651 = tpu.vector_load %arg8[%parallel_loop3A_649, %parallel_loop3A_650] {strides = array<i32>} : memref<512x64xf32, #tpu.memory_space<vmem>>, vector<1x16xf32>,
        %parallel_loop3A_652 = vector.shape_cast %parallel_loop3A_651 : vector<1x16xf32> to vector<16xf32>
        %parallel_loop3A_653 = arith.maximumf %parallel_loop3A_643, %parallel_loop3A_652 : vector<16xf32>
        %parallel_loop3A_654 = arith.addf %parallel_loop3A_644, %parallel_loop3A_652 : vector<16xf32>
        %parallel_loop3A_655 = arith.mulf %parallel_loop3A_652, %parallel_loop3A_652 : vector<16xf32>
        %parallel_loop3A_656 = arith.addf %parallel_loop3A_646, %parallel_loop3A_655 : vector<16xf32>
        %parallel_loop3A_657 = arith.constant 6 : i32
        %parallel_loop3A_658 = arith.addi %parallel_loop3A_446, %parallel_loop3A_657 : i32
        %parallel_loop3A_659 = arith.index_cast %parallel_loop3A_658 : i32 to index
        %parallel_loop3A_660 = arith.constant 16 : index
        %parallel_loop3A_661 = tpu.vector_load %arg8[%parallel_loop3A_659, %parallel_loop3A_660] {strides = array<i32>} : memref<512x64xf32, #tpu.memory_space<vmem>>, vector<1x16xf32>,
        %parallel_loop3A_662 = vector.shape_cast %parallel_loop3A_661 : vector<1x16xf32> to vector<16xf32>
        %parallel_loop3A_663 = arith.maximumf %parallel_loop3A_653, %parallel_loop3A_662 : vector<16xf32>
        %parallel_loop3A_664 = arith.addf %parallel_loop3A_654, %parallel_loop3A_662 : vector<16xf32>
        %parallel_loop3A_665 = arith.mulf %parallel_loop3A_662, %parallel_loop3A_662 : vector<16xf32>
        %parallel_loop3A_666 = arith.addf %parallel_loop3A_656, %parallel_loop3A_665 : vector<16xf32>
        %parallel_loop3A_667 = arith.constant 7 : i32
        %parallel_loop3A_668 = arith.addi %parallel_loop3A_446, %parallel_loop3A_667 : i32
        %parallel_loop3A_669 = arith.index_cast %parallel_loop3A_668 : i32 to index
        %parallel_loop3A_670 = arith.constant 16 : index
        %parallel_loop3A_671 = tpu.vector_load %arg8[%parallel_loop3A_669, %parallel_loop3A_670] {strides = array<i32>} : memref<512x64xf32, #tpu.memory_space<vmem>>, vector<1x16xf32>,
        %parallel_loop3A_672 = vector.shape_cast %parallel_loop3A_671 : vector<1x16xf32> to vector<16xf32>
        %parallel_loop3A_673 = arith.maximumf %parallel_loop3A_663, %parallel_loop3A_672 : vector<16xf32>
        %parallel_loop3A_674 = arith.addf %parallel_loop3A_664, %parallel_loop3A_672 : vector<16xf32>
        %parallel_loop3A_675 = arith.mulf %parallel_loop3A_672, %parallel_loop3A_672 : vector<16xf32>
        %parallel_loop3A_676 = arith.addf %parallel_loop3A_666, %parallel_loop3A_675 : vector<16xf32>
        %parallel_loop3A_677 = arith.constant 8 : i32
        %parallel_loop3A_678 = arith.addi %parallel_loop3A_446, %parallel_loop3A_677 : i32
        %parallel_loop3A_679 = arith.index_cast %parallel_loop3A_678 : i32 to index
        %parallel_loop3A_680 = arith.constant 16 : index
        %parallel_loop3A_681 = tpu.vector_load %arg8[%parallel_loop3A_679, %parallel_loop3A_680] {strides = array<i32>} : memref<512x64xf32, #tpu.memory_space<vmem>>, vector<1x16xf32>,
        %parallel_loop3A_682 = vector.shape_cast %parallel_loop3A_681 : vector<1x16xf32> to vector<16xf32>
        %parallel_loop3A_683 = arith.maximumf %parallel_loop3A_673, %parallel_loop3A_682 : vector<16xf32>
        %parallel_loop3A_684 = arith.addf %parallel_loop3A_674, %parallel_loop3A_682 : vector<16xf32>
        %parallel_loop3A_685 = arith.mulf %parallel_loop3A_682, %parallel_loop3A_682 : vector<16xf32>
        %parallel_loop3A_686 = arith.addf %parallel_loop3A_676, %parallel_loop3A_685 : vector<16xf32>
        %parallel_loop3A_687 = arith.constant 9 : i32
        %parallel_loop3A_688 = arith.addi %parallel_loop3A_446, %parallel_loop3A_687 : i32
        %parallel_loop3A_689 = arith.index_cast %parallel_loop3A_688 : i32 to index
        %parallel_loop3A_690 = arith.constant 16 : index
        %parallel_loop3A_691 = tpu.vector_load %arg8[%parallel_loop3A_689, %parallel_loop3A_690] {strides = array<i32>} : memref<512x64xf32, #tpu.memory_space<vmem>>, vector<1x16xf32>,
        %parallel_loop3A_692 = vector.shape_cast %parallel_loop3A_691 : vector<1x16xf32> to vector<16xf32>
        %parallel_loop3A_693 = arith.maximumf %parallel_loop3A_683, %parallel_loop3A_692 : vector<16xf32>
        %parallel_loop3A_694 = arith.addf %parallel_loop3A_684, %parallel_loop3A_692 : vector<16xf32>
        %parallel_loop3A_695 = arith.mulf %parallel_loop3A_692, %parallel_loop3A_692 : vector<16xf32>
        %parallel_loop3A_696 = arith.addf %parallel_loop3A_686, %parallel_loop3A_695 : vector<16xf32>
        %parallel_loop3A_697 = arith.constant 10 : i32
        %parallel_loop3A_698 = arith.addi %parallel_loop3A_446, %parallel_loop3A_697 : i32
        %parallel_loop3A_699 = arith.index_cast %parallel_loop3A_698 : i32 to index
        %parallel_loop3A_700 = arith.constant 16 : index
        %parallel_loop3A_701 = tpu.vector_load %arg8[%parallel_loop3A_699, %parallel_loop3A_700] {strides = array<i32>} : memref<512x64xf32, #tpu.memory_space<vmem>>, vector<1x16xf32>,
        %parallel_loop3A_702 = vector.shape_cast %parallel_loop3A_701 : vector<1x16xf32> to vector<16xf32>
        %parallel_loop3A_703 = arith.maximumf %parallel_loop3A_693, %parallel_loop3A_702 : vector<16xf32>
        %parallel_loop3A_704 = arith.addf %parallel_loop3A_694, %parallel_loop3A_702 : vector<16xf32>
        %parallel_loop3A_705 = arith.mulf %parallel_loop3A_702, %parallel_loop3A_702 : vector<16xf32>
        %parallel_loop3A_706 = arith.addf %parallel_loop3A_696, %parallel_loop3A_705 : vector<16xf32>
        %parallel_loop3A_707 = arith.constant 11 : i32
        %parallel_loop3A_708 = arith.addi %parallel_loop3A_446, %parallel_loop3A_707 : i32
        %parallel_loop3A_709 = arith.index_cast %parallel_loop3A_708 : i32 to index
        %parallel_loop3A_710 = arith.constant 16 : index
        %parallel_loop3A_711 = tpu.vector_load %arg8[%parallel_loop3A_709, %parallel_loop3A_710] {strides = array<i32>} : memref<512x64xf32, #tpu.memory_space<vmem>>, vector<1x16xf32>,
        %parallel_loop3A_712 = vector.shape_cast %parallel_loop3A_711 : vector<1x16xf32> to vector<16xf32>
        %parallel_loop3A_713 = arith.maximumf %parallel_loop3A_703, %parallel_loop3A_712 : vector<16xf32>
        %parallel_loop3A_714 = arith.addf %parallel_loop3A_704, %parallel_loop3A_712 : vector<16xf32>
        %parallel_loop3A_715 = arith.mulf %parallel_loop3A_712, %parallel_loop3A_712 : vector<16xf32>
        %parallel_loop3A_716 = arith.addf %parallel_loop3A_706, %parallel_loop3A_715 : vector<16xf32>
        %parallel_loop3A_717 = arith.constant 12 : i32
        %parallel_loop3A_718 = arith.addi %parallel_loop3A_446, %parallel_loop3A_717 : i32
        %parallel_loop3A_719 = arith.index_cast %parallel_loop3A_718 : i32 to index
        %parallel_loop3A_720 = arith.constant 16 : index
        %parallel_loop3A_721 = tpu.vector_load %arg8[%parallel_loop3A_719, %parallel_loop3A_720] {strides = array<i32>} : memref<512x64xf32, #tpu.memory_space<vmem>>, vector<1x16xf32>,
        %parallel_loop3A_722 = vector.shape_cast %parallel_loop3A_721 : vector<1x16xf32> to vector<16xf32>
        %parallel_loop3A_723 = arith.maximumf %parallel_loop3A_713, %parallel_loop3A_722 : vector<16xf32>
        %parallel_loop3A_724 = arith.addf %parallel_loop3A_714, %parallel_loop3A_722 : vector<16xf32>
        %parallel_loop3A_725 = arith.mulf %parallel_loop3A_722, %parallel_loop3A_722 : vector<16xf32>
        %parallel_loop3A_726 = arith.addf %parallel_loop3A_716, %parallel_loop3A_725 : vector<16xf32>
        %parallel_loop3A_727 = arith.constant 13 : i32
        %parallel_loop3A_728 = arith.addi %parallel_loop3A_446, %parallel_loop3A_727 : i32
        %parallel_loop3A_729 = arith.index_cast %parallel_loop3A_728 : i32 to index
        %parallel_loop3A_730 = arith.constant 16 : index
        %parallel_loop3A_731 = tpu.vector_load %arg8[%parallel_loop3A_729, %parallel_loop3A_730] {strides = array<i32>} : memref<512x64xf32, #tpu.memory_space<vmem>>, vector<1x16xf32>,
        %parallel_loop3A_732 = vector.shape_cast %parallel_loop3A_731 : vector<1x16xf32> to vector<16xf32>
        %parallel_loop3A_733 = arith.maximumf %parallel_loop3A_723, %parallel_loop3A_732 : vector<16xf32>
        %parallel_loop3A_734 = arith.addf %parallel_loop3A_724, %parallel_loop3A_732 : vector<16xf32>
        %parallel_loop3A_735 = arith.mulf %parallel_loop3A_732, %parallel_loop3A_732 : vector<16xf32>
        %parallel_loop3A_736 = arith.addf %parallel_loop3A_726, %parallel_loop3A_735 : vector<16xf32>
        %parallel_loop3A_737 = arith.constant 14 : i32
        %parallel_loop3A_738 = arith.addi %parallel_loop3A_446, %parallel_loop3A_737 : i32
        %parallel_loop3A_739 = arith.index_cast %parallel_loop3A_738 : i32 to index
        %parallel_loop3A_740 = arith.constant 16 : index
        %parallel_loop3A_741 = tpu.vector_load %arg8[%parallel_loop3A_739, %parallel_loop3A_740] {strides = array<i32>} : memref<512x64xf32, #tpu.memory_space<vmem>>, vector<1x16xf32>,
        %parallel_loop3A_742 = vector.shape_cast %parallel_loop3A_741 : vector<1x16xf32> to vector<16xf32>
        %parallel_loop3A_743 = arith.maximumf %parallel_loop3A_733, %parallel_loop3A_742 : vector<16xf32>
        %parallel_loop3A_744 = arith.addf %parallel_loop3A_734, %parallel_loop3A_742 : vector<16xf32>
        %parallel_loop3A_745 = arith.mulf %parallel_loop3A_742, %parallel_loop3A_742 : vector<16xf32>
        %parallel_loop3A_746 = arith.addf %parallel_loop3A_736, %parallel_loop3A_745 : vector<16xf32>
        %parallel_loop3A_747 = arith.constant 15 : i32
        %parallel_loop3A_748 = arith.addi %parallel_loop3A_446, %parallel_loop3A_747 : i32
        %parallel_loop3A_749 = arith.index_cast %parallel_loop3A_748 : i32 to index
        %parallel_loop3A_750 = arith.constant 16 : index
        %parallel_loop3A_751 = tpu.vector_load %arg8[%parallel_loop3A_749, %parallel_loop3A_750] {strides = array<i32>} : memref<512x64xf32, #tpu.memory_space<vmem>>, vector<1x16xf32>,
        %parallel_loop3A_752 = vector.shape_cast %parallel_loop3A_751 : vector<1x16xf32> to vector<16xf32>
        %parallel_loop3A_753 = arith.maximumf %parallel_loop3A_743, %parallel_loop3A_752 : vector<16xf32>
        %parallel_loop3A_754 = arith.addf %parallel_loop3A_744, %parallel_loop3A_752 : vector<16xf32>
        %parallel_loop3A_755 = arith.mulf %parallel_loop3A_752, %parallel_loop3A_752 : vector<16xf32>
        %parallel_loop3A_756 = arith.addf %parallel_loop3A_746, %parallel_loop3A_755 : vector<16xf32>
        %parallel_loop3A_757 = arith.index_cast %parallel_loop3A_446 : i32 to index
        %parallel_loop3A_758 = arith.constant 32 : index
        %parallel_loop3A_759 = tpu.vector_load %arg8[%parallel_loop3A_757, %parallel_loop3A_758] {strides = array<i32>} : memref<512x64xf32, #tpu.memory_space<vmem>>, vector<1x16xf32>,
        %parallel_loop3A_760 = vector.shape_cast %parallel_loop3A_759 : vector<1x16xf32> to vector<16xf32>
        %parallel_loop3A_761 = arith.mulf %parallel_loop3A_760, %parallel_loop3A_760 : vector<16xf32>
        %parallel_loop3A_762 = arith.constant 1 : i32
        %parallel_loop3A_763 = arith.addi %parallel_loop3A_446, %parallel_loop3A_762 : i32
        %parallel_loop3A_764 = arith.index_cast %parallel_loop3A_763 : i32 to index
        %parallel_loop3A_765 = arith.constant 32 : index
        %parallel_loop3A_766 = tpu.vector_load %arg8[%parallel_loop3A_764, %parallel_loop3A_765] {strides = array<i32>} : memref<512x64xf32, #tpu.memory_space<vmem>>, vector<1x16xf32>,
        %parallel_loop3A_767 = vector.shape_cast %parallel_loop3A_766 : vector<1x16xf32> to vector<16xf32>
        %parallel_loop3A_768 = arith.maximumf %parallel_loop3A_760, %parallel_loop3A_767 : vector<16xf32>
        %parallel_loop3A_769 = arith.addf %parallel_loop3A_760, %parallel_loop3A_767 : vector<16xf32>
        %parallel_loop3A_770 = arith.mulf %parallel_loop3A_767, %parallel_loop3A_767 : vector<16xf32>
        %parallel_loop3A_771 = arith.addf %parallel_loop3A_761, %parallel_loop3A_770 : vector<16xf32>
        %parallel_loop3A_772 = arith.constant 2 : i32
        %parallel_loop3A_773 = arith.addi %parallel_loop3A_446, %parallel_loop3A_772 : i32
        %parallel_loop3A_774 = arith.index_cast %parallel_loop3A_773 : i32 to index
        %parallel_loop3A_775 = arith.constant 32 : index
        %parallel_loop3A_776 = tpu.vector_load %arg8[%parallel_loop3A_774, %parallel_loop3A_775] {strides = array<i32>} : memref<512x64xf32, #tpu.memory_space<vmem>>, vector<1x16xf32>,
        %parallel_loop3A_777 = vector.shape_cast %parallel_loop3A_776 : vector<1x16xf32> to vector<16xf32>
        %parallel_loop3A_778 = arith.maximumf %parallel_loop3A_768, %parallel_loop3A_777 : vector<16xf32>
        %parallel_loop3A_779 = arith.addf %parallel_loop3A_769, %parallel_loop3A_777 : vector<16xf32>
        %parallel_loop3A_780 = arith.mulf %parallel_loop3A_777, %parallel_loop3A_777 : vector<16xf32>
        %parallel_loop3A_781 = arith.addf %parallel_loop3A_771, %parallel_loop3A_780 : vector<16xf32>
        %parallel_loop3A_782 = arith.constant 3 : i32
        %parallel_loop3A_783 = arith.addi %parallel_loop3A_446, %parallel_loop3A_782 : i32
        %parallel_loop3A_784 = arith.index_cast %parallel_loop3A_783 : i32 to index
        %parallel_loop3A_785 = arith.constant 32 : index
        %parallel_loop3A_786 = tpu.vector_load %arg8[%parallel_loop3A_784, %parallel_loop3A_785] {strides = array<i32>} : memref<512x64xf32, #tpu.memory_space<vmem>>, vector<1x16xf32>,
        %parallel_loop3A_787 = vector.shape_cast %parallel_loop3A_786 : vector<1x16xf32> to vector<16xf32>
        %parallel_loop3A_788 = arith.maximumf %parallel_loop3A_778, %parallel_loop3A_787 : vector<16xf32>
        %parallel_loop3A_789 = arith.addf %parallel_loop3A_779, %parallel_loop3A_787 : vector<16xf32>
        %parallel_loop3A_790 = arith.mulf %parallel_loop3A_787, %parallel_loop3A_787 : vector<16xf32>
        %parallel_loop3A_791 = arith.addf %parallel_loop3A_781, %parallel_loop3A_790 : vector<16xf32>
        %parallel_loop3A_792 = arith.constant 4 : i32
        %parallel_loop3A_793 = arith.addi %parallel_loop3A_446, %parallel_loop3A_792 : i32
        %parallel_loop3A_794 = arith.index_cast %parallel_loop3A_793 : i32 to index
        %parallel_loop3A_795 = arith.constant 32 : index
        %parallel_loop3A_796 = tpu.vector_load %arg8[%parallel_loop3A_794, %parallel_loop3A_795] {strides = array<i32>} : memref<512x64xf32, #tpu.memory_space<vmem>>, vector<1x16xf32>,
        %parallel_loop3A_797 = vector.shape_cast %parallel_loop3A_796 : vector<1x16xf32> to vector<16xf32>
        %parallel_loop3A_798 = arith.maximumf %parallel_loop3A_788, %parallel_loop3A_797 : vector<16xf32>
        %parallel_loop3A_799 = arith.addf %parallel_loop3A_789, %parallel_loop3A_797 : vector<16xf32>
        %parallel_loop3A_800 = arith.mulf %parallel_loop3A_797, %parallel_loop3A_797 : vector<16xf32>
        %parallel_loop3A_801 = arith.addf %parallel_loop3A_791, %parallel_loop3A_800 : vector<16xf32>
        %parallel_loop3A_802 = arith.constant 5 : i32
        %parallel_loop3A_803 = arith.addi %parallel_loop3A_446, %parallel_loop3A_802 : i32
        %parallel_loop3A_804 = arith.index_cast %parallel_loop3A_803 : i32 to index
        %parallel_loop3A_805 = arith.constant 32 : index
        %parallel_loop3A_806 = tpu.vector_load %arg8[%parallel_loop3A_804, %parallel_loop3A_805] {strides = array<i32>} : memref<512x64xf32, #tpu.memory_space<vmem>>, vector<1x16xf32>,
        %parallel_loop3A_807 = vector.shape_cast %parallel_loop3A_806 : vector<1x16xf32> to vector<16xf32>
        %parallel_loop3A_808 = arith.maximumf %parallel_loop3A_798, %parallel_loop3A_807 : vector<16xf32>
        %parallel_loop3A_809 = arith.addf %parallel_loop3A_799, %parallel_loop3A_807 : vector<16xf32>
        %parallel_loop3A_810 = arith.mulf %parallel_loop3A_807, %parallel_loop3A_807 : vector<16xf32>
        %parallel_loop3A_811 = arith.addf %parallel_loop3A_801, %parallel_loop3A_810 : vector<16xf32>
        %parallel_loop3A_812 = arith.constant 6 : i32
        %parallel_loop3A_813 = arith.addi %parallel_loop3A_446, %parallel_loop3A_812 : i32
        %parallel_loop3A_814 = arith.index_cast %parallel_loop3A_813 : i32 to index
        %parallel_loop3A_815 = arith.constant 32 : index
        %parallel_loop3A_816 = tpu.vector_load %arg8[%parallel_loop3A_814, %parallel_loop3A_815] {strides = array<i32>} : memref<512x64xf32, #tpu.memory_space<vmem>>, vector<1x16xf32>,
        %parallel_loop3A_817 = vector.shape_cast %parallel_loop3A_816 : vector<1x16xf32> to vector<16xf32>
        %parallel_loop3A_818 = arith.maximumf %parallel_loop3A_808, %parallel_loop3A_817 : vector<16xf32>
        %parallel_loop3A_819 = arith.addf %parallel_loop3A_809, %parallel_loop3A_817 : vector<16xf32>
        %parallel_loop3A_820 = arith.mulf %parallel_loop3A_817, %parallel_loop3A_817 : vector<16xf32>
        %parallel_loop3A_821 = arith.addf %parallel_loop3A_811, %parallel_loop3A_820 : vector<16xf32>
        %parallel_loop3A_822 = arith.constant 7 : i32
        %parallel_loop3A_823 = arith.addi %parallel_loop3A_446, %parallel_loop3A_822 : i32
        %parallel_loop3A_824 = arith.index_cast %parallel_loop3A_823 : i32 to index
        %parallel_loop3A_825 = arith.constant 32 : index
        %parallel_loop3A_826 = tpu.vector_load %arg8[%parallel_loop3A_824, %parallel_loop3A_825] {strides = array<i32>} : memref<512x64xf32, #tpu.memory_space<vmem>>, vector<1x16xf32>,
        %parallel_loop3A_827 = vector.shape_cast %parallel_loop3A_826 : vector<1x16xf32> to vector<16xf32>
        %parallel_loop3A_828 = arith.maximumf %parallel_loop3A_818, %parallel_loop3A_827 : vector<16xf32>
        %parallel_loop3A_829 = arith.addf %parallel_loop3A_819, %parallel_loop3A_827 : vector<16xf32>
        %parallel_loop3A_830 = arith.mulf %parallel_loop3A_827, %parallel_loop3A_827 : vector<16xf32>
        %parallel_loop3A_831 = arith.addf %parallel_loop3A_821, %parallel_loop3A_830 : vector<16xf32>
        %parallel_loop3A_832 = arith.constant 8 : i32
        %parallel_loop3A_833 = arith.addi %parallel_loop3A_446, %parallel_loop3A_832 : i32
        %parallel_loop3A_834 = arith.index_cast %parallel_loop3A_833 : i32 to index
        %parallel_loop3A_835 = arith.constant 32 : index
        %parallel_loop3A_836 = tpu.vector_load %arg8[%parallel_loop3A_834, %parallel_loop3A_835] {strides = array<i32>} : memref<512x64xf32, #tpu.memory_space<vmem>>, vector<1x16xf32>,
        %parallel_loop3A_837 = vector.shape_cast %parallel_loop3A_836 : vector<1x16xf32> to vector<16xf32>
        %parallel_loop3A_838 = arith.maximumf %parallel_loop3A_828, %parallel_loop3A_837 : vector<16xf32>
        %parallel_loop3A_839 = arith.addf %parallel_loop3A_829, %parallel_loop3A_837 : vector<16xf32>
        %parallel_loop3A_840 = arith.mulf %parallel_loop3A_837, %parallel_loop3A_837 : vector<16xf32>
        %parallel_loop3A_841 = arith.addf %parallel_loop3A_831, %parallel_loop3A_840 : vector<16xf32>
        %parallel_loop3A_842 = arith.constant 9 : i32
        %parallel_loop3A_843 = arith.addi %parallel_loop3A_446, %parallel_loop3A_842 : i32
        %parallel_loop3A_844 = arith.index_cast %parallel_loop3A_843 : i32 to index
        %parallel_loop3A_845 = arith.constant 32 : index
        %parallel_loop3A_846 = tpu.vector_load %arg8[%parallel_loop3A_844, %parallel_loop3A_845] {strides = array<i32>} : memref<512x64xf32, #tpu.memory_space<vmem>>, vector<1x16xf32>,
        %parallel_loop3A_847 = vector.shape_cast %parallel_loop3A_846 : vector<1x16xf32> to vector<16xf32>
        %parallel_loop3A_848 = arith.maximumf %parallel_loop3A_838, %parallel_loop3A_847 : vector<16xf32>
        %parallel_loop3A_849 = arith.addf %parallel_loop3A_839, %parallel_loop3A_847 : vector<16xf32>
        %parallel_loop3A_850 = arith.mulf %parallel_loop3A_847, %parallel_loop3A_847 : vector<16xf32>
        %parallel_loop3A_851 = arith.addf %parallel_loop3A_841, %parallel_loop3A_850 : vector<16xf32>
        %parallel_loop3A_852 = arith.constant 10 : i32
        %parallel_loop3A_853 = arith.addi %parallel_loop3A_446, %parallel_loop3A_852 : i32
        %parallel_loop3A_854 = arith.index_cast %parallel_loop3A_853 : i32 to index
        %parallel_loop3A_855 = arith.constant 32 : index
        %parallel_loop3A_856 = tpu.vector_load %arg8[%parallel_loop3A_854, %parallel_loop3A_855] {strides = array<i32>} : memref<512x64xf32, #tpu.memory_space<vmem>>, vector<1x16xf32>,
        %parallel_loop3A_857 = vector.shape_cast %parallel_loop3A_856 : vector<1x16xf32> to vector<16xf32>
        %parallel_loop3A_858 = arith.maximumf %parallel_loop3A_848, %parallel_loop3A_857 : vector<16xf32>
        %parallel_loop3A_859 = arith.addf %parallel_loop3A_849, %parallel_loop3A_857 : vector<16xf32>
        %parallel_loop3A_860 = arith.mulf %parallel_loop3A_857, %parallel_loop3A_857 : vector<16xf32>
        %parallel_loop3A_861 = arith.addf %parallel_loop3A_851, %parallel_loop3A_860 : vector<16xf32>
        %parallel_loop3A_862 = arith.constant 11 : i32
        %parallel_loop3A_863 = arith.addi %parallel_loop3A_446, %parallel_loop3A_862 : i32
        %parallel_loop3A_864 = arith.index_cast %parallel_loop3A_863 : i32 to index
        %parallel_loop3A_865 = arith.constant 32 : index
        %parallel_loop3A_866 = tpu.vector_load %arg8[%parallel_loop3A_864, %parallel_loop3A_865] {strides = array<i32>} : memref<512x64xf32, #tpu.memory_space<vmem>>, vector<1x16xf32>,
        %parallel_loop3A_867 = vector.shape_cast %parallel_loop3A_866 : vector<1x16xf32> to vector<16xf32>
        %parallel_loop3A_868 = arith.maximumf %parallel_loop3A_858, %parallel_loop3A_867 : vector<16xf32>
        %parallel_loop3A_869 = arith.addf %parallel_loop3A_859, %parallel_loop3A_867 : vector<16xf32>
        %parallel_loop3A_870 = arith.mulf %parallel_loop3A_867, %parallel_loop3A_867 : vector<16xf32>
        %parallel_loop3A_871 = arith.addf %parallel_loop3A_861, %parallel_loop3A_870 : vector<16xf32>
        %parallel_loop3A_872 = arith.constant 12 : i32
        %parallel_loop3A_873 = arith.addi %parallel_loop3A_446, %parallel_loop3A_872 : i32
        %parallel_loop3A_874 = arith.index_cast %parallel_loop3A_873 : i32 to index
        %parallel_loop3A_875 = arith.constant 32 : index
        %parallel_loop3A_876 = tpu.vector_load %arg8[%parallel_loop3A_874, %parallel_loop3A_875] {strides = array<i32>} : memref<512x64xf32, #tpu.memory_space<vmem>>, vector<1x16xf32>,
        %parallel_loop3A_877 = vector.shape_cast %parallel_loop3A_876 : vector<1x16xf32> to vector<16xf32>
        %parallel_loop3A_878 = arith.maximumf %parallel_loop3A_868, %parallel_loop3A_877 : vector<16xf32>
        %parallel_loop3A_879 = arith.addf %parallel_loop3A_869, %parallel_loop3A_877 : vector<16xf32>
        %parallel_loop3A_880 = arith.mulf %parallel_loop3A_877, %parallel_loop3A_877 : vector<16xf32>
        %parallel_loop3A_881 = arith.addf %parallel_loop3A_871, %parallel_loop3A_880 : vector<16xf32>
        %parallel_loop3A_882 = arith.constant 13 : i32
        %parallel_loop3A_883 = arith.addi %parallel_loop3A_446, %parallel_loop3A_882 : i32
        %parallel_loop3A_884 = arith.index_cast %parallel_loop3A_883 : i32 to index
        %parallel_loop3A_885 = arith.constant 32 : index
        %parallel_loop3A_886 = tpu.vector_load %arg8[%parallel_loop3A_884, %parallel_loop3A_885] {strides = array<i32>} : memref<512x64xf32, #tpu.memory_space<vmem>>, vector<1x16xf32>,
        %parallel_loop3A_887 = vector.shape_cast %parallel_loop3A_886 : vector<1x16xf32> to vector<16xf32>
        %parallel_loop3A_888 = arith.maximumf %parallel_loop3A_878, %parallel_loop3A_887 : vector<16xf32>
        %parallel_loop3A_889 = arith.addf %parallel_loop3A_879, %parallel_loop3A_887 : vector<16xf32>
        %parallel_loop3A_890 = arith.mulf %parallel_loop3A_887, %parallel_loop3A_887 : vector<16xf32>
        %parallel_loop3A_891 = arith.addf %parallel_loop3A_881, %parallel_loop3A_890 : vector<16xf32>
        %parallel_loop3A_892 = arith.constant 14 : i32
        %parallel_loop3A_893 = arith.addi %parallel_loop3A_446, %parallel_loop3A_892 : i32
        %parallel_loop3A_894 = arith.index_cast %parallel_loop3A_893 : i32 to index
        %parallel_loop3A_895 = arith.constant 32 : index
        %parallel_loop3A_896 = tpu.vector_load %arg8[%parallel_loop3A_894, %parallel_loop3A_895] {strides = array<i32>} : memref<512x64xf32, #tpu.memory_space<vmem>>, vector<1x16xf32>,
        %parallel_loop3A_897 = vector.shape_cast %parallel_loop3A_896 : vector<1x16xf32> to vector<16xf32>
        %parallel_loop3A_898 = arith.maximumf %parallel_loop3A_888, %parallel_loop3A_897 : vector<16xf32>
        %parallel_loop3A_899 = arith.addf %parallel_loop3A_889, %parallel_loop3A_897 : vector<16xf32>
        %parallel_loop3A_900 = arith.mulf %parallel_loop3A_897, %parallel_loop3A_897 : vector<16xf32>
        %parallel_loop3A_901 = arith.addf %parallel_loop3A_891, %parallel_loop3A_900 : vector<16xf32>
        %parallel_loop3A_902 = arith.constant 15 : i32
        %parallel_loop3A_903 = arith.addi %parallel_loop3A_446, %parallel_loop3A_902 : i32
        %parallel_loop3A_904 = arith.index_cast %parallel_loop3A_903 : i32 to index
        %parallel_loop3A_905 = arith.constant 32 : index
        %parallel_loop3A_906 = tpu.vector_load %arg8[%parallel_loop3A_904, %parallel_loop3A_905] {strides = array<i32>} : memref<512x64xf32, #tpu.memory_space<vmem>>, vector<1x16xf32>,
        %parallel_loop3A_907 = vector.shape_cast %parallel_loop3A_906 : vector<1x16xf32> to vector<16xf32>
        %parallel_loop3A_908 = arith.maximumf %parallel_loop3A_898, %parallel_loop3A_907 : vector<16xf32>
        %parallel_loop3A_909 = arith.addf %parallel_loop3A_899, %parallel_loop3A_907 : vector<16xf32>
        %parallel_loop3A_910 = arith.mulf %parallel_loop3A_907, %parallel_loop3A_907 : vector<16xf32>
        %parallel_loop3A_911 = arith.addf %parallel_loop3A_901, %parallel_loop3A_910 : vector<16xf32>
        %parallel_loop3A_912 = arith.index_cast %parallel_loop3A_446 : i32 to index
        %parallel_loop3A_913 = arith.constant 48 : index
        %parallel_loop3A_914 = tpu.vector_load %arg8[%parallel_loop3A_912, %parallel_loop3A_913] {strides = array<i32>} : memref<512x64xf32, #tpu.memory_space<vmem>>, vector<1x16xf32>,
        %parallel_loop3A_915 = vector.shape_cast %parallel_loop3A_914 : vector<1x16xf32> to vector<16xf32>
        %parallel_loop3A_916 = arith.mulf %parallel_loop3A_915, %parallel_loop3A_915 : vector<16xf32>
        %parallel_loop3A_917 = arith.constant 1 : i32
        %parallel_loop3A_918 = arith.addi %parallel_loop3A_446, %parallel_loop3A_917 : i32
        %parallel_loop3A_919 = arith.index_cast %parallel_loop3A_918 : i32 to index
        %parallel_loop3A_920 = arith.constant 48 : index
        %parallel_loop3A_921 = tpu.vector_load %arg8[%parallel_loop3A_919, %parallel_loop3A_920] {strides = array<i32>} : memref<512x64xf32, #tpu.memory_space<vmem>>, vector<1x16xf32>,
        %parallel_loop3A_922 = vector.shape_cast %parallel_loop3A_921 : vector<1x16xf32> to vector<16xf32>
        %parallel_loop3A_923 = arith.maximumf %parallel_loop3A_915, %parallel_loop3A_922 : vector<16xf32>
        %parallel_loop3A_924 = arith.addf %parallel_loop3A_915, %parallel_loop3A_922 : vector<16xf32>
        %parallel_loop3A_925 = arith.mulf %parallel_loop3A_922, %parallel_loop3A_922 : vector<16xf32>
        %parallel_loop3A_926 = arith.addf %parallel_loop3A_916, %parallel_loop3A_925 : vector<16xf32>
        %parallel_loop3A_927 = arith.constant 2 : i32
        %parallel_loop3A_928 = arith.addi %parallel_loop3A_446, %parallel_loop3A_927 : i32
        %parallel_loop3A_929 = arith.index_cast %parallel_loop3A_928 : i32 to index
        %parallel_loop3A_930 = arith.constant 48 : index
        %parallel_loop3A_931 = tpu.vector_load %arg8[%parallel_loop3A_929, %parallel_loop3A_930] {strides = array<i32>} : memref<512x64xf32, #tpu.memory_space<vmem>>, vector<1x16xf32>,
        %parallel_loop3A_932 = vector.shape_cast %parallel_loop3A_931 : vector<1x16xf32> to vector<16xf32>
        %parallel_loop3A_933 = arith.maximumf %parallel_loop3A_923, %parallel_loop3A_932 : vector<16xf32>
        %parallel_loop3A_934 = arith.addf %parallel_loop3A_924, %parallel_loop3A_932 : vector<16xf32>
        %parallel_loop3A_935 = arith.mulf %parallel_loop3A_932, %parallel_loop3A_932 : vector<16xf32>
        %parallel_loop3A_936 = arith.addf %parallel_loop3A_926, %parallel_loop3A_935 : vector<16xf32>
        %parallel_loop3A_937 = arith.constant 3 : i32
        %parallel_loop3A_938 = arith.addi %parallel_loop3A_446, %parallel_loop3A_937 : i32
        %parallel_loop3A_939 = arith.index_cast %parallel_loop3A_938 : i32 to index
        %parallel_loop3A_940 = arith.constant 48 : index
        %parallel_loop3A_941 = tpu.vector_load %arg8[%parallel_loop3A_939, %parallel_loop3A_940] {strides = array<i32>} : memref<512x64xf32, #tpu.memory_space<vmem>>, vector<1x16xf32>,
        %parallel_loop3A_942 = vector.shape_cast %parallel_loop3A_941 : vector<1x16xf32> to vector<16xf32>
        %parallel_loop3A_943 = arith.maximumf %parallel_loop3A_933, %parallel_loop3A_942 : vector<16xf32>
        %parallel_loop3A_944 = arith.addf %parallel_loop3A_934, %parallel_loop3A_942 : vector<16xf32>
        %parallel_loop3A_945 = arith.mulf %parallel_loop3A_942, %parallel_loop3A_942 : vector<16xf32>
        %parallel_loop3A_946 = arith.addf %parallel_loop3A_936, %parallel_loop3A_945 : vector<16xf32>
        %parallel_loop3A_947 = arith.constant 4 : i32
        %parallel_loop3A_948 = arith.addi %parallel_loop3A_446, %parallel_loop3A_947 : i32
        %parallel_loop3A_949 = arith.index_cast %parallel_loop3A_948 : i32 to index
        %parallel_loop3A_950 = arith.constant 48 : index
        %parallel_loop3A_951 = tpu.vector_load %arg8[%parallel_loop3A_949, %parallel_loop3A_950] {strides = array<i32>} : memref<512x64xf32, #tpu.memory_space<vmem>>, vector<1x16xf32>,
        %parallel_loop3A_952 = vector.shape_cast %parallel_loop3A_951 : vector<1x16xf32> to vector<16xf32>
        %parallel_loop3A_953 = arith.maximumf %parallel_loop3A_943, %parallel_loop3A_952 : vector<16xf32>
        %parallel_loop3A_954 = arith.addf %parallel_loop3A_944, %parallel_loop3A_952 : vector<16xf32>
        %parallel_loop3A_955 = arith.mulf %parallel_loop3A_952, %parallel_loop3A_952 : vector<16xf32>
        %parallel_loop3A_956 = arith.addf %parallel_loop3A_946, %parallel_loop3A_955 : vector<16xf32>
        %parallel_loop3A_957 = arith.constant 5 : i32
        %parallel_loop3A_958 = arith.addi %parallel_loop3A_446, %parallel_loop3A_957 : i32
        %parallel_loop3A_959 = arith.index_cast %parallel_loop3A_958 : i32 to index
        %parallel_loop3A_960 = arith.constant 48 : index
        %parallel_loop3A_961 = tpu.vector_load %arg8[%parallel_loop3A_959, %parallel_loop3A_960] {strides = array<i32>} : memref<512x64xf32, #tpu.memory_space<vmem>>, vector<1x16xf32>,
        %parallel_loop3A_962 = vector.shape_cast %parallel_loop3A_961 : vector<1x16xf32> to vector<16xf32>
        %parallel_loop3A_963 = arith.maximumf %parallel_loop3A_953, %parallel_loop3A_962 : vector<16xf32>
        %parallel_loop3A_964 = arith.addf %parallel_loop3A_954, %parallel_loop3A_962 : vector<16xf32>
        %parallel_loop3A_965 = arith.mulf %parallel_loop3A_962, %parallel_loop3A_962 : vector<16xf32>
        %parallel_loop3A_966 = arith.addf %parallel_loop3A_956, %parallel_loop3A_965 : vector<16xf32>
        %parallel_loop3A_967 = arith.constant 6 : i32
        %parallel_loop3A_968 = arith.addi %parallel_loop3A_446, %parallel_loop3A_967 : i32
        %parallel_loop3A_969 = arith.index_cast %parallel_loop3A_968 : i32 to index
        %parallel_loop3A_970 = arith.constant 48 : index
        %parallel_loop3A_971 = tpu.vector_load %arg8[%parallel_loop3A_969, %parallel_loop3A_970] {strides = array<i32>} : memref<512x64xf32, #tpu.memory_space<vmem>>, vector<1x16xf32>,
        %parallel_loop3A_972 = vector.shape_cast %parallel_loop3A_971 : vector<1x16xf32> to vector<16xf32>
        %parallel_loop3A_973 = arith.maximumf %parallel_loop3A_963, %parallel_loop3A_972 : vector<16xf32>
        %parallel_loop3A_974 = arith.addf %parallel_loop3A_964, %parallel_loop3A_972 : vector<16xf32>
        %parallel_loop3A_975 = arith.mulf %parallel_loop3A_972, %parallel_loop3A_972 : vector<16xf32>
        %parallel_loop3A_976 = arith.addf %parallel_loop3A_966, %parallel_loop3A_975 : vector<16xf32>
        %parallel_loop3A_977 = arith.constant 7 : i32
        %parallel_loop3A_978 = arith.addi %parallel_loop3A_446, %parallel_loop3A_977 : i32
        %parallel_loop3A_979 = arith.index_cast %parallel_loop3A_978 : i32 to index
        %parallel_loop3A_980 = arith.constant 48 : index
        %parallel_loop3A_981 = tpu.vector_load %arg8[%parallel_loop3A_979, %parallel_loop3A_980] {strides = array<i32>} : memref<512x64xf32, #tpu.memory_space<vmem>>, vector<1x16xf32>,
        %parallel_loop3A_982 = vector.shape_cast %parallel_loop3A_981 : vector<1x16xf32> to vector<16xf32>
        %parallel_loop3A_983 = arith.maximumf %parallel_loop3A_973, %parallel_loop3A_982 : vector<16xf32>
        %parallel_loop3A_984 = arith.addf %parallel_loop3A_974, %parallel_loop3A_982 : vector<16xf32>
        %parallel_loop3A_985 = arith.mulf %parallel_loop3A_982, %parallel_loop3A_982 : vector<16xf32>
        %parallel_loop3A_986 = arith.addf %parallel_loop3A_976, %parallel_loop3A_985 : vector<16xf32>
        %parallel_loop3A_987 = arith.constant 8 : i32
        %parallel_loop3A_988 = arith.addi %parallel_loop3A_446, %parallel_loop3A_987 : i32
        %parallel_loop3A_989 = arith.index_cast %parallel_loop3A_988 : i32 to index
        %parallel_loop3A_990 = arith.constant 48 : index
        %parallel_loop3A_991 = tpu.vector_load %arg8[%parallel_loop3A_989, %parallel_loop3A_990] {strides = array<i32>} : memref<512x64xf32, #tpu.memory_space<vmem>>, vector<1x16xf32>,
        %parallel_loop3A_992 = vector.shape_cast %parallel_loop3A_991 : vector<1x16xf32> to vector<16xf32>
        %parallel_loop3A_993 = arith.maximumf %parallel_loop3A_983, %parallel_loop3A_992 : vector<16xf32>
        %parallel_loop3A_994 = arith.addf %parallel_loop3A_984, %parallel_loop3A_992 : vector<16xf32>
        %parallel_loop3A_995 = arith.mulf %parallel_loop3A_992, %parallel_loop3A_992 : vector<16xf32>
        %parallel_loop3A_996 = arith.addf %parallel_loop3A_986, %parallel_loop3A_995 : vector<16xf32>
        %parallel_loop3A_997 = arith.constant 9 : i32
        %parallel_loop3A_998 = arith.addi %parallel_loop3A_446, %parallel_loop3A_997 : i32
        %parallel_loop3A_999 = arith.index_cast %parallel_loop3A_998 : i32 to index
        %parallel_loop3A_1000 = arith.constant 48 : index
        %parallel_loop3A_1001 = tpu.vector_load %arg8[%parallel_loop3A_999, %parallel_loop3A_1000] {strides = array<i32>} : memref<512x64xf32, #tpu.memory_space<vmem>>, vector<1x16xf32>,
        %parallel_loop3A_1002 = vector.shape_cast %parallel_loop3A_1001 : vector<1x16xf32> to vector<16xf32>
        %parallel_loop3A_1003 = arith.maximumf %parallel_loop3A_993, %parallel_loop3A_1002 : vector<16xf32>
        %parallel_loop3A_1004 = arith.addf %parallel_loop3A_994, %parallel_loop3A_1002 : vector<16xf32>
        %parallel_loop3A_1005 = arith.mulf %parallel_loop3A_1002, %parallel_loop3A_1002 : vector<16xf32>
        %parallel_loop3A_1006 = arith.addf %parallel_loop3A_996, %parallel_loop3A_1005 : vector<16xf32>
        %parallel_loop3A_1007 = arith.constant 10 : i32
        %parallel_loop3A_1008 = arith.addi %parallel_loop3A_446, %parallel_loop3A_1007 : i32
        %parallel_loop3A_1009 = arith.index_cast %parallel_loop3A_1008 : i32 to index
        %parallel_loop3A_1010 = arith.constant 48 : index
        %parallel_loop3A_1011 = tpu.vector_load %arg8[%parallel_loop3A_1009, %parallel_loop3A_1010] {strides = array<i32>} : memref<512x64xf32, #tpu.memory_space<vmem>>, vector<1x16xf32>,
        %parallel_loop3A_1012 = vector.shape_cast %parallel_loop3A_1011 : vector<1x16xf32> to vector<16xf32>
        %parallel_loop3A_1013 = arith.maximumf %parallel_loop3A_1003, %parallel_loop3A_1012 : vector<16xf32>
        %parallel_loop3A_1014 = arith.addf %parallel_loop3A_1004, %parallel_loop3A_1012 : vector<16xf32>
        %parallel_loop3A_1015 = arith.mulf %parallel_loop3A_1012, %parallel_loop3A_1012 : vector<16xf32>
        %parallel_loop3A_1016 = arith.addf %parallel_loop3A_1006, %parallel_loop3A_1015 : vector<16xf32>
        %parallel_loop3A_1017 = arith.constant 11 : i32
        %parallel_loop3A_1018 = arith.addi %parallel_loop3A_446, %parallel_loop3A_1017 : i32
        %parallel_loop3A_1019 = arith.index_cast %parallel_loop3A_1018 : i32 to index
        %parallel_loop3A_1020 = arith.constant 48 : index
        %parallel_loop3A_1021 = tpu.vector_load %arg8[%parallel_loop3A_1019, %parallel_loop3A_1020] {strides = array<i32>} : memref<512x64xf32, #tpu.memory_space<vmem>>, vector<1x16xf32>,
        %parallel_loop3A_1022 = vector.shape_cast %parallel_loop3A_1021 : vector<1x16xf32> to vector<16xf32>
        %parallel_loop3A_1023 = arith.maximumf %parallel_loop3A_1013, %parallel_loop3A_1022 : vector<16xf32>
        %parallel_loop3A_1024 = arith.addf %parallel_loop3A_1014, %parallel_loop3A_1022 : vector<16xf32>
        %parallel_loop3A_1025 = arith.mulf %parallel_loop3A_1022, %parallel_loop3A_1022 : vector<16xf32>
        %parallel_loop3A_1026 = arith.addf %parallel_loop3A_1016, %parallel_loop3A_1025 : vector<16xf32>
        %parallel_loop3A_1027 = arith.constant 12 : i32
        %parallel_loop3A_1028 = arith.addi %parallel_loop3A_446, %parallel_loop3A_1027 : i32
        %parallel_loop3A_1029 = arith.index_cast %parallel_loop3A_1028 : i32 to index
        %parallel_loop3A_1030 = arith.constant 48 : index
        %parallel_loop3A_1031 = tpu.vector_load %arg8[%parallel_loop3A_1029, %parallel_loop3A_1030] {strides = array<i32>} : memref<512x64xf32, #tpu.memory_space<vmem>>, vector<1x16xf32>,
        %parallel_loop3A_1032 = vector.shape_cast %parallel_loop3A_1031 : vector<1x16xf32> to vector<16xf32>
        %parallel_loop3A_1033 = arith.maximumf %parallel_loop3A_1023, %parallel_loop3A_1032 : vector<16xf32>
        %parallel_loop3A_1034 = arith.addf %parallel_loop3A_1024, %parallel_loop3A_1032 : vector<16xf32>
        %parallel_loop3A_1035 = arith.mulf %parallel_loop3A_1032, %parallel_loop3A_1032 : vector<16xf32>
        %parallel_loop3A_1036 = arith.addf %parallel_loop3A_1026, %parallel_loop3A_1035 : vector<16xf32>
        %parallel_loop3A_1037 = arith.constant 13 : i32
        %parallel_loop3A_1038 = arith.addi %parallel_loop3A_446, %parallel_loop3A_1037 : i32
        %parallel_loop3A_1039 = arith.index_cast %parallel_loop3A_1038 : i32 to index
        %parallel_loop3A_1040 = arith.constant 48 : index
        %parallel_loop3A_1041 = tpu.vector_load %arg8[%parallel_loop3A_1039, %parallel_loop3A_1040] {strides = array<i32>} : memref<512x64xf32, #tpu.memory_space<vmem>>, vector<1x16xf32>,
        %parallel_loop3A_1042 = vector.shape_cast %parallel_loop3A_1041 : vector<1x16xf32> to vector<16xf32>
        %parallel_loop3A_1043 = arith.maximumf %parallel_loop3A_1033, %parallel_loop3A_1042 : vector<16xf32>
        %parallel_loop3A_1044 = arith.addf %parallel_loop3A_1034, %parallel_loop3A_1042 : vector<16xf32>
        %parallel_loop3A_1045 = arith.mulf %parallel_loop3A_1042, %parallel_loop3A_1042 : vector<16xf32>
        %parallel_loop3A_1046 = arith.addf %parallel_loop3A_1036, %parallel_loop3A_1045 : vector<16xf32>
        %parallel_loop3A_1047 = arith.constant 14 : i32
        %parallel_loop3A_1048 = arith.addi %parallel_loop3A_446, %parallel_loop3A_1047 : i32
        %parallel_loop3A_1049 = arith.index_cast %parallel_loop3A_1048 : i32 to index
        %parallel_loop3A_1050 = arith.constant 48 : index
        %parallel_loop3A_1051 = tpu.vector_load %arg8[%parallel_loop3A_1049, %parallel_loop3A_1050] {strides = array<i32>} : memref<512x64xf32, #tpu.memory_space<vmem>>, vector<1x16xf32>,
        %parallel_loop3A_1052 = vector.shape_cast %parallel_loop3A_1051 : vector<1x16xf32> to vector<16xf32>
        %parallel_loop3A_1053 = arith.maximumf %parallel_loop3A_1043, %parallel_loop3A_1052 : vector<16xf32>
        %parallel_loop3A_1054 = arith.addf %parallel_loop3A_1044, %parallel_loop3A_1052 : vector<16xf32>
        %parallel_loop3A_1055 = arith.mulf %parallel_loop3A_1052, %parallel_loop3A_1052 : vector<16xf32>
        %parallel_loop3A_1056 = arith.addf %parallel_loop3A_1046, %parallel_loop3A_1055 : vector<16xf32>
        %parallel_loop3A_1057 = arith.constant 15 : i32
        %parallel_loop3A_1058 = arith.addi %parallel_loop3A_446, %parallel_loop3A_1057 : i32
        %parallel_loop3A_1059 = arith.index_cast %parallel_loop3A_1058 : i32 to index
        %parallel_loop3A_1060 = arith.constant 48 : index
        %parallel_loop3A_1061 = tpu.vector_load %arg8[%parallel_loop3A_1059, %parallel_loop3A_1060] {strides = array<i32>} : memref<512x64xf32, #tpu.memory_space<vmem>>, vector<1x16xf32>,
        %parallel_loop3A_1062 = vector.shape_cast %parallel_loop3A_1061 : vector<1x16xf32> to vector<16xf32>
        %parallel_loop3A_1063 = arith.maximumf %parallel_loop3A_1053, %parallel_loop3A_1062 : vector<16xf32>
        %parallel_loop3A_1064 = arith.addf %parallel_loop3A_1054, %parallel_loop3A_1062 : vector<16xf32>
        %parallel_loop3A_1065 = arith.mulf %parallel_loop3A_1062, %parallel_loop3A_1062 : vector<16xf32>
        %parallel_loop3A_1066 = arith.addf %parallel_loop3A_1056, %parallel_loop3A_1065 : vector<16xf32>
        %parallel_loop3A_1067 = arith.index_cast %parallel_loop3A_440 : i32 to index
        %parallel_loop3A_1068 = arith.constant 0 : index
        %parallel_loop3A_1069 = tpu.vector_load %arg10[%parallel_loop3A_1067, %parallel_loop3A_1068] {strides = array<i32>} : memref<32x64xf32, #tpu.memory_space<vmem>>, vector<1x16xf32>,
        %parallel_loop3A_1070 = vector.shape_cast %parallel_loop3A_1069 : vector<1x16xf32> to vector<16xf32>
        %parallel_loop3A_1071 = vector.shape_cast %parallel_loop3A_598 : vector<16xf32> to vector<1x16xf32>
        tpu.vector_store %arg10[%parallel_loop3A_1067, %parallel_loop3A_1068], %parallel_loop3A_1071 {strides = array<i32>} : memref<32x64xf32, #tpu.memory_space<vmem>>, vector<1x16xf32>,
        %parallel_loop3A_1072 = arith.index_cast %parallel_loop3A_440 : i32 to index
        %parallel_loop3A_1073 = arith.constant 0 : index
        %parallel_loop3A_1074 = tpu.vector_load %arg11[%parallel_loop3A_1072, %parallel_loop3A_1073] {strides = array<i32>} : memref<32x64xf32, #tpu.memory_space<vmem>>, vector<1x16xf32>,
        %parallel_loop3A_1075 = vector.shape_cast %parallel_loop3A_1074 : vector<1x16xf32> to vector<16xf32>
        %parallel_loop3A_1076 = vector.shape_cast %parallel_loop3A_599 : vector<16xf32> to vector<1x16xf32>
        tpu.vector_store %arg11[%parallel_loop3A_1072, %parallel_loop3A_1073], %parallel_loop3A_1076 {strides = array<i32>} : memref<32x64xf32, #tpu.memory_space<vmem>>, vector<1x16xf32>,
        %parallel_loop3A_1077 = arith.index_cast %parallel_loop3A_440 : i32 to index
        %parallel_loop3A_1078 = arith.constant 16 : index
        %parallel_loop3A_1079 = tpu.vector_load %arg10[%parallel_loop3A_1077, %parallel_loop3A_1078] {strides = array<i32>} : memref<32x64xf32, #tpu.memory_space<vmem>>, vector<1x16xf32>,
        %parallel_loop3A_1080 = vector.shape_cast %parallel_loop3A_1079 : vector<1x16xf32> to vector<16xf32>
        %parallel_loop3A_1081 = vector.shape_cast %parallel_loop3A_753 : vector<16xf32> to vector<1x16xf32>
        tpu.vector_store %arg10[%parallel_loop3A_1077, %parallel_loop3A_1078], %parallel_loop3A_1081 {strides = array<i32>} : memref<32x64xf32, #tpu.memory_space<vmem>>, vector<1x16xf32>,
        %parallel_loop3A_1082 = arith.index_cast %parallel_loop3A_440 : i32 to index
        %parallel_loop3A_1083 = arith.constant 16 : index
        %parallel_loop3A_1084 = tpu.vector_load %arg11[%parallel_loop3A_1082, %parallel_loop3A_1083] {strides = array<i32>} : memref<32x64xf32, #tpu.memory_space<vmem>>, vector<1x16xf32>,
        %parallel_loop3A_1085 = vector.shape_cast %parallel_loop3A_1084 : vector<1x16xf32> to vector<16xf32>
        %parallel_loop3A_1086 = vector.shape_cast %parallel_loop3A_754 : vector<16xf32> to vector<1x16xf32>
        tpu.vector_store %arg11[%parallel_loop3A_1082, %parallel_loop3A_1083], %parallel_loop3A_1086 {strides = array<i32>} : memref<32x64xf32, #tpu.memory_space<vmem>>, vector<1x16xf32>,
        %parallel_loop3A_1087 = arith.index_cast %parallel_loop3A_440 : i32 to index
        %parallel_loop3A_1088 = arith.constant 32 : index
        %parallel_loop3A_1089 = tpu.vector_load %arg10[%parallel_loop3A_1087, %parallel_loop3A_1088] {strides = array<i32>} : memref<32x64xf32, #tpu.memory_space<vmem>>, vector<1x16xf32>,
        %parallel_loop3A_1090 = vector.shape_cast %parallel_loop3A_1089 : vector<1x16xf32> to vector<16xf32>
        %parallel_loop3A_1091 = vector.shape_cast %parallel_loop3A_908 : vector<16xf32> to vector<1x16xf32>
        tpu.vector_store %arg10[%parallel_loop3A_1087, %parallel_loop3A_1088], %parallel_loop3A_1091 {strides = array<i32>} : memref<32x64xf32, #tpu.memory_space<vmem>>, vector<1x16xf32>,
        %parallel_loop3A_1092 = arith.index_cast %parallel_loop3A_440 : i32 to index
        %parallel_loop3A_1093 = arith.constant 32 : index
        %parallel_loop3A_1094 = tpu.vector_load %arg11[%parallel_loop3A_1092, %parallel_loop3A_1093] {strides = array<i32>} : memref<32x64xf32, #tpu.memory_space<vmem>>, vector<1x16xf32>,
        %parallel_loop3A_1095 = vector.shape_cast %parallel_loop3A_1094 : vector<1x16xf32> to vector<16xf32>
        %parallel_loop3A_1096 = vector.shape_cast %parallel_loop3A_909 : vector<16xf32> to vector<1x16xf32>
        tpu.vector_store %arg11[%parallel_loop3A_1092, %parallel_loop3A_1093], %parallel_loop3A_1096 {strides = array<i32>} : memref<32x64xf32, #tpu.memory_space<vmem>>, vector<1x16xf32>,
        %parallel_loop3A_1097 = arith.index_cast %parallel_loop3A_440 : i32 to index
        %parallel_loop3A_1098 = arith.constant 48 : index
        %parallel_loop3A_1099 = tpu.vector_load %arg10[%parallel_loop3A_1097, %parallel_loop3A_1098] {strides = array<i32>} : memref<32x64xf32, #tpu.memory_space<vmem>>, vector<1x16xf32>,
        %parallel_loop3A_1100 = vector.shape_cast %parallel_loop3A_1099 : vector<1x16xf32> to vector<16xf32>
        %parallel_loop3A_1101 = vector.shape_cast %parallel_loop3A_1063 : vector<16xf32> to vector<1x16xf32>
        tpu.vector_store %arg10[%parallel_loop3A_1097, %parallel_loop3A_1098], %parallel_loop3A_1101 {strides = array<i32>} : memref<32x64xf32, #tpu.memory_space<vmem>>, vector<1x16xf32>,
        %parallel_loop3A_1102 = arith.index_cast %parallel_loop3A_440 : i32 to index
        %parallel_loop3A_1103 = arith.constant 48 : index
        %parallel_loop3A_1104 = tpu.vector_load %arg11[%parallel_loop3A_1102, %parallel_loop3A_1103] {strides = array<i32>} : memref<32x64xf32, #tpu.memory_space<vmem>>, vector<1x16xf32>,
        %parallel_loop3A_1105 = vector.shape_cast %parallel_loop3A_1104 : vector<1x16xf32> to vector<16xf32>
        %parallel_loop3A_1106 = vector.shape_cast %parallel_loop3A_1064 : vector<16xf32> to vector<1x16xf32>
        tpu.vector_store %arg11[%parallel_loop3A_1102, %parallel_loop3A_1103], %parallel_loop3A_1106 {strides = array<i32>} : memref<32x64xf32, #tpu.memory_space<vmem>>, vector<1x16xf32>,
        %parallel_loop3A_1107 = arith.addf %parallel_loop3A_441, %parallel_loop3A_601 : vector<16xf32>
        %parallel_loop3A_1108 = arith.addf %parallel_loop3A_442, %parallel_loop3A_756 : vector<16xf32>
        %parallel_loop3A_1109 = arith.addf %parallel_loop3A_443, %parallel_loop3A_911 : vector<16xf32>
        %parallel_loop3A_1110 = arith.addf %parallel_loop3A_444, %parallel_loop3A_1066 : vector<16xf32>
        scf.yield %parallel_loop3A_1107, %parallel_loop3A_1108, %parallel_loop3A_1109, %parallel_loop3A_1110 : vector<16xf32>, vector<16xf32>, vector<16xf32>, vector<16xf32>
      } {sc.loop_unroll_factor = 2 : i64, sc.parallel_access}
      %dma_start3A_320 = tpu.memref_slice %arg4[%add3A_272, %mul3A_314] : memref<16384x128xf32, #tpu.memory_space<hbm>> -> memref<32x64xf32, #tpu.memory_space<hbm>>
      %dma_start3A_321 = tpu.memref_slice %arg4[%add3A_272, %mul3A_314] : memref<16384x128xf32, #tpu.memory_space<hbm>> -> memref<32x64xf32, #tpu.memory_space<hbm>>
      tpu.enqueue_dma source(%arg10 : memref<32x64xf32, #tpu.memory_space<vmem>>) target(%dma_start3A_321 : memref<32x64xf32, #tpu.memory_space<hbm>>) target_semaphore(%arg17 : memref<!tpu.dma_semaphore, #tpu.memory_space<semaphore_mem>>)
      %dma_start3A_322 = tpu.memref_slice %arg5[%add3A_272, %mul3A_314] : memref<16384x128xf32, #tpu.memory_space<hbm>> -> memref<32x64xf32, #tpu.memory_space<hbm>>
      %dma_start3A_323 = tpu.memref_slice %arg5[%add3A_272, %mul3A_314] : memref<16384x128xf32, #tpu.memory_space<hbm>> -> memref<32x64xf32, #tpu.memory_space<hbm>>
      tpu.enqueue_dma source(%arg11 : memref<32x64xf32, #tpu.memory_space<vmem>>) target(%dma_start3A_323 : memref<32x64xf32, #tpu.memory_space<hbm>>) target_semaphore(%arg17 : memref<!tpu.dma_semaphore, #tpu.memory_space<semaphore_mem>>)
      %dma_wait3A_324 = arith.constant 0 : i32
      %dma_wait3A_325 = arith.constant 0 : i32
      %dma_wait3A_326 = tpu.memref_slice %arg2[%dma_wait3A_324, %dma_wait3A_325] : memref<32768x64xf32, #tpu.memory_space<hbm>> -> memref<512x64xf32, #tpu.memory_space<hbm>>
      %dma_wait3A_327 = arith.constant 0 : i32
      %dma_wait3A_328 = arith.constant 0 : i32
      %dma_wait3A_329 = tpu.memref_slice %arg2[%dma_wait3A_327, %dma_wait3A_328] : memref<32768x64xf32, #tpu.memory_space<hbm>> -> memref<512x64xf32, #tpu.memory_space<hbm>>
      tpu.wait_dma2 semaphore(%arg16 : memref<!tpu.dma_semaphore, #tpu.memory_space<semaphore_mem>>) src(%dma_wait3A_329 : memref<512x64xf32, #tpu.memory_space<hbm>>) dst(%arg9 : memref<512x64xf32, #tpu.memory_space<vmem>>)
      %lt3A_330 = arith.constant 15 : i32
      %lt3A_331 = arith.cmpi slt, %scan3A_158, %lt3A_330 : i32
      %convert_element_type3A_332 = arith.extui %lt3A_331 : i1 to i32
      %cond3A_333 = arith.constant 0 : i32
      %cond3A_334 = arith.cmpi ne, %convert_element_type3A_332, %cond3A_333 : i32
      scf.if %cond3A_334 {
        %add3A_440 = arith.constant 2 : i32
        %add3A_441 = arith.addi %mul3A_164, %add3A_440 : i32
        %mul3A_442 = arith.constant 4 : i32
        %mul3A_443 = arith.muli %add3A_441, %mul3A_442 : i32
        %add3A_444 = arith.constant 0 : i32
        %add3A_445 = arith.addi %mul3A_443, %add3A_444 : i32
        %dma_start3A_446 = arith.constant 0 : i32
        %dma_start3A_447 = arith.constant 0 : i32
        %dma_start3A_448 = tpu.memref_slice %arg8[%dma_start3A_446, %dma_start3A_447] : memref<512x64xf32, #tpu.memory_space<vmem>> -> memref<128x64xf32, #tpu.memory_space<vmem>>
        %dma_start3A_449 = arith.constant 0 : i32
        %dma_start3A_450 = tpu.memref_slice %arg7[%add3A_445, %dma_start3A_449] : memref<128x128xi32, #tpu.memory_space<vmem>> -> memref<1x128xi32, #tpu.memory_space<vmem>>
        %dma_start3A_451 = tpu.memref_squeeze %dma_start3A_450 : memref<1x128xi32, #tpu.memory_space<vmem>> -> memref<128xi32, #tpu.memory_space<vmem>>
        %dma_start3A_452 = arith.constant 0 : i32
        %dma_start3A_453 = arith.constant 0 : i32
        %dma_start3A_454 = tpu.memref_slice %arg2[%dma_start3A_452, %dma_start3A_453] : memref<32768x64xf32, #tpu.memory_space<hbm>> -> memref<32768x64xf32, #tpu.memory_space<hbm>>
        tpu.enqueue_indirect_dma source(%dma_start3A_454 : memref<32768x64xf32, #tpu.memory_space<hbm>>) target(%dma_start3A_448 : memref<128x64xf32, #tpu.memory_space<vmem>>) offsets(%dma_start3A_451 : memref<128xi32, #tpu.memory_space<vmem>>) semaphore(%arg15 : memref<!tpu.dma_semaphore, #tpu.memory_space<semaphore_mem>>)
        %mul3A_455 = arith.constant 4 : i32
        %mul3A_456 = arith.muli %add3A_441, %mul3A_455 : i32
        %add3A_457 = arith.constant 1 : i32
        %add3A_458 = arith.addi %mul3A_456, %add3A_457 : i32
        %dma_start3A_459 = arith.constant 128 : i32
        %dma_start3A_460 = arith.constant 0 : i32
        %dma_start3A_461 = tpu.memref_slice %arg8[%dma_start3A_459, %dma_start3A_460] : memref<512x64xf32, #tpu.memory_space<vmem>> -> memref<128x64xf32, #tpu.memory_space<vmem>>
        %dma_start3A_462 = arith.constant 0 : i32
        %dma_start3A_463 = tpu.memref_slice %arg7[%add3A_458, %dma_start3A_462] : memref<128x128xi32, #tpu.memory_space<vmem>> -> memref<1x128xi32, #tpu.memory_space<vmem>>
        %dma_start3A_464 = tpu.memref_squeeze %dma_start3A_463 : memref<1x128xi32, #tpu.memory_space<vmem>> -> memref<128xi32, #tpu.memory_space<vmem>>
        %dma_start3A_465 = arith.constant 0 : i32
        %dma_start3A_466 = arith.constant 0 : i32
        %dma_start3A_467 = tpu.memref_slice %arg2[%dma_start3A_465, %dma_start3A_466] : memref<32768x64xf32, #tpu.memory_space<hbm>> -> memref<32768x64xf32, #tpu.memory_space<hbm>>
        tpu.enqueue_indirect_dma source(%dma_start3A_467 : memref<32768x64xf32, #tpu.memory_space<hbm>>) target(%dma_start3A_461 : memref<128x64xf32, #tpu.memory_space<vmem>>) offsets(%dma_start3A_464 : memref<128xi32, #tpu.memory_space<vmem>>) semaphore(%arg15 : memref<!tpu.dma_semaphore, #tpu.memory_space<semaphore_mem>>)
        %mul3A_468 = arith.constant 4 : i32
        %mul3A_469 = arith.muli %add3A_441, %mul3A_468 : i32
        %add3A_470 = arith.constant 2 : i32
        %add3A_471 = arith.addi %mul3A_469, %add3A_470 : i32
        %dma_start3A_472 = arith.constant 256 : i32
        %dma_start3A_473 = arith.constant 0 : i32
        %dma_start3A_474 = tpu.memref_slice %arg8[%dma_start3A_472, %dma_start3A_473] : memref<512x64xf32, #tpu.memory_space<vmem>> -> memref<128x64xf32, #tpu.memory_space<vmem>>
        %dma_start3A_475 = arith.constant 0 : i32
        %dma_start3A_476 = tpu.memref_slice %arg7[%add3A_471, %dma_start3A_475] : memref<128x128xi32, #tpu.memory_space<vmem>> -> memref<1x128xi32, #tpu.memory_space<vmem>>
        %dma_start3A_477 = tpu.memref_squeeze %dma_start3A_476 : memref<1x128xi32, #tpu.memory_space<vmem>> -> memref<128xi32, #tpu.memory_space<vmem>>
        %dma_start3A_478 = arith.constant 0 : i32
        %dma_start3A_479 = arith.constant 0 : i32
        %dma_start3A_480 = tpu.memref_slice %arg2[%dma_start3A_478, %dma_start3A_479] : memref<32768x64xf32, #tpu.memory_space<hbm>> -> memref<32768x64xf32, #tpu.memory_space<hbm>>
        tpu.enqueue_indirect_dma source(%dma_start3A_480 : memref<32768x64xf32, #tpu.memory_space<hbm>>) target(%dma_start3A_474 : memref<128x64xf32, #tpu.memory_space<vmem>>) offsets(%dma_start3A_477 : memref<128xi32, #tpu.memory_space<vmem>>) semaphore(%arg15 : memref<!tpu.dma_semaphore, #tpu.memory_space<semaphore_mem>>)
        %mul3A_481 = arith.constant 4 : i32
        %mul3A_482 = arith.muli %add3A_441, %mul3A_481 : i32
        %add3A_483 = arith.constant 3 : i32
        %add3A_484 = arith.addi %mul3A_482, %add3A_483 : i32
        %dma_start3A_485 = arith.constant 384 : i32
        %dma_start3A_486 = arith.constant 0 : i32
        %dma_start3A_487 = tpu.memref_slice %arg8[%dma_start3A_485, %dma_start3A_486] : memref<512x64xf32, #tpu.memory_space<vmem>> -> memref<128x64xf32, #tpu.memory_space<vmem>>
        %dma_start3A_488 = arith.constant 0 : i32
        %dma_start3A_489 = tpu.memref_slice %arg7[%add3A_484, %dma_start3A_488] : memref<128x128xi32, #tpu.memory_space<vmem>> -> memref<1x128xi32, #tpu.memory_space<vmem>>
        %dma_start3A_490 = tpu.memref_squeeze %dma_start3A_489 : memref<1x128xi32, #tpu.memory_space<vmem>> -> memref<128xi32, #tpu.memory_space<vmem>>
        %dma_start3A_491 = arith.constant 0 : i32
        %dma_start3A_492 = arith.constant 0 : i32
        %dma_start3A_493 = tpu.memref_slice %arg2[%dma_start3A_491, %dma_start3A_492] : memref<32768x64xf32, #tpu.memory_space<hbm>> -> memref<32768x64xf32, #tpu.memory_space<hbm>>
        tpu.enqueue_indirect_dma source(%dma_start3A_493 : memref<32768x64xf32, #tpu.memory_space<hbm>>) target(%dma_start3A_487 : memref<128x64xf32, #tpu.memory_space<vmem>>) offsets(%dma_start3A_490 : memref<128xi32, #tpu.memory_space<vmem>>) semaphore(%arg15 : memref<!tpu.dma_semaphore, #tpu.memory_space<semaphore_mem>>)
      } else {
      }
      %add3A_335 = arith.constant 1 : i32
      %add3A_336 = arith.addi %mul3A_164, %add3A_335 : i32
      %jit3A_337 = arith.constant 8 : i32
      %div3A_338 = arith.divsi %add3A, %jit3A_337 : i32
      %sign3A_339 = arith.constant 0 : i32
      %sign3A_340 = arith.cmpi sgt, %add3A, %sign3A_339 : i32
      %sign3A_341 = arith.extui %sign3A_340 : i1 to i32
      %sign3A_342 = arith.constant 0 : i32
      %sign3A_343 = arith.cmpi slt, %add3A, %sign3A_342 : i32
      %sign3A_344 = arith.extui %sign3A_343 : i1 to i32
      %sign3A_345 = arith.subi %sign3A_341, %sign3A_344 : i32
      %sign3A_346 = arith.constant 0 : i32
      %sign3A_347 = arith.cmpi sgt, %jit3A_337, %sign3A_346 : i32
      %sign3A_348 = arith.extui %sign3A_347 : i1 to i32
      %sign3A_349 = arith.constant 0 : i32
      %sign3A_350 = arith.cmpi slt, %jit3A_337, %sign3A_349 : i32
      %sign3A_351 = arith.extui %sign3A_350 : i1 to i32
      %sign3A_352 = arith.subi %sign3A_348, %sign3A_351 : i32
      %ne3A_353 = arith.cmpi ne, %sign3A_345, %sign3A_352 : i32
      %rem3A_354 = arith.remsi %add3A, %jit3A_337 : i32
      %ne3A_355 = arith.constant 0 : i32
      %ne3A_356 = arith.cmpi ne, %rem3A_354, %ne3A_355 : i32
      %and3A_357 = arith.andi %ne3A_353, %ne3A_356 : i1
      %sub3A_358 = arith.constant 1 : i32
      %sub3A_359 = arith.subi %div3A_338, %sub3A_358 : i32
      %select_n3A_360 = arith.select %and3A_357, %sub3A_359, %div3A_338 : i32
      %mul3A_361 = arith.constant 4096 : i32
      %mul3A_362 = arith.muli %select_n3A_360, %mul3A_361 : i32
      %jit3A_363 = arith.constant 4 : i32
      %eq3A_364 = arith.constant 0 : i32
      %eq3A_365 = arith.cmpi eq, %jit3A_363, %eq3A_364 : i32
      %jit3A_366 = arith.constant 1 : i32
      %select_n3A_367 = arith.select %eq3A_365, %jit3A_366, %jit3A_363 : i32
      %rem3A_368 = arith.remsi %add3A, %select_n3A_367 : i32
      %ne3A_369 = arith.constant 0 : i32
      %ne3A_370 = arith.cmpi ne, %rem3A_368, %ne3A_369 : i32
      %lt3A_371 = arith.constant 0 : i32
      %lt3A_372 = arith.cmpi slt, %rem3A_368, %lt3A_371 : i32
      %lt3A_373 = arith.constant 0 : i32
      %lt3A_374 = arith.cmpi slt, %select_n3A_367, %lt3A_373 : i32
      %ne3A_375 = arith.xori %lt3A_372, %lt3A_374 : i1
      %and3A_376 = arith.andi %ne3A_375, %ne3A_370 : i1
      %add3A_377 = arith.addi %rem3A_368, %select_n3A_367 : i32
      %select_n3A_378 = arith.select %and3A_376, %add3A_377, %rem3A_368 : i32
      %mul3A_379 = arith.constant 1024 : i32
      %mul3A_380 = arith.muli %select_n3A_378, %mul3A_379 : i32
      %add3A_381 = arith.addi %mul3A_362, %mul3A_380 : i32
      %mul3A_382 = arith.constant 32 : i32
      %mul3A_383 = arith.muli %add3A_336, %mul3A_382 : i32
      %add3A_384 = arith.addi %add3A_381, %mul3A_383 : i32
      %jit3A_385 = arith.constant 8 : i32
      %eq3A_386 = arith.constant 0 : i32
      %eq3A_387 = arith.cmpi eq, %jit3A_385, %eq3A_386 : i32
      %jit3A_388 = arith.constant 1 : i32
      %select_n3A_389 = arith.select %eq3A_387, %jit3A_388, %jit3A_385 : i32
      %rem3A_390 = arith.remsi %add3A, %select_n3A_389 : i32
      %ne3A_391 = arith.constant 0 : i32
      %ne3A_392 = arith.cmpi ne, %rem3A_390, %ne3A_391 : i32
      %lt3A_393 = arith.constant 0 : i32
      %lt3A_394 = arith.cmpi slt, %rem3A_390, %lt3A_393 : i32
      %lt3A_395 = arith.constant 0 : i32
      %lt3A_396 = arith.cmpi slt, %select_n3A_389, %lt3A_395 : i32
      %ne3A_397 = arith.xori %lt3A_394, %lt3A_396 : i1
      %and3A_398 = arith.andi %ne3A_397, %ne3A_392 : i1
      %add3A_399 = arith.addi %rem3A_390, %select_n3A_389 : i32
      %select_n3A_400 = arith.select %and3A_398, %add3A_399, %rem3A_390 : i32
      %jit3A_401 = arith.constant 4 : i32
      %div3A_402 = arith.divsi %select_n3A_400, %jit3A_401 : i32
      %sign3A_403 = arith.constant 0 : i32
      %sign3A_404 = arith.cmpi sgt, %select_n3A_400, %sign3A_403 : i32
      %sign3A_405 = arith.extui %sign3A_404 : i1 to i32
      %sign3A_406 = arith.constant 0 : i32
      %sign3A_407 = arith.cmpi slt, %select_n3A_400, %sign3A_406 : i32
      %sign3A_408 = arith.extui %sign3A_407 : i1 to i32
      %sign3A_409 = arith.subi %sign3A_405, %sign3A_408 : i32
      %sign3A_410 = arith.constant 0 : i32
      %sign3A_411 = arith.cmpi sgt, %jit3A_401, %sign3A_410 : i32
      %sign3A_412 = arith.extui %sign3A_411 : i1 to i32
      %sign3A_413 = arith.constant 0 : i32
      %sign3A_414 = arith.cmpi slt, %jit3A_401, %sign3A_413 : i32
      %sign3A_415 = arith.extui %sign3A_414 : i1 to i32
      %sign3A_416 = arith.subi %sign3A_412, %sign3A_415 : i32
      %ne3A_417 = arith.cmpi ne, %sign3A_409, %sign3A_416 : i32
      %rem3A_418 = arith.remsi %select_n3A_400, %jit3A_401 : i32
      %ne3A_419 = arith.constant 0 : i32
      %ne3A_420 = arith.cmpi ne, %rem3A_418, %ne3A_419 : i32
      %and3A_421 = arith.andi %ne3A_417, %ne3A_420 : i1
      %sub3A_422 = arith.constant 1 : i32
      %sub3A_423 = arith.subi %div3A_402, %sub3A_422 : i32
      %select_n3A_424 = arith.select %and3A_421, %sub3A_423, %div3A_402 : i32
      %mul3A_425 = arith.constant 64 : i32
      %mul3A_426 = arith.muli %select_n3A_424, %mul3A_425 : i32
      %ge3A_427 = arith.constant 2 : i32
      %ge3A_428 = arith.cmpi sge, %add3A_336, %ge3A_427 : i32
      %convert_element_type3A_429 = arith.extui %ge3A_428 : i1 to i32
      %cond3A_430 = arith.constant 0 : i32
      %cond3A_431 = arith.cmpi ne, %convert_element_type3A_429, %cond3A_430 : i32
      scf.if %cond3A_431 {
        %dma_wait3A_440 = tpu.memref_slice %arg4[%add3A_384, %mul3A_426] : memref<16384x128xf32, #tpu.memory_space<hbm>> -> memref<32x64xf32, #tpu.memory_space<hbm>>
        %dma_wait3A_441 = tpu.memref_slice %arg4[%add3A_384, %mul3A_426] : memref<16384x128xf32, #tpu.memory_space<hbm>> -> memref<32x64xf32, #tpu.memory_space<hbm>>
        tpu.wait_dma2 semaphore(%arg18 : memref<!tpu.dma_semaphore, #tpu.memory_space<semaphore_mem>>) src(%arg12 : memref<32x64xf32, #tpu.memory_space<vmem>>) dst(%dma_wait3A_441 : memref<32x64xf32, #tpu.memory_space<hbm>>)
        %dma_wait3A_442 = tpu.memref_slice %arg5[%add3A_384, %mul3A_426] : memref<16384x128xf32, #tpu.memory_space<hbm>> -> memref<32x64xf32, #tpu.memory_space<hbm>>
        %dma_wait3A_443 = tpu.memref_slice %arg5[%add3A_384, %mul3A_426] : memref<16384x128xf32, #tpu.memory_space<hbm>> -> memref<32x64xf32, #tpu.memory_space<hbm>>
        tpu.wait_dma2 semaphore(%arg18 : memref<!tpu.dma_semaphore, #tpu.memory_space<semaphore_mem>>) src(%arg13 : memref<32x64xf32, #tpu.memory_space<vmem>>) dst(%dma_wait3A_443 : memref<32x64xf32, #tpu.memory_space<hbm>>)
      } else {
      }
      %parallel_loop3A_432 = arith.constant 0 : i32
      %parallel_loop3A_433 = arith.constant 32 : i32
      %parallel_loop3A_434 = arith.constant 1 : i32
      %parallel_loop3A_435:4 = scf.for %parallel_loop3A_440 = %parallel_loop3A_432 to %parallel_loop3A_433 step %parallel_loop3A_434 iter_args(%parallel_loop3A_441 = %parallel_loop3A_319#0, %parallel_loop3A_442 = %parallel_loop3A_319#1, %parallel_loop3A_443 = %parallel_loop3A_319#2, %parallel_loop3A_444 = %parallel_loop3A_319#3) -> (vector<16xf32>, vector<16xf32>, vector<16xf32>, vector<16xf32>)  : i32 {
        %parallel_loop3A_445 = arith.constant 16 : i32
        %parallel_loop3A_446 = arith.muli %parallel_loop3A_440, %parallel_loop3A_445 : i32
        %parallel_loop3A_447 = arith.index_cast %parallel_loop3A_446 : i32 to index
        %parallel_loop3A_448 = arith.constant 0 : index
        %parallel_loop3A_449 = tpu.vector_load %arg9[%parallel_loop3A_447, %parallel_loop3A_448] {strides = array<i32>} : memref<512x64xf32, #tpu.memory_space<vmem>>, vector<1x16xf32>,
        %parallel_loop3A_450 = vector.shape_cast %parallel_loop3A_449 : vector<1x16xf32> to vector<16xf32>
        %parallel_loop3A_451 = arith.mulf %parallel_loop3A_450, %parallel_loop3A_450 : vector<16xf32>
        %parallel_loop3A_452 = arith.constant 1 : i32
        %parallel_loop3A_453 = arith.addi %parallel_loop3A_446, %parallel_loop3A_452 : i32
        %parallel_loop3A_454 = arith.index_cast %parallel_loop3A_453 : i32 to index
        %parallel_loop3A_455 = arith.constant 0 : index
        %parallel_loop3A_456 = tpu.vector_load %arg9[%parallel_loop3A_454, %parallel_loop3A_455] {strides = array<i32>} : memref<512x64xf32, #tpu.memory_space<vmem>>, vector<1x16xf32>,
        %parallel_loop3A_457 = vector.shape_cast %parallel_loop3A_456 : vector<1x16xf32> to vector<16xf32>
        %parallel_loop3A_458 = arith.maximumf %parallel_loop3A_450, %parallel_loop3A_457 : vector<16xf32>
        %parallel_loop3A_459 = arith.addf %parallel_loop3A_450, %parallel_loop3A_457 : vector<16xf32>
        %parallel_loop3A_460 = arith.mulf %parallel_loop3A_457, %parallel_loop3A_457 : vector<16xf32>
        %parallel_loop3A_461 = arith.addf %parallel_loop3A_451, %parallel_loop3A_460 : vector<16xf32>
        %parallel_loop3A_462 = arith.constant 2 : i32
        %parallel_loop3A_463 = arith.addi %parallel_loop3A_446, %parallel_loop3A_462 : i32
        %parallel_loop3A_464 = arith.index_cast %parallel_loop3A_463 : i32 to index
        %parallel_loop3A_465 = arith.constant 0 : index
        %parallel_loop3A_466 = tpu.vector_load %arg9[%parallel_loop3A_464, %parallel_loop3A_465] {strides = array<i32>} : memref<512x64xf32, #tpu.memory_space<vmem>>, vector<1x16xf32>,
        %parallel_loop3A_467 = vector.shape_cast %parallel_loop3A_466 : vector<1x16xf32> to vector<16xf32>
        %parallel_loop3A_468 = arith.maximumf %parallel_loop3A_458, %parallel_loop3A_467 : vector<16xf32>
        %parallel_loop3A_469 = arith.addf %parallel_loop3A_459, %parallel_loop3A_467 : vector<16xf32>
        %parallel_loop3A_470 = arith.mulf %parallel_loop3A_467, %parallel_loop3A_467 : vector<16xf32>
        %parallel_loop3A_471 = arith.addf %parallel_loop3A_461, %parallel_loop3A_470 : vector<16xf32>
        %parallel_loop3A_472 = arith.constant 3 : i32
        %parallel_loop3A_473 = arith.addi %parallel_loop3A_446, %parallel_loop3A_472 : i32
        %parallel_loop3A_474 = arith.index_cast %parallel_loop3A_473 : i32 to index
        %parallel_loop3A_475 = arith.constant 0 : index
        %parallel_loop3A_476 = tpu.vector_load %arg9[%parallel_loop3A_474, %parallel_loop3A_475] {strides = array<i32>} : memref<512x64xf32, #tpu.memory_space<vmem>>, vector<1x16xf32>,
        %parallel_loop3A_477 = vector.shape_cast %parallel_loop3A_476 : vector<1x16xf32> to vector<16xf32>
        %parallel_loop3A_478 = arith.maximumf %parallel_loop3A_468, %parallel_loop3A_477 : vector<16xf32>
        %parallel_loop3A_479 = arith.addf %parallel_loop3A_469, %parallel_loop3A_477 : vector<16xf32>
        %parallel_loop3A_480 = arith.mulf %parallel_loop3A_477, %parallel_loop3A_477 : vector<16xf32>
        %parallel_loop3A_481 = arith.addf %parallel_loop3A_471, %parallel_loop3A_480 : vector<16xf32>
        %parallel_loop3A_482 = arith.constant 4 : i32
        %parallel_loop3A_483 = arith.addi %parallel_loop3A_446, %parallel_loop3A_482 : i32
        %parallel_loop3A_484 = arith.index_cast %parallel_loop3A_483 : i32 to index
        %parallel_loop3A_485 = arith.constant 0 : index
        %parallel_loop3A_486 = tpu.vector_load %arg9[%parallel_loop3A_484, %parallel_loop3A_485] {strides = array<i32>} : memref<512x64xf32, #tpu.memory_space<vmem>>, vector<1x16xf32>,
        %parallel_loop3A_487 = vector.shape_cast %parallel_loop3A_486 : vector<1x16xf32> to vector<16xf32>
        %parallel_loop3A_488 = arith.maximumf %parallel_loop3A_478, %parallel_loop3A_487 : vector<16xf32>
        %parallel_loop3A_489 = arith.addf %parallel_loop3A_479, %parallel_loop3A_487 : vector<16xf32>
        %parallel_loop3A_490 = arith.mulf %parallel_loop3A_487, %parallel_loop3A_487 : vector<16xf32>
        %parallel_loop3A_491 = arith.addf %parallel_loop3A_481, %parallel_loop3A_490 : vector<16xf32>
        %parallel_loop3A_492 = arith.constant 5 : i32
        %parallel_loop3A_493 = arith.addi %parallel_loop3A_446, %parallel_loop3A_492 : i32
        %parallel_loop3A_494 = arith.index_cast %parallel_loop3A_493 : i32 to index
        %parallel_loop3A_495 = arith.constant 0 : index
        %parallel_loop3A_496 = tpu.vector_load %arg9[%parallel_loop3A_494, %parallel_loop3A_495] {strides = array<i32>} : memref<512x64xf32, #tpu.memory_space<vmem>>, vector<1x16xf32>,
        %parallel_loop3A_497 = vector.shape_cast %parallel_loop3A_496 : vector<1x16xf32> to vector<16xf32>
        %parallel_loop3A_498 = arith.maximumf %parallel_loop3A_488, %parallel_loop3A_497 : vector<16xf32>
        %parallel_loop3A_499 = arith.addf %parallel_loop3A_489, %parallel_loop3A_497 : vector<16xf32>
        %parallel_loop3A_500 = arith.mulf %parallel_loop3A_497, %parallel_loop3A_497 : vector<16xf32>
        %parallel_loop3A_501 = arith.addf %parallel_loop3A_491, %parallel_loop3A_500 : vector<16xf32>
        %parallel_loop3A_502 = arith.constant 6 : i32
        %parallel_loop3A_503 = arith.addi %parallel_loop3A_446, %parallel_loop3A_502 : i32
        %parallel_loop3A_504 = arith.index_cast %parallel_loop3A_503 : i32 to index
        %parallel_loop3A_505 = arith.constant 0 : index
        %parallel_loop3A_506 = tpu.vector_load %arg9[%parallel_loop3A_504, %parallel_loop3A_505] {strides = array<i32>} : memref<512x64xf32, #tpu.memory_space<vmem>>, vector<1x16xf32>,
        %parallel_loop3A_507 = vector.shape_cast %parallel_loop3A_506 : vector<1x16xf32> to vector<16xf32>
        %parallel_loop3A_508 = arith.maximumf %parallel_loop3A_498, %parallel_loop3A_507 : vector<16xf32>
        %parallel_loop3A_509 = arith.addf %parallel_loop3A_499, %parallel_loop3A_507 : vector<16xf32>
        %parallel_loop3A_510 = arith.mulf %parallel_loop3A_507, %parallel_loop3A_507 : vector<16xf32>
        %parallel_loop3A_511 = arith.addf %parallel_loop3A_501, %parallel_loop3A_510 : vector<16xf32>
        %parallel_loop3A_512 = arith.constant 7 : i32
        %parallel_loop3A_513 = arith.addi %parallel_loop3A_446, %parallel_loop3A_512 : i32
        %parallel_loop3A_514 = arith.index_cast %parallel_loop3A_513 : i32 to index
        %parallel_loop3A_515 = arith.constant 0 : index
        %parallel_loop3A_516 = tpu.vector_load %arg9[%parallel_loop3A_514, %parallel_loop3A_515] {strides = array<i32>} : memref<512x64xf32, #tpu.memory_space<vmem>>, vector<1x16xf32>,
        %parallel_loop3A_517 = vector.shape_cast %parallel_loop3A_516 : vector<1x16xf32> to vector<16xf32>
        %parallel_loop3A_518 = arith.maximumf %parallel_loop3A_508, %parallel_loop3A_517 : vector<16xf32>
        %parallel_loop3A_519 = arith.addf %parallel_loop3A_509, %parallel_loop3A_517 : vector<16xf32>
        %parallel_loop3A_520 = arith.mulf %parallel_loop3A_517, %parallel_loop3A_517 : vector<16xf32>
        %parallel_loop3A_521 = arith.addf %parallel_loop3A_511, %parallel_loop3A_520 : vector<16xf32>
        %parallel_loop3A_522 = arith.constant 8 : i32
        %parallel_loop3A_523 = arith.addi %parallel_loop3A_446, %parallel_loop3A_522 : i32
        %parallel_loop3A_524 = arith.index_cast %parallel_loop3A_523 : i32 to index
        %parallel_loop3A_525 = arith.constant 0 : index
        %parallel_loop3A_526 = tpu.vector_load %arg9[%parallel_loop3A_524, %parallel_loop3A_525] {strides = array<i32>} : memref<512x64xf32, #tpu.memory_space<vmem>>, vector<1x16xf32>,
        %parallel_loop3A_527 = vector.shape_cast %parallel_loop3A_526 : vector<1x16xf32> to vector<16xf32>
        %parallel_loop3A_528 = arith.maximumf %parallel_loop3A_518, %parallel_loop3A_527 : vector<16xf32>
        %parallel_loop3A_529 = arith.addf %parallel_loop3A_519, %parallel_loop3A_527 : vector<16xf32>
        %parallel_loop3A_530 = arith.mulf %parallel_loop3A_527, %parallel_loop3A_527 : vector<16xf32>
        %parallel_loop3A_531 = arith.addf %parallel_loop3A_521, %parallel_loop3A_530 : vector<16xf32>
        %parallel_loop3A_532 = arith.constant 9 : i32
        %parallel_loop3A_533 = arith.addi %parallel_loop3A_446, %parallel_loop3A_532 : i32
        %parallel_loop3A_534 = arith.index_cast %parallel_loop3A_533 : i32 to index
        %parallel_loop3A_535 = arith.constant 0 : index
        %parallel_loop3A_536 = tpu.vector_load %arg9[%parallel_loop3A_534, %parallel_loop3A_535] {strides = array<i32>} : memref<512x64xf32, #tpu.memory_space<vmem>>, vector<1x16xf32>,
        %parallel_loop3A_537 = vector.shape_cast %parallel_loop3A_536 : vector<1x16xf32> to vector<16xf32>
        %parallel_loop3A_538 = arith.maximumf %parallel_loop3A_528, %parallel_loop3A_537 : vector<16xf32>
        %parallel_loop3A_539 = arith.addf %parallel_loop3A_529, %parallel_loop3A_537 : vector<16xf32>
        %parallel_loop3A_540 = arith.mulf %parallel_loop3A_537, %parallel_loop3A_537 : vector<16xf32>
        %parallel_loop3A_541 = arith.addf %parallel_loop3A_531, %parallel_loop3A_540 : vector<16xf32>
        %parallel_loop3A_542 = arith.constant 10 : i32
        %parallel_loop3A_543 = arith.addi %parallel_loop3A_446, %parallel_loop3A_542 : i32
        %parallel_loop3A_544 = arith.index_cast %parallel_loop3A_543 : i32 to index
        %parallel_loop3A_545 = arith.constant 0 : index
        %parallel_loop3A_546 = tpu.vector_load %arg9[%parallel_loop3A_544, %parallel_loop3A_545] {strides = array<i32>} : memref<512x64xf32, #tpu.memory_space<vmem>>, vector<1x16xf32>,
        %parallel_loop3A_547 = vector.shape_cast %parallel_loop3A_546 : vector<1x16xf32> to vector<16xf32>
        %parallel_loop3A_548 = arith.maximumf %parallel_loop3A_538, %parallel_loop3A_547 : vector<16xf32>
        %parallel_loop3A_549 = arith.addf %parallel_loop3A_539, %parallel_loop3A_547 : vector<16xf32>
        %parallel_loop3A_550 = arith.mulf %parallel_loop3A_547, %parallel_loop3A_547 : vector<16xf32>
        %parallel_loop3A_551 = arith.addf %parallel_loop3A_541, %parallel_loop3A_550 : vector<16xf32>
        %parallel_loop3A_552 = arith.constant 11 : i32
        %parallel_loop3A_553 = arith.addi %parallel_loop3A_446, %parallel_loop3A_552 : i32
        %parallel_loop3A_554 = arith.index_cast %parallel_loop3A_553 : i32 to index
        %parallel_loop3A_555 = arith.constant 0 : index
        %parallel_loop3A_556 = tpu.vector_load %arg9[%parallel_loop3A_554, %parallel_loop3A_555] {strides = array<i32>} : memref<512x64xf32, #tpu.memory_space<vmem>>, vector<1x16xf32>,
        %parallel_loop3A_557 = vector.shape_cast %parallel_loop3A_556 : vector<1x16xf32> to vector<16xf32>
        %parallel_loop3A_558 = arith.maximumf %parallel_loop3A_548, %parallel_loop3A_557 : vector<16xf32>
        %parallel_loop3A_559 = arith.addf %parallel_loop3A_549, %parallel_loop3A_557 : vector<16xf32>
        %parallel_loop3A_560 = arith.mulf %parallel_loop3A_557, %parallel_loop3A_557 : vector<16xf32>
        %parallel_loop3A_561 = arith.addf %parallel_loop3A_551, %parallel_loop3A_560 : vector<16xf32>
        %parallel_loop3A_562 = arith.constant 12 : i32
        %parallel_loop3A_563 = arith.addi %parallel_loop3A_446, %parallel_loop3A_562 : i32
        %parallel_loop3A_564 = arith.index_cast %parallel_loop3A_563 : i32 to index
        %parallel_loop3A_565 = arith.constant 0 : index
        %parallel_loop3A_566 = tpu.vector_load %arg9[%parallel_loop3A_564, %parallel_loop3A_565] {strides = array<i32>} : memref<512x64xf32, #tpu.memory_space<vmem>>, vector<1x16xf32>,
        %parallel_loop3A_567 = vector.shape_cast %parallel_loop3A_566 : vector<1x16xf32> to vector<16xf32>
        %parallel_loop3A_568 = arith.maximumf %parallel_loop3A_558, %parallel_loop3A_567 : vector<16xf32>
        %parallel_loop3A_569 = arith.addf %parallel_loop3A_559, %parallel_loop3A_567 : vector<16xf32>
        %parallel_loop3A_570 = arith.mulf %parallel_loop3A_567, %parallel_loop3A_567 : vector<16xf32>
        %parallel_loop3A_571 = arith.addf %parallel_loop3A_561, %parallel_loop3A_570 : vector<16xf32>
        %parallel_loop3A_572 = arith.constant 13 : i32
        %parallel_loop3A_573 = arith.addi %parallel_loop3A_446, %parallel_loop3A_572 : i32
        %parallel_loop3A_574 = arith.index_cast %parallel_loop3A_573 : i32 to index
        %parallel_loop3A_575 = arith.constant 0 : index
        %parallel_loop3A_576 = tpu.vector_load %arg9[%parallel_loop3A_574, %parallel_loop3A_575] {strides = array<i32>} : memref<512x64xf32, #tpu.memory_space<vmem>>, vector<1x16xf32>,
        %parallel_loop3A_577 = vector.shape_cast %parallel_loop3A_576 : vector<1x16xf32> to vector<16xf32>
        %parallel_loop3A_578 = arith.maximumf %parallel_loop3A_568, %parallel_loop3A_577 : vector<16xf32>
        %parallel_loop3A_579 = arith.addf %parallel_loop3A_569, %parallel_loop3A_577 : vector<16xf32>
        %parallel_loop3A_580 = arith.mulf %parallel_loop3A_577, %parallel_loop3A_577 : vector<16xf32>
        %parallel_loop3A_581 = arith.addf %parallel_loop3A_571, %parallel_loop3A_580 : vector<16xf32>
        %parallel_loop3A_582 = arith.constant 14 : i32
        %parallel_loop3A_583 = arith.addi %parallel_loop3A_446, %parallel_loop3A_582 : i32
        %parallel_loop3A_584 = arith.index_cast %parallel_loop3A_583 : i32 to index
        %parallel_loop3A_585 = arith.constant 0 : index
        %parallel_loop3A_586 = tpu.vector_load %arg9[%parallel_loop3A_584, %parallel_loop3A_585] {strides = array<i32>} : memref<512x64xf32, #tpu.memory_space<vmem>>, vector<1x16xf32>,
        %parallel_loop3A_587 = vector.shape_cast %parallel_loop3A_586 : vector<1x16xf32> to vector<16xf32>
        %parallel_loop3A_588 = arith.maximumf %parallel_loop3A_578, %parallel_loop3A_587 : vector<16xf32>
        %parallel_loop3A_589 = arith.addf %parallel_loop3A_579, %parallel_loop3A_587 : vector<16xf32>
        %parallel_loop3A_590 = arith.mulf %parallel_loop3A_587, %parallel_loop3A_587 : vector<16xf32>
        %parallel_loop3A_591 = arith.addf %parallel_loop3A_581, %parallel_loop3A_590 : vector<16xf32>
        %parallel_loop3A_592 = arith.constant 15 : i32
        %parallel_loop3A_593 = arith.addi %parallel_loop3A_446, %parallel_loop3A_592 : i32
        %parallel_loop3A_594 = arith.index_cast %parallel_loop3A_593 : i32 to index
        %parallel_loop3A_595 = arith.constant 0 : index
        %parallel_loop3A_596 = tpu.vector_load %arg9[%parallel_loop3A_594, %parallel_loop3A_595] {strides = array<i32>} : memref<512x64xf32, #tpu.memory_space<vmem>>, vector<1x16xf32>,
        %parallel_loop3A_597 = vector.shape_cast %parallel_loop3A_596 : vector<1x16xf32> to vector<16xf32>
        %parallel_loop3A_598 = arith.maximumf %parallel_loop3A_588, %parallel_loop3A_597 : vector<16xf32>
        %parallel_loop3A_599 = arith.addf %parallel_loop3A_589, %parallel_loop3A_597 : vector<16xf32>
        %parallel_loop3A_600 = arith.mulf %parallel_loop3A_597, %parallel_loop3A_597 : vector<16xf32>
        %parallel_loop3A_601 = arith.addf %parallel_loop3A_591, %parallel_loop3A_600 : vector<16xf32>
        %parallel_loop3A_602 = arith.index_cast %parallel_loop3A_446 : i32 to index
        %parallel_loop3A_603 = arith.constant 16 : index
        %parallel_loop3A_604 = tpu.vector_load %arg9[%parallel_loop3A_602, %parallel_loop3A_603] {strides = array<i32>} : memref<512x64xf32, #tpu.memory_space<vmem>>, vector<1x16xf32>,
        %parallel_loop3A_605 = vector.shape_cast %parallel_loop3A_604 : vector<1x16xf32> to vector<16xf32>
        %parallel_loop3A_606 = arith.mulf %parallel_loop3A_605, %parallel_loop3A_605 : vector<16xf32>
        %parallel_loop3A_607 = arith.constant 1 : i32
        %parallel_loop3A_608 = arith.addi %parallel_loop3A_446, %parallel_loop3A_607 : i32
        %parallel_loop3A_609 = arith.index_cast %parallel_loop3A_608 : i32 to index
        %parallel_loop3A_610 = arith.constant 16 : index
        %parallel_loop3A_611 = tpu.vector_load %arg9[%parallel_loop3A_609, %parallel_loop3A_610] {strides = array<i32>} : memref<512x64xf32, #tpu.memory_space<vmem>>, vector<1x16xf32>,
        %parallel_loop3A_612 = vector.shape_cast %parallel_loop3A_611 : vector<1x16xf32> to vector<16xf32>
        %parallel_loop3A_613 = arith.maximumf %parallel_loop3A_605, %parallel_loop3A_612 : vector<16xf32>
        %parallel_loop3A_614 = arith.addf %parallel_loop3A_605, %parallel_loop3A_612 : vector<16xf32>
        %parallel_loop3A_615 = arith.mulf %parallel_loop3A_612, %parallel_loop3A_612 : vector<16xf32>
        %parallel_loop3A_616 = arith.addf %parallel_loop3A_606, %parallel_loop3A_615 : vector<16xf32>
        %parallel_loop3A_617 = arith.constant 2 : i32
        %parallel_loop3A_618 = arith.addi %parallel_loop3A_446, %parallel_loop3A_617 : i32
        %parallel_loop3A_619 = arith.index_cast %parallel_loop3A_618 : i32 to index
        %parallel_loop3A_620 = arith.constant 16 : index
        %parallel_loop3A_621 = tpu.vector_load %arg9[%parallel_loop3A_619, %parallel_loop3A_620] {strides = array<i32>} : memref<512x64xf32, #tpu.memory_space<vmem>>, vector<1x16xf32>,
        %parallel_loop3A_622 = vector.shape_cast %parallel_loop3A_621 : vector<1x16xf32> to vector<16xf32>
        %parallel_loop3A_623 = arith.maximumf %parallel_loop3A_613, %parallel_loop3A_622 : vector<16xf32>
        %parallel_loop3A_624 = arith.addf %parallel_loop3A_614, %parallel_loop3A_622 : vector<16xf32>
        %parallel_loop3A_625 = arith.mulf %parallel_loop3A_622, %parallel_loop3A_622 : vector<16xf32>
        %parallel_loop3A_626 = arith.addf %parallel_loop3A_616, %parallel_loop3A_625 : vector<16xf32>
        %parallel_loop3A_627 = arith.constant 3 : i32
        %parallel_loop3A_628 = arith.addi %parallel_loop3A_446, %parallel_loop3A_627 : i32
        %parallel_loop3A_629 = arith.index_cast %parallel_loop3A_628 : i32 to index
        %parallel_loop3A_630 = arith.constant 16 : index
        %parallel_loop3A_631 = tpu.vector_load %arg9[%parallel_loop3A_629, %parallel_loop3A_630] {strides = array<i32>} : memref<512x64xf32, #tpu.memory_space<vmem>>, vector<1x16xf32>,
        %parallel_loop3A_632 = vector.shape_cast %parallel_loop3A_631 : vector<1x16xf32> to vector<16xf32>
        %parallel_loop3A_633 = arith.maximumf %parallel_loop3A_623, %parallel_loop3A_632 : vector<16xf32>
        %parallel_loop3A_634 = arith.addf %parallel_loop3A_624, %parallel_loop3A_632 : vector<16xf32>
        %parallel_loop3A_635 = arith.mulf %parallel_loop3A_632, %parallel_loop3A_632 : vector<16xf32>
        %parallel_loop3A_636 = arith.addf %parallel_loop3A_626, %parallel_loop3A_635 : vector<16xf32>
        %parallel_loop3A_637 = arith.constant 4 : i32
        %parallel_loop3A_638 = arith.addi %parallel_loop3A_446, %parallel_loop3A_637 : i32
        %parallel_loop3A_639 = arith.index_cast %parallel_loop3A_638 : i32 to index
        %parallel_loop3A_640 = arith.constant 16 : index
        %parallel_loop3A_641 = tpu.vector_load %arg9[%parallel_loop3A_639, %parallel_loop3A_640] {strides = array<i32>} : memref<512x64xf32, #tpu.memory_space<vmem>>, vector<1x16xf32>,
        %parallel_loop3A_642 = vector.shape_cast %parallel_loop3A_641 : vector<1x16xf32> to vector<16xf32>
        %parallel_loop3A_643 = arith.maximumf %parallel_loop3A_633, %parallel_loop3A_642 : vector<16xf32>
        %parallel_loop3A_644 = arith.addf %parallel_loop3A_634, %parallel_loop3A_642 : vector<16xf32>
        %parallel_loop3A_645 = arith.mulf %parallel_loop3A_642, %parallel_loop3A_642 : vector<16xf32>
        %parallel_loop3A_646 = arith.addf %parallel_loop3A_636, %parallel_loop3A_645 : vector<16xf32>
        %parallel_loop3A_647 = arith.constant 5 : i32
        %parallel_loop3A_648 = arith.addi %parallel_loop3A_446, %parallel_loop3A_647 : i32
        %parallel_loop3A_649 = arith.index_cast %parallel_loop3A_648 : i32 to index
        %parallel_loop3A_650 = arith.constant 16 : index
        %parallel_loop3A_651 = tpu.vector_load %arg9[%parallel_loop3A_649, %parallel_loop3A_650] {strides = array<i32>} : memref<512x64xf32, #tpu.memory_space<vmem>>, vector<1x16xf32>,
        %parallel_loop3A_652 = vector.shape_cast %parallel_loop3A_651 : vector<1x16xf32> to vector<16xf32>
        %parallel_loop3A_653 = arith.maximumf %parallel_loop3A_643, %parallel_loop3A_652 : vector<16xf32>
        %parallel_loop3A_654 = arith.addf %parallel_loop3A_644, %parallel_loop3A_652 : vector<16xf32>
        %parallel_loop3A_655 = arith.mulf %parallel_loop3A_652, %parallel_loop3A_652 : vector<16xf32>
        %parallel_loop3A_656 = arith.addf %parallel_loop3A_646, %parallel_loop3A_655 : vector<16xf32>
        %parallel_loop3A_657 = arith.constant 6 : i32
        %parallel_loop3A_658 = arith.addi %parallel_loop3A_446, %parallel_loop3A_657 : i32
        %parallel_loop3A_659 = arith.index_cast %parallel_loop3A_658 : i32 to index
        %parallel_loop3A_660 = arith.constant 16 : index
        %parallel_loop3A_661 = tpu.vector_load %arg9[%parallel_loop3A_659, %parallel_loop3A_660] {strides = array<i32>} : memref<512x64xf32, #tpu.memory_space<vmem>>, vector<1x16xf32>,
        %parallel_loop3A_662 = vector.shape_cast %parallel_loop3A_661 : vector<1x16xf32> to vector<16xf32>
        %parallel_loop3A_663 = arith.maximumf %parallel_loop3A_653, %parallel_loop3A_662 : vector<16xf32>
        %parallel_loop3A_664 = arith.addf %parallel_loop3A_654, %parallel_loop3A_662 : vector<16xf32>
        %parallel_loop3A_665 = arith.mulf %parallel_loop3A_662, %parallel_loop3A_662 : vector<16xf32>
        %parallel_loop3A_666 = arith.addf %parallel_loop3A_656, %parallel_loop3A_665 : vector<16xf32>
        %parallel_loop3A_667 = arith.constant 7 : i32
        %parallel_loop3A_668 = arith.addi %parallel_loop3A_446, %parallel_loop3A_667 : i32
        %parallel_loop3A_669 = arith.index_cast %parallel_loop3A_668 : i32 to index
        %parallel_loop3A_670 = arith.constant 16 : index
        %parallel_loop3A_671 = tpu.vector_load %arg9[%parallel_loop3A_669, %parallel_loop3A_670] {strides = array<i32>} : memref<512x64xf32, #tpu.memory_space<vmem>>, vector<1x16xf32>,
        %parallel_loop3A_672 = vector.shape_cast %parallel_loop3A_671 : vector<1x16xf32> to vector<16xf32>
        %parallel_loop3A_673 = arith.maximumf %parallel_loop3A_663, %parallel_loop3A_672 : vector<16xf32>
        %parallel_loop3A_674 = arith.addf %parallel_loop3A_664, %parallel_loop3A_672 : vector<16xf32>
        %parallel_loop3A_675 = arith.mulf %parallel_loop3A_672, %parallel_loop3A_672 : vector<16xf32>
        %parallel_loop3A_676 = arith.addf %parallel_loop3A_666, %parallel_loop3A_675 : vector<16xf32>
        %parallel_loop3A_677 = arith.constant 8 : i32
        %parallel_loop3A_678 = arith.addi %parallel_loop3A_446, %parallel_loop3A_677 : i32
        %parallel_loop3A_679 = arith.index_cast %parallel_loop3A_678 : i32 to index
        %parallel_loop3A_680 = arith.constant 16 : index
        %parallel_loop3A_681 = tpu.vector_load %arg9[%parallel_loop3A_679, %parallel_loop3A_680] {strides = array<i32>} : memref<512x64xf32, #tpu.memory_space<vmem>>, vector<1x16xf32>,
        %parallel_loop3A_682 = vector.shape_cast %parallel_loop3A_681 : vector<1x16xf32> to vector<16xf32>
        %parallel_loop3A_683 = arith.maximumf %parallel_loop3A_673, %parallel_loop3A_682 : vector<16xf32>
        %parallel_loop3A_684 = arith.addf %parallel_loop3A_674, %parallel_loop3A_682 : vector<16xf32>
        %parallel_loop3A_685 = arith.mulf %parallel_loop3A_682, %parallel_loop3A_682 : vector<16xf32>
        %parallel_loop3A_686 = arith.addf %parallel_loop3A_676, %parallel_loop3A_685 : vector<16xf32>
        %parallel_loop3A_687 = arith.constant 9 : i32
        %parallel_loop3A_688 = arith.addi %parallel_loop3A_446, %parallel_loop3A_687 : i32
        %parallel_loop3A_689 = arith.index_cast %parallel_loop3A_688 : i32 to index
        %parallel_loop3A_690 = arith.constant 16 : index
        %parallel_loop3A_691 = tpu.vector_load %arg9[%parallel_loop3A_689, %parallel_loop3A_690] {strides = array<i32>} : memref<512x64xf32, #tpu.memory_space<vmem>>, vector<1x16xf32>,
        %parallel_loop3A_692 = vector.shape_cast %parallel_loop3A_691 : vector<1x16xf32> to vector<16xf32>
        %parallel_loop3A_693 = arith.maximumf %parallel_loop3A_683, %parallel_loop3A_692 : vector<16xf32>
        %parallel_loop3A_694 = arith.addf %parallel_loop3A_684, %parallel_loop3A_692 : vector<16xf32>
        %parallel_loop3A_695 = arith.mulf %parallel_loop3A_692, %parallel_loop3A_692 : vector<16xf32>
        %parallel_loop3A_696 = arith.addf %parallel_loop3A_686, %parallel_loop3A_695 : vector<16xf32>
        %parallel_loop3A_697 = arith.constant 10 : i32
        %parallel_loop3A_698 = arith.addi %parallel_loop3A_446, %parallel_loop3A_697 : i32
        %parallel_loop3A_699 = arith.index_cast %parallel_loop3A_698 : i32 to index
        %parallel_loop3A_700 = arith.constant 16 : index
        %parallel_loop3A_701 = tpu.vector_load %arg9[%parallel_loop3A_699, %parallel_loop3A_700] {strides = array<i32>} : memref<512x64xf32, #tpu.memory_space<vmem>>, vector<1x16xf32>,
        %parallel_loop3A_702 = vector.shape_cast %parallel_loop3A_701 : vector<1x16xf32> to vector<16xf32>
        %parallel_loop3A_703 = arith.maximumf %parallel_loop3A_693, %parallel_loop3A_702 : vector<16xf32>
        %parallel_loop3A_704 = arith.addf %parallel_loop3A_694, %parallel_loop3A_702 : vector<16xf32>
        %parallel_loop3A_705 = arith.mulf %parallel_loop3A_702, %parallel_loop3A_702 : vector<16xf32>
        %parallel_loop3A_706 = arith.addf %parallel_loop3A_696, %parallel_loop3A_705 : vector<16xf32>
        %parallel_loop3A_707 = arith.constant 11 : i32
        %parallel_loop3A_708 = arith.addi %parallel_loop3A_446, %parallel_loop3A_707 : i32
        %parallel_loop3A_709 = arith.index_cast %parallel_loop3A_708 : i32 to index
        %parallel_loop3A_710 = arith.constant 16 : index
        %parallel_loop3A_711 = tpu.vector_load %arg9[%parallel_loop3A_709, %parallel_loop3A_710] {strides = array<i32>} : memref<512x64xf32, #tpu.memory_space<vmem>>, vector<1x16xf32>,
        %parallel_loop3A_712 = vector.shape_cast %parallel_loop3A_711 : vector<1x16xf32> to vector<16xf32>
        %parallel_loop3A_713 = arith.maximumf %parallel_loop3A_703, %parallel_loop3A_712 : vector<16xf32>
        %parallel_loop3A_714 = arith.addf %parallel_loop3A_704, %parallel_loop3A_712 : vector<16xf32>
        %parallel_loop3A_715 = arith.mulf %parallel_loop3A_712, %parallel_loop3A_712 : vector<16xf32>
        %parallel_loop3A_716 = arith.addf %parallel_loop3A_706, %parallel_loop3A_715 : vector<16xf32>
        %parallel_loop3A_717 = arith.constant 12 : i32
        %parallel_loop3A_718 = arith.addi %parallel_loop3A_446, %parallel_loop3A_717 : i32
        %parallel_loop3A_719 = arith.index_cast %parallel_loop3A_718 : i32 to index
        %parallel_loop3A_720 = arith.constant 16 : index
        %parallel_loop3A_721 = tpu.vector_load %arg9[%parallel_loop3A_719, %parallel_loop3A_720] {strides = array<i32>} : memref<512x64xf32, #tpu.memory_space<vmem>>, vector<1x16xf32>,
        %parallel_loop3A_722 = vector.shape_cast %parallel_loop3A_721 : vector<1x16xf32> to vector<16xf32>
        %parallel_loop3A_723 = arith.maximumf %parallel_loop3A_713, %parallel_loop3A_722 : vector<16xf32>
        %parallel_loop3A_724 = arith.addf %parallel_loop3A_714, %parallel_loop3A_722 : vector<16xf32>
        %parallel_loop3A_725 = arith.mulf %parallel_loop3A_722, %parallel_loop3A_722 : vector<16xf32>
        %parallel_loop3A_726 = arith.addf %parallel_loop3A_716, %parallel_loop3A_725 : vector<16xf32>
        %parallel_loop3A_727 = arith.constant 13 : i32
        %parallel_loop3A_728 = arith.addi %parallel_loop3A_446, %parallel_loop3A_727 : i32
        %parallel_loop3A_729 = arith.index_cast %parallel_loop3A_728 : i32 to index
        %parallel_loop3A_730 = arith.constant 16 : index
        %parallel_loop3A_731 = tpu.vector_load %arg9[%parallel_loop3A_729, %parallel_loop3A_730] {strides = array<i32>} : memref<512x64xf32, #tpu.memory_space<vmem>>, vector<1x16xf32>,
        %parallel_loop3A_732 = vector.shape_cast %parallel_loop3A_731 : vector<1x16xf32> to vector<16xf32>
        %parallel_loop3A_733 = arith.maximumf %parallel_loop3A_723, %parallel_loop3A_732 : vector<16xf32>
        %parallel_loop3A_734 = arith.addf %parallel_loop3A_724, %parallel_loop3A_732 : vector<16xf32>
        %parallel_loop3A_735 = arith.mulf %parallel_loop3A_732, %parallel_loop3A_732 : vector<16xf32>
        %parallel_loop3A_736 = arith.addf %parallel_loop3A_726, %parallel_loop3A_735 : vector<16xf32>
        %parallel_loop3A_737 = arith.constant 14 : i32
        %parallel_loop3A_738 = arith.addi %parallel_loop3A_446, %parallel_loop3A_737 : i32
        %parallel_loop3A_739 = arith.index_cast %parallel_loop3A_738 : i32 to index
        %parallel_loop3A_740 = arith.constant 16 : index
        %parallel_loop3A_741 = tpu.vector_load %arg9[%parallel_loop3A_739, %parallel_loop3A_740] {strides = array<i32>} : memref<512x64xf32, #tpu.memory_space<vmem>>, vector<1x16xf32>,
        %parallel_loop3A_742 = vector.shape_cast %parallel_loop3A_741 : vector<1x16xf32> to vector<16xf32>
        %parallel_loop3A_743 = arith.maximumf %parallel_loop3A_733, %parallel_loop3A_742 : vector<16xf32>
        %parallel_loop3A_744 = arith.addf %parallel_loop3A_734, %parallel_loop3A_742 : vector<16xf32>
        %parallel_loop3A_745 = arith.mulf %parallel_loop3A_742, %parallel_loop3A_742 : vector<16xf32>
        %parallel_loop3A_746 = arith.addf %parallel_loop3A_736, %parallel_loop3A_745 : vector<16xf32>
        %parallel_loop3A_747 = arith.constant 15 : i32
        %parallel_loop3A_748 = arith.addi %parallel_loop3A_446, %parallel_loop3A_747 : i32
        %parallel_loop3A_749 = arith.index_cast %parallel_loop3A_748 : i32 to index
        %parallel_loop3A_750 = arith.constant 16 : index
        %parallel_loop3A_751 = tpu.vector_load %arg9[%parallel_loop3A_749, %parallel_loop3A_750] {strides = array<i32>} : memref<512x64xf32, #tpu.memory_space<vmem>>, vector<1x16xf32>,
        %parallel_loop3A_752 = vector.shape_cast %parallel_loop3A_751 : vector<1x16xf32> to vector<16xf32>
        %parallel_loop3A_753 = arith.maximumf %parallel_loop3A_743, %parallel_loop3A_752 : vector<16xf32>
        %parallel_loop3A_754 = arith.addf %parallel_loop3A_744, %parallel_loop3A_752 : vector<16xf32>
        %parallel_loop3A_755 = arith.mulf %parallel_loop3A_752, %parallel_loop3A_752 : vector<16xf32>
        %parallel_loop3A_756 = arith.addf %parallel_loop3A_746, %parallel_loop3A_755 : vector<16xf32>
        %parallel_loop3A_757 = arith.index_cast %parallel_loop3A_446 : i32 to index
        %parallel_loop3A_758 = arith.constant 32 : index
        %parallel_loop3A_759 = tpu.vector_load %arg9[%parallel_loop3A_757, %parallel_loop3A_758] {strides = array<i32>} : memref<512x64xf32, #tpu.memory_space<vmem>>, vector<1x16xf32>,
        %parallel_loop3A_760 = vector.shape_cast %parallel_loop3A_759 : vector<1x16xf32> to vector<16xf32>
        %parallel_loop3A_761 = arith.mulf %parallel_loop3A_760, %parallel_loop3A_760 : vector<16xf32>
        %parallel_loop3A_762 = arith.constant 1 : i32
        %parallel_loop3A_763 = arith.addi %parallel_loop3A_446, %parallel_loop3A_762 : i32
        %parallel_loop3A_764 = arith.index_cast %parallel_loop3A_763 : i32 to index
        %parallel_loop3A_765 = arith.constant 32 : index
        %parallel_loop3A_766 = tpu.vector_load %arg9[%parallel_loop3A_764, %parallel_loop3A_765] {strides = array<i32>} : memref<512x64xf32, #tpu.memory_space<vmem>>, vector<1x16xf32>,
        %parallel_loop3A_767 = vector.shape_cast %parallel_loop3A_766 : vector<1x16xf32> to vector<16xf32>
        %parallel_loop3A_768 = arith.maximumf %parallel_loop3A_760, %parallel_loop3A_767 : vector<16xf32>
        %parallel_loop3A_769 = arith.addf %parallel_loop3A_760, %parallel_loop3A_767 : vector<16xf32>
        %parallel_loop3A_770 = arith.mulf %parallel_loop3A_767, %parallel_loop3A_767 : vector<16xf32>
        %parallel_loop3A_771 = arith.addf %parallel_loop3A_761, %parallel_loop3A_770 : vector<16xf32>
        %parallel_loop3A_772 = arith.constant 2 : i32
        %parallel_loop3A_773 = arith.addi %parallel_loop3A_446, %parallel_loop3A_772 : i32
        %parallel_loop3A_774 = arith.index_cast %parallel_loop3A_773 : i32 to index
        %parallel_loop3A_775 = arith.constant 32 : index
        %parallel_loop3A_776 = tpu.vector_load %arg9[%parallel_loop3A_774, %parallel_loop3A_775] {strides = array<i32>} : memref<512x64xf32, #tpu.memory_space<vmem>>, vector<1x16xf32>,
        %parallel_loop3A_777 = vector.shape_cast %parallel_loop3A_776 : vector<1x16xf32> to vector<16xf32>
        %parallel_loop3A_778 = arith.maximumf %parallel_loop3A_768, %parallel_loop3A_777 : vector<16xf32>
        %parallel_loop3A_779 = arith.addf %parallel_loop3A_769, %parallel_loop3A_777 : vector<16xf32>
        %parallel_loop3A_780 = arith.mulf %parallel_loop3A_777, %parallel_loop3A_777 : vector<16xf32>
        %parallel_loop3A_781 = arith.addf %parallel_loop3A_771, %parallel_loop3A_780 : vector<16xf32>
        %parallel_loop3A_782 = arith.constant 3 : i32
        %parallel_loop3A_783 = arith.addi %parallel_loop3A_446, %parallel_loop3A_782 : i32
        %parallel_loop3A_784 = arith.index_cast %parallel_loop3A_783 : i32 to index
        %parallel_loop3A_785 = arith.constant 32 : index
        %parallel_loop3A_786 = tpu.vector_load %arg9[%parallel_loop3A_784, %parallel_loop3A_785] {strides = array<i32>} : memref<512x64xf32, #tpu.memory_space<vmem>>, vector<1x16xf32>,
        %parallel_loop3A_787 = vector.shape_cast %parallel_loop3A_786 : vector<1x16xf32> to vector<16xf32>
        %parallel_loop3A_788 = arith.maximumf %parallel_loop3A_778, %parallel_loop3A_787 : vector<16xf32>
        %parallel_loop3A_789 = arith.addf %parallel_loop3A_779, %parallel_loop3A_787 : vector<16xf32>
        %parallel_loop3A_790 = arith.mulf %parallel_loop3A_787, %parallel_loop3A_787 : vector<16xf32>
        %parallel_loop3A_791 = arith.addf %parallel_loop3A_781, %parallel_loop3A_790 : vector<16xf32>
        %parallel_loop3A_792 = arith.constant 4 : i32
        %parallel_loop3A_793 = arith.addi %parallel_loop3A_446, %parallel_loop3A_792 : i32
        %parallel_loop3A_794 = arith.index_cast %parallel_loop3A_793 : i32 to index
        %parallel_loop3A_795 = arith.constant 32 : index
        %parallel_loop3A_796 = tpu.vector_load %arg9[%parallel_loop3A_794, %parallel_loop3A_795] {strides = array<i32>} : memref<512x64xf32, #tpu.memory_space<vmem>>, vector<1x16xf32>,
        %parallel_loop3A_797 = vector.shape_cast %parallel_loop3A_796 : vector<1x16xf32> to vector<16xf32>
        %parallel_loop3A_798 = arith.maximumf %parallel_loop3A_788, %parallel_loop3A_797 : vector<16xf32>
        %parallel_loop3A_799 = arith.addf %parallel_loop3A_789, %parallel_loop3A_797 : vector<16xf32>
        %parallel_loop3A_800 = arith.mulf %parallel_loop3A_797, %parallel_loop3A_797 : vector<16xf32>
        %parallel_loop3A_801 = arith.addf %parallel_loop3A_791, %parallel_loop3A_800 : vector<16xf32>
        %parallel_loop3A_802 = arith.constant 5 : i32
        %parallel_loop3A_803 = arith.addi %parallel_loop3A_446, %parallel_loop3A_802 : i32
        %parallel_loop3A_804 = arith.index_cast %parallel_loop3A_803 : i32 to index
        %parallel_loop3A_805 = arith.constant 32 : index
        %parallel_loop3A_806 = tpu.vector_load %arg9[%parallel_loop3A_804, %parallel_loop3A_805] {strides = array<i32>} : memref<512x64xf32, #tpu.memory_space<vmem>>, vector<1x16xf32>,
        %parallel_loop3A_807 = vector.shape_cast %parallel_loop3A_806 : vector<1x16xf32> to vector<16xf32>
        %parallel_loop3A_808 = arith.maximumf %parallel_loop3A_798, %parallel_loop3A_807 : vector<16xf32>
        %parallel_loop3A_809 = arith.addf %parallel_loop3A_799, %parallel_loop3A_807 : vector<16xf32>
        %parallel_loop3A_810 = arith.mulf %parallel_loop3A_807, %parallel_loop3A_807 : vector<16xf32>
        %parallel_loop3A_811 = arith.addf %parallel_loop3A_801, %parallel_loop3A_810 : vector<16xf32>
        %parallel_loop3A_812 = arith.constant 6 : i32
        %parallel_loop3A_813 = arith.addi %parallel_loop3A_446, %parallel_loop3A_812 : i32
        %parallel_loop3A_814 = arith.index_cast %parallel_loop3A_813 : i32 to index
        %parallel_loop3A_815 = arith.constant 32 : index
        %parallel_loop3A_816 = tpu.vector_load %arg9[%parallel_loop3A_814, %parallel_loop3A_815] {strides = array<i32>} : memref<512x64xf32, #tpu.memory_space<vmem>>, vector<1x16xf32>,
        %parallel_loop3A_817 = vector.shape_cast %parallel_loop3A_816 : vector<1x16xf32> to vector<16xf32>
        %parallel_loop3A_818 = arith.maximumf %parallel_loop3A_808, %parallel_loop3A_817 : vector<16xf32>
        %parallel_loop3A_819 = arith.addf %parallel_loop3A_809, %parallel_loop3A_817 : vector<16xf32>
        %parallel_loop3A_820 = arith.mulf %parallel_loop3A_817, %parallel_loop3A_817 : vector<16xf32>
        %parallel_loop3A_821 = arith.addf %parallel_loop3A_811, %parallel_loop3A_820 : vector<16xf32>
        %parallel_loop3A_822 = arith.constant 7 : i32
        %parallel_loop3A_823 = arith.addi %parallel_loop3A_446, %parallel_loop3A_822 : i32
        %parallel_loop3A_824 = arith.index_cast %parallel_loop3A_823 : i32 to index
        %parallel_loop3A_825 = arith.constant 32 : index
        %parallel_loop3A_826 = tpu.vector_load %arg9[%parallel_loop3A_824, %parallel_loop3A_825] {strides = array<i32>} : memref<512x64xf32, #tpu.memory_space<vmem>>, vector<1x16xf32>,
        %parallel_loop3A_827 = vector.shape_cast %parallel_loop3A_826 : vector<1x16xf32> to vector<16xf32>
        %parallel_loop3A_828 = arith.maximumf %parallel_loop3A_818, %parallel_loop3A_827 : vector<16xf32>
        %parallel_loop3A_829 = arith.addf %parallel_loop3A_819, %parallel_loop3A_827 : vector<16xf32>
        %parallel_loop3A_830 = arith.mulf %parallel_loop3A_827, %parallel_loop3A_827 : vector<16xf32>
        %parallel_loop3A_831 = arith.addf %parallel_loop3A_821, %parallel_loop3A_830 : vector<16xf32>
        %parallel_loop3A_832 = arith.constant 8 : i32
        %parallel_loop3A_833 = arith.addi %parallel_loop3A_446, %parallel_loop3A_832 : i32
        %parallel_loop3A_834 = arith.index_cast %parallel_loop3A_833 : i32 to index
        %parallel_loop3A_835 = arith.constant 32 : index
        %parallel_loop3A_836 = tpu.vector_load %arg9[%parallel_loop3A_834, %parallel_loop3A_835] {strides = array<i32>} : memref<512x64xf32, #tpu.memory_space<vmem>>, vector<1x16xf32>,
        %parallel_loop3A_837 = vector.shape_cast %parallel_loop3A_836 : vector<1x16xf32> to vector<16xf32>
        %parallel_loop3A_838 = arith.maximumf %parallel_loop3A_828, %parallel_loop3A_837 : vector<16xf32>
        %parallel_loop3A_839 = arith.addf %parallel_loop3A_829, %parallel_loop3A_837 : vector<16xf32>
        %parallel_loop3A_840 = arith.mulf %parallel_loop3A_837, %parallel_loop3A_837 : vector<16xf32>
        %parallel_loop3A_841 = arith.addf %parallel_loop3A_831, %parallel_loop3A_840 : vector<16xf32>
        %parallel_loop3A_842 = arith.constant 9 : i32
        %parallel_loop3A_843 = arith.addi %parallel_loop3A_446, %parallel_loop3A_842 : i32
        %parallel_loop3A_844 = arith.index_cast %parallel_loop3A_843 : i32 to index
        %parallel_loop3A_845 = arith.constant 32 : index
        %parallel_loop3A_846 = tpu.vector_load %arg9[%parallel_loop3A_844, %parallel_loop3A_845] {strides = array<i32>} : memref<512x64xf32, #tpu.memory_space<vmem>>, vector<1x16xf32>,
        %parallel_loop3A_847 = vector.shape_cast %parallel_loop3A_846 : vector<1x16xf32> to vector<16xf32>
        %parallel_loop3A_848 = arith.maximumf %parallel_loop3A_838, %parallel_loop3A_847 : vector<16xf32>
        %parallel_loop3A_849 = arith.addf %parallel_loop3A_839, %parallel_loop3A_847 : vector<16xf32>
        %parallel_loop3A_850 = arith.mulf %parallel_loop3A_847, %parallel_loop3A_847 : vector<16xf32>
        %parallel_loop3A_851 = arith.addf %parallel_loop3A_841, %parallel_loop3A_850 : vector<16xf32>
        %parallel_loop3A_852 = arith.constant 10 : i32
        %parallel_loop3A_853 = arith.addi %parallel_loop3A_446, %parallel_loop3A_852 : i32
        %parallel_loop3A_854 = arith.index_cast %parallel_loop3A_853 : i32 to index
        %parallel_loop3A_855 = arith.constant 32 : index
        %parallel_loop3A_856 = tpu.vector_load %arg9[%parallel_loop3A_854, %parallel_loop3A_855] {strides = array<i32>} : memref<512x64xf32, #tpu.memory_space<vmem>>, vector<1x16xf32>,
        %parallel_loop3A_857 = vector.shape_cast %parallel_loop3A_856 : vector<1x16xf32> to vector<16xf32>
        %parallel_loop3A_858 = arith.maximumf %parallel_loop3A_848, %parallel_loop3A_857 : vector<16xf32>
        %parallel_loop3A_859 = arith.addf %parallel_loop3A_849, %parallel_loop3A_857 : vector<16xf32>
        %parallel_loop3A_860 = arith.mulf %parallel_loop3A_857, %parallel_loop3A_857 : vector<16xf32>
        %parallel_loop3A_861 = arith.addf %parallel_loop3A_851, %parallel_loop3A_860 : vector<16xf32>
        %parallel_loop3A_862 = arith.constant 11 : i32
        %parallel_loop3A_863 = arith.addi %parallel_loop3A_446, %parallel_loop3A_862 : i32
        %parallel_loop3A_864 = arith.index_cast %parallel_loop3A_863 : i32 to index
        %parallel_loop3A_865 = arith.constant 32 : index
        %parallel_loop3A_866 = tpu.vector_load %arg9[%parallel_loop3A_864, %parallel_loop3A_865] {strides = array<i32>} : memref<512x64xf32, #tpu.memory_space<vmem>>, vector<1x16xf32>,
        %parallel_loop3A_867 = vector.shape_cast %parallel_loop3A_866 : vector<1x16xf32> to vector<16xf32>
        %parallel_loop3A_868 = arith.maximumf %parallel_loop3A_858, %parallel_loop3A_867 : vector<16xf32>
        %parallel_loop3A_869 = arith.addf %parallel_loop3A_859, %parallel_loop3A_867 : vector<16xf32>
        %parallel_loop3A_870 = arith.mulf %parallel_loop3A_867, %parallel_loop3A_867 : vector<16xf32>
        %parallel_loop3A_871 = arith.addf %parallel_loop3A_861, %parallel_loop3A_870 : vector<16xf32>
        %parallel_loop3A_872 = arith.constant 12 : i32
        %parallel_loop3A_873 = arith.addi %parallel_loop3A_446, %parallel_loop3A_872 : i32
        %parallel_loop3A_874 = arith.index_cast %parallel_loop3A_873 : i32 to index
        %parallel_loop3A_875 = arith.constant 32 : index
        %parallel_loop3A_876 = tpu.vector_load %arg9[%parallel_loop3A_874, %parallel_loop3A_875] {strides = array<i32>} : memref<512x64xf32, #tpu.memory_space<vmem>>, vector<1x16xf32>,
        %parallel_loop3A_877 = vector.shape_cast %parallel_loop3A_876 : vector<1x16xf32> to vector<16xf32>
        %parallel_loop3A_878 = arith.maximumf %parallel_loop3A_868, %parallel_loop3A_877 : vector<16xf32>
        %parallel_loop3A_879 = arith.addf %parallel_loop3A_869, %parallel_loop3A_877 : vector<16xf32>
        %parallel_loop3A_880 = arith.mulf %parallel_loop3A_877, %parallel_loop3A_877 : vector<16xf32>
        %parallel_loop3A_881 = arith.addf %parallel_loop3A_871, %parallel_loop3A_880 : vector<16xf32>
        %parallel_loop3A_882 = arith.constant 13 : i32
        %parallel_loop3A_883 = arith.addi %parallel_loop3A_446, %parallel_loop3A_882 : i32
        %parallel_loop3A_884 = arith.index_cast %parallel_loop3A_883 : i32 to index
        %parallel_loop3A_885 = arith.constant 32 : index
        %parallel_loop3A_886 = tpu.vector_load %arg9[%parallel_loop3A_884, %parallel_loop3A_885] {strides = array<i32>} : memref<512x64xf32, #tpu.memory_space<vmem>>, vector<1x16xf32>,
        %parallel_loop3A_887 = vector.shape_cast %parallel_loop3A_886 : vector<1x16xf32> to vector<16xf32>
        %parallel_loop3A_888 = arith.maximumf %parallel_loop3A_878, %parallel_loop3A_887 : vector<16xf32>
        %parallel_loop3A_889 = arith.addf %parallel_loop3A_879, %parallel_loop3A_887 : vector<16xf32>
        %parallel_loop3A_890 = arith.mulf %parallel_loop3A_887, %parallel_loop3A_887 : vector<16xf32>
        %parallel_loop3A_891 = arith.addf %parallel_loop3A_881, %parallel_loop3A_890 : vector<16xf32>
        %parallel_loop3A_892 = arith.constant 14 : i32
        %parallel_loop3A_893 = arith.addi %parallel_loop3A_446, %parallel_loop3A_892 : i32
        %parallel_loop3A_894 = arith.index_cast %parallel_loop3A_893 : i32 to index
        %parallel_loop3A_895 = arith.constant 32 : index
        %parallel_loop3A_896 = tpu.vector_load %arg9[%parallel_loop3A_894, %parallel_loop3A_895] {strides = array<i32>} : memref<512x64xf32, #tpu.memory_space<vmem>>, vector<1x16xf32>,
        %parallel_loop3A_897 = vector.shape_cast %parallel_loop3A_896 : vector<1x16xf32> to vector<16xf32>
        %parallel_loop3A_898 = arith.maximumf %parallel_loop3A_888, %parallel_loop3A_897 : vector<16xf32>
        %parallel_loop3A_899 = arith.addf %parallel_loop3A_889, %parallel_loop3A_897 : vector<16xf32>
        %parallel_loop3A_900 = arith.mulf %parallel_loop3A_897, %parallel_loop3A_897 : vector<16xf32>
        %parallel_loop3A_901 = arith.addf %parallel_loop3A_891, %parallel_loop3A_900 : vector<16xf32>
        %parallel_loop3A_902 = arith.constant 15 : i32
        %parallel_loop3A_903 = arith.addi %parallel_loop3A_446, %parallel_loop3A_902 : i32
        %parallel_loop3A_904 = arith.index_cast %parallel_loop3A_903 : i32 to index
        %parallel_loop3A_905 = arith.constant 32 : index
        %parallel_loop3A_906 = tpu.vector_load %arg9[%parallel_loop3A_904, %parallel_loop3A_905] {strides = array<i32>} : memref<512x64xf32, #tpu.memory_space<vmem>>, vector<1x16xf32>,
        %parallel_loop3A_907 = vector.shape_cast %parallel_loop3A_906 : vector<1x16xf32> to vector<16xf32>
        %parallel_loop3A_908 = arith.maximumf %parallel_loop3A_898, %parallel_loop3A_907 : vector<16xf32>
        %parallel_loop3A_909 = arith.addf %parallel_loop3A_899, %parallel_loop3A_907 : vector<16xf32>
        %parallel_loop3A_910 = arith.mulf %parallel_loop3A_907, %parallel_loop3A_907 : vector<16xf32>
        %parallel_loop3A_911 = arith.addf %parallel_loop3A_901, %parallel_loop3A_910 : vector<16xf32>
        %parallel_loop3A_912 = arith.index_cast %parallel_loop3A_446 : i32 to index
        %parallel_loop3A_913 = arith.constant 48 : index
        %parallel_loop3A_914 = tpu.vector_load %arg9[%parallel_loop3A_912, %parallel_loop3A_913] {strides = array<i32>} : memref<512x64xf32, #tpu.memory_space<vmem>>, vector<1x16xf32>,
        %parallel_loop3A_915 = vector.shape_cast %parallel_loop3A_914 : vector<1x16xf32> to vector<16xf32>
        %parallel_loop3A_916 = arith.mulf %parallel_loop3A_915, %parallel_loop3A_915 : vector<16xf32>
        %parallel_loop3A_917 = arith.constant 1 : i32
        %parallel_loop3A_918 = arith.addi %parallel_loop3A_446, %parallel_loop3A_917 : i32
        %parallel_loop3A_919 = arith.index_cast %parallel_loop3A_918 : i32 to index
        %parallel_loop3A_920 = arith.constant 48 : index
        %parallel_loop3A_921 = tpu.vector_load %arg9[%parallel_loop3A_919, %parallel_loop3A_920] {strides = array<i32>} : memref<512x64xf32, #tpu.memory_space<vmem>>, vector<1x16xf32>,
        %parallel_loop3A_922 = vector.shape_cast %parallel_loop3A_921 : vector<1x16xf32> to vector<16xf32>
        %parallel_loop3A_923 = arith.maximumf %parallel_loop3A_915, %parallel_loop3A_922 : vector<16xf32>
        %parallel_loop3A_924 = arith.addf %parallel_loop3A_915, %parallel_loop3A_922 : vector<16xf32>
        %parallel_loop3A_925 = arith.mulf %parallel_loop3A_922, %parallel_loop3A_922 : vector<16xf32>
        %parallel_loop3A_926 = arith.addf %parallel_loop3A_916, %parallel_loop3A_925 : vector<16xf32>
        %parallel_loop3A_927 = arith.constant 2 : i32
        %parallel_loop3A_928 = arith.addi %parallel_loop3A_446, %parallel_loop3A_927 : i32
        %parallel_loop3A_929 = arith.index_cast %parallel_loop3A_928 : i32 to index
        %parallel_loop3A_930 = arith.constant 48 : index
        %parallel_loop3A_931 = tpu.vector_load %arg9[%parallel_loop3A_929, %parallel_loop3A_930] {strides = array<i32>} : memref<512x64xf32, #tpu.memory_space<vmem>>, vector<1x16xf32>,
        %parallel_loop3A_932 = vector.shape_cast %parallel_loop3A_931 : vector<1x16xf32> to vector<16xf32>
        %parallel_loop3A_933 = arith.maximumf %parallel_loop3A_923, %parallel_loop3A_932 : vector<16xf32>
        %parallel_loop3A_934 = arith.addf %parallel_loop3A_924, %parallel_loop3A_932 : vector<16xf32>
        %parallel_loop3A_935 = arith.mulf %parallel_loop3A_932, %parallel_loop3A_932 : vector<16xf32>
        %parallel_loop3A_936 = arith.addf %parallel_loop3A_926, %parallel_loop3A_935 : vector<16xf32>
        %parallel_loop3A_937 = arith.constant 3 : i32
        %parallel_loop3A_938 = arith.addi %parallel_loop3A_446, %parallel_loop3A_937 : i32
        %parallel_loop3A_939 = arith.index_cast %parallel_loop3A_938 : i32 to index
        %parallel_loop3A_940 = arith.constant 48 : index
        %parallel_loop3A_941 = tpu.vector_load %arg9[%parallel_loop3A_939, %parallel_loop3A_940] {strides = array<i32>} : memref<512x64xf32, #tpu.memory_space<vmem>>, vector<1x16xf32>,
        %parallel_loop3A_942 = vector.shape_cast %parallel_loop3A_941 : vector<1x16xf32> to vector<16xf32>
        %parallel_loop3A_943 = arith.maximumf %parallel_loop3A_933, %parallel_loop3A_942 : vector<16xf32>
        %parallel_loop3A_944 = arith.addf %parallel_loop3A_934, %parallel_loop3A_942 : vector<16xf32>
        %parallel_loop3A_945 = arith.mulf %parallel_loop3A_942, %parallel_loop3A_942 : vector<16xf32>
        %parallel_loop3A_946 = arith.addf %parallel_loop3A_936, %parallel_loop3A_945 : vector<16xf32>
        %parallel_loop3A_947 = arith.constant 4 : i32
        %parallel_loop3A_948 = arith.addi %parallel_loop3A_446, %parallel_loop3A_947 : i32
        %parallel_loop3A_949 = arith.index_cast %parallel_loop3A_948 : i32 to index
        %parallel_loop3A_950 = arith.constant 48 : index
        %parallel_loop3A_951 = tpu.vector_load %arg9[%parallel_loop3A_949, %parallel_loop3A_950] {strides = array<i32>} : memref<512x64xf32, #tpu.memory_space<vmem>>, vector<1x16xf32>,
        %parallel_loop3A_952 = vector.shape_cast %parallel_loop3A_951 : vector<1x16xf32> to vector<16xf32>
        %parallel_loop3A_953 = arith.maximumf %parallel_loop3A_943, %parallel_loop3A_952 : vector<16xf32>
        %parallel_loop3A_954 = arith.addf %parallel_loop3A_944, %parallel_loop3A_952 : vector<16xf32>
        %parallel_loop3A_955 = arith.mulf %parallel_loop3A_952, %parallel_loop3A_952 : vector<16xf32>
        %parallel_loop3A_956 = arith.addf %parallel_loop3A_946, %parallel_loop3A_955 : vector<16xf32>
        %parallel_loop3A_957 = arith.constant 5 : i32
        %parallel_loop3A_958 = arith.addi %parallel_loop3A_446, %parallel_loop3A_957 : i32
        %parallel_loop3A_959 = arith.index_cast %parallel_loop3A_958 : i32 to index
        %parallel_loop3A_960 = arith.constant 48 : index
        %parallel_loop3A_961 = tpu.vector_load %arg9[%parallel_loop3A_959, %parallel_loop3A_960] {strides = array<i32>} : memref<512x64xf32, #tpu.memory_space<vmem>>, vector<1x16xf32>,
        %parallel_loop3A_962 = vector.shape_cast %parallel_loop3A_961 : vector<1x16xf32> to vector<16xf32>
        %parallel_loop3A_963 = arith.maximumf %parallel_loop3A_953, %parallel_loop3A_962 : vector<16xf32>
        %parallel_loop3A_964 = arith.addf %parallel_loop3A_954, %parallel_loop3A_962 : vector<16xf32>
        %parallel_loop3A_965 = arith.mulf %parallel_loop3A_962, %parallel_loop3A_962 : vector<16xf32>
        %parallel_loop3A_966 = arith.addf %parallel_loop3A_956, %parallel_loop3A_965 : vector<16xf32>
        %parallel_loop3A_967 = arith.constant 6 : i32
        %parallel_loop3A_968 = arith.addi %parallel_loop3A_446, %parallel_loop3A_967 : i32
        %parallel_loop3A_969 = arith.index_cast %parallel_loop3A_968 : i32 to index
        %parallel_loop3A_970 = arith.constant 48 : index
        %parallel_loop3A_971 = tpu.vector_load %arg9[%parallel_loop3A_969, %parallel_loop3A_970] {strides = array<i32>} : memref<512x64xf32, #tpu.memory_space<vmem>>, vector<1x16xf32>,
        %parallel_loop3A_972 = vector.shape_cast %parallel_loop3A_971 : vector<1x16xf32> to vector<16xf32>
        %parallel_loop3A_973 = arith.maximumf %parallel_loop3A_963, %parallel_loop3A_972 : vector<16xf32>
        %parallel_loop3A_974 = arith.addf %parallel_loop3A_964, %parallel_loop3A_972 : vector<16xf32>
        %parallel_loop3A_975 = arith.mulf %parallel_loop3A_972, %parallel_loop3A_972 : vector<16xf32>
        %parallel_loop3A_976 = arith.addf %parallel_loop3A_966, %parallel_loop3A_975 : vector<16xf32>
        %parallel_loop3A_977 = arith.constant 7 : i32
        %parallel_loop3A_978 = arith.addi %parallel_loop3A_446, %parallel_loop3A_977 : i32
        %parallel_loop3A_979 = arith.index_cast %parallel_loop3A_978 : i32 to index
        %parallel_loop3A_980 = arith.constant 48 : index
        %parallel_loop3A_981 = tpu.vector_load %arg9[%parallel_loop3A_979, %parallel_loop3A_980] {strides = array<i32>} : memref<512x64xf32, #tpu.memory_space<vmem>>, vector<1x16xf32>,
        %parallel_loop3A_982 = vector.shape_cast %parallel_loop3A_981 : vector<1x16xf32> to vector<16xf32>
        %parallel_loop3A_983 = arith.maximumf %parallel_loop3A_973, %parallel_loop3A_982 : vector<16xf32>
        %parallel_loop3A_984 = arith.addf %parallel_loop3A_974, %parallel_loop3A_982 : vector<16xf32>
        %parallel_loop3A_985 = arith.mulf %parallel_loop3A_982, %parallel_loop3A_982 : vector<16xf32>
        %parallel_loop3A_986 = arith.addf %parallel_loop3A_976, %parallel_loop3A_985 : vector<16xf32>
        %parallel_loop3A_987 = arith.constant 8 : i32
        %parallel_loop3A_988 = arith.addi %parallel_loop3A_446, %parallel_loop3A_987 : i32
        %parallel_loop3A_989 = arith.index_cast %parallel_loop3A_988 : i32 to index
        %parallel_loop3A_990 = arith.constant 48 : index
        %parallel_loop3A_991 = tpu.vector_load %arg9[%parallel_loop3A_989, %parallel_loop3A_990] {strides = array<i32>} : memref<512x64xf32, #tpu.memory_space<vmem>>, vector<1x16xf32>,
        %parallel_loop3A_992 = vector.shape_cast %parallel_loop3A_991 : vector<1x16xf32> to vector<16xf32>
        %parallel_loop3A_993 = arith.maximumf %parallel_loop3A_983, %parallel_loop3A_992 : vector<16xf32>
        %parallel_loop3A_994 = arith.addf %parallel_loop3A_984, %parallel_loop3A_992 : vector<16xf32>
        %parallel_loop3A_995 = arith.mulf %parallel_loop3A_992, %parallel_loop3A_992 : vector<16xf32>
        %parallel_loop3A_996 = arith.addf %parallel_loop3A_986, %parallel_loop3A_995 : vector<16xf32>
        %parallel_loop3A_997 = arith.constant 9 : i32
        %parallel_loop3A_998 = arith.addi %parallel_loop3A_446, %parallel_loop3A_997 : i32
        %parallel_loop3A_999 = arith.index_cast %parallel_loop3A_998 : i32 to index
        %parallel_loop3A_1000 = arith.constant 48 : index
        %parallel_loop3A_1001 = tpu.vector_load %arg9[%parallel_loop3A_999, %parallel_loop3A_1000] {strides = array<i32>} : memref<512x64xf32, #tpu.memory_space<vmem>>, vector<1x16xf32>,
        %parallel_loop3A_1002 = vector.shape_cast %parallel_loop3A_1001 : vector<1x16xf32> to vector<16xf32>
        %parallel_loop3A_1003 = arith.maximumf %parallel_loop3A_993, %parallel_loop3A_1002 : vector<16xf32>
        %parallel_loop3A_1004 = arith.addf %parallel_loop3A_994, %parallel_loop3A_1002 : vector<16xf32>
        %parallel_loop3A_1005 = arith.mulf %parallel_loop3A_1002, %parallel_loop3A_1002 : vector<16xf32>
        %parallel_loop3A_1006 = arith.addf %parallel_loop3A_996, %parallel_loop3A_1005 : vector<16xf32>
        %parallel_loop3A_1007 = arith.constant 10 : i32
        %parallel_loop3A_1008 = arith.addi %parallel_loop3A_446, %parallel_loop3A_1007 : i32
        %parallel_loop3A_1009 = arith.index_cast %parallel_loop3A_1008 : i32 to index
        %parallel_loop3A_1010 = arith.constant 48 : index
        %parallel_loop3A_1011 = tpu.vector_load %arg9[%parallel_loop3A_1009, %parallel_loop3A_1010] {strides = array<i32>} : memref<512x64xf32, #tpu.memory_space<vmem>>, vector<1x16xf32>,
        %parallel_loop3A_1012 = vector.shape_cast %parallel_loop3A_1011 : vector<1x16xf32> to vector<16xf32>
        %parallel_loop3A_1013 = arith.maximumf %parallel_loop3A_1003, %parallel_loop3A_1012 : vector<16xf32>
        %parallel_loop3A_1014 = arith.addf %parallel_loop3A_1004, %parallel_loop3A_1012 : vector<16xf32>
        %parallel_loop3A_1015 = arith.mulf %parallel_loop3A_1012, %parallel_loop3A_1012 : vector<16xf32>
        %parallel_loop3A_1016 = arith.addf %parallel_loop3A_1006, %parallel_loop3A_1015 : vector<16xf32>
        %parallel_loop3A_1017 = arith.constant 11 : i32
        %parallel_loop3A_1018 = arith.addi %parallel_loop3A_446, %parallel_loop3A_1017 : i32
        %parallel_loop3A_1019 = arith.index_cast %parallel_loop3A_1018 : i32 to index
        %parallel_loop3A_1020 = arith.constant 48 : index
        %parallel_loop3A_1021 = tpu.vector_load %arg9[%parallel_loop3A_1019, %parallel_loop3A_1020] {strides = array<i32>} : memref<512x64xf32, #tpu.memory_space<vmem>>, vector<1x16xf32>,
        %parallel_loop3A_1022 = vector.shape_cast %parallel_loop3A_1021 : vector<1x16xf32> to vector<16xf32>
        %parallel_loop3A_1023 = arith.maximumf %parallel_loop3A_1013, %parallel_loop3A_1022 : vector<16xf32>
        %parallel_loop3A_1024 = arith.addf %parallel_loop3A_1014, %parallel_loop3A_1022 : vector<16xf32>
        %parallel_loop3A_1025 = arith.mulf %parallel_loop3A_1022, %parallel_loop3A_1022 : vector<16xf32>
        %parallel_loop3A_1026 = arith.addf %parallel_loop3A_1016, %parallel_loop3A_1025 : vector<16xf32>
        %parallel_loop3A_1027 = arith.constant 12 : i32
        %parallel_loop3A_1028 = arith.addi %parallel_loop3A_446, %parallel_loop3A_1027 : i32
        %parallel_loop3A_1029 = arith.index_cast %parallel_loop3A_1028 : i32 to index
        %parallel_loop3A_1030 = arith.constant 48 : index
        %parallel_loop3A_1031 = tpu.vector_load %arg9[%parallel_loop3A_1029, %parallel_loop3A_1030] {strides = array<i32>} : memref<512x64xf32, #tpu.memory_space<vmem>>, vector<1x16xf32>,
        %parallel_loop3A_1032 = vector.shape_cast %parallel_loop3A_1031 : vector<1x16xf32> to vector<16xf32>
        %parallel_loop3A_1033 = arith.maximumf %parallel_loop3A_1023, %parallel_loop3A_1032 : vector<16xf32>
        %parallel_loop3A_1034 = arith.addf %parallel_loop3A_1024, %parallel_loop3A_1032 : vector<16xf32>
        %parallel_loop3A_1035 = arith.mulf %parallel_loop3A_1032, %parallel_loop3A_1032 : vector<16xf32>
        %parallel_loop3A_1036 = arith.addf %parallel_loop3A_1026, %parallel_loop3A_1035 : vector<16xf32>
        %parallel_loop3A_1037 = arith.constant 13 : i32
        %parallel_loop3A_1038 = arith.addi %parallel_loop3A_446, %parallel_loop3A_1037 : i32
        %parallel_loop3A_1039 = arith.index_cast %parallel_loop3A_1038 : i32 to index
        %parallel_loop3A_1040 = arith.constant 48 : index
        %parallel_loop3A_1041 = tpu.vector_load %arg9[%parallel_loop3A_1039, %parallel_loop3A_1040] {strides = array<i32>} : memref<512x64xf32, #tpu.memory_space<vmem>>, vector<1x16xf32>,
        %parallel_loop3A_1042 = vector.shape_cast %parallel_loop3A_1041 : vector<1x16xf32> to vector<16xf32>
        %parallel_loop3A_1043 = arith.maximumf %parallel_loop3A_1033, %parallel_loop3A_1042 : vector<16xf32>
        %parallel_loop3A_1044 = arith.addf %parallel_loop3A_1034, %parallel_loop3A_1042 : vector<16xf32>
        %parallel_loop3A_1045 = arith.mulf %parallel_loop3A_1042, %parallel_loop3A_1042 : vector<16xf32>
        %parallel_loop3A_1046 = arith.addf %parallel_loop3A_1036, %parallel_loop3A_1045 : vector<16xf32>
        %parallel_loop3A_1047 = arith.constant 14 : i32
        %parallel_loop3A_1048 = arith.addi %parallel_loop3A_446, %parallel_loop3A_1047 : i32
        %parallel_loop3A_1049 = arith.index_cast %parallel_loop3A_1048 : i32 to index
        %parallel_loop3A_1050 = arith.constant 48 : index
        %parallel_loop3A_1051 = tpu.vector_load %arg9[%parallel_loop3A_1049, %parallel_loop3A_1050] {strides = array<i32>} : memref<512x64xf32, #tpu.memory_space<vmem>>, vector<1x16xf32>,
        %parallel_loop3A_1052 = vector.shape_cast %parallel_loop3A_1051 : vector<1x16xf32> to vector<16xf32>
        %parallel_loop3A_1053 = arith.maximumf %parallel_loop3A_1043, %parallel_loop3A_1052 : vector<16xf32>
        %parallel_loop3A_1054 = arith.addf %parallel_loop3A_1044, %parallel_loop3A_1052 : vector<16xf32>
        %parallel_loop3A_1055 = arith.mulf %parallel_loop3A_1052, %parallel_loop3A_1052 : vector<16xf32>
        %parallel_loop3A_1056 = arith.addf %parallel_loop3A_1046, %parallel_loop3A_1055 : vector<16xf32>
        %parallel_loop3A_1057 = arith.constant 15 : i32
        %parallel_loop3A_1058 = arith.addi %parallel_loop3A_446, %parallel_loop3A_1057 : i32
        %parallel_loop3A_1059 = arith.index_cast %parallel_loop3A_1058 : i32 to index
        %parallel_loop3A_1060 = arith.constant 48 : index
        %parallel_loop3A_1061 = tpu.vector_load %arg9[%parallel_loop3A_1059, %parallel_loop3A_1060] {strides = array<i32>} : memref<512x64xf32, #tpu.memory_space<vmem>>, vector<1x16xf32>,
        %parallel_loop3A_1062 = vector.shape_cast %parallel_loop3A_1061 : vector<1x16xf32> to vector<16xf32>
        %parallel_loop3A_1063 = arith.maximumf %parallel_loop3A_1053, %parallel_loop3A_1062 : vector<16xf32>
        %parallel_loop3A_1064 = arith.addf %parallel_loop3A_1054, %parallel_loop3A_1062 : vector<16xf32>
        %parallel_loop3A_1065 = arith.mulf %parallel_loop3A_1062, %parallel_loop3A_1062 : vector<16xf32>
        %parallel_loop3A_1066 = arith.addf %parallel_loop3A_1056, %parallel_loop3A_1065 : vector<16xf32>
        %parallel_loop3A_1067 = arith.index_cast %parallel_loop3A_440 : i32 to index
        %parallel_loop3A_1068 = arith.constant 0 : index
        %parallel_loop3A_1069 = tpu.vector_load %arg12[%parallel_loop3A_1067, %parallel_loop3A_1068] {strides = array<i32>} : memref<32x64xf32, #tpu.memory_space<vmem>>, vector<1x16xf32>,
        %parallel_loop3A_1070 = vector.shape_cast %parallel_loop3A_1069 : vector<1x16xf32> to vector<16xf32>
        %parallel_loop3A_1071 = vector.shape_cast %parallel_loop3A_598 : vector<16xf32> to vector<1x16xf32>
        tpu.vector_store %arg12[%parallel_loop3A_1067, %parallel_loop3A_1068], %parallel_loop3A_1071 {strides = array<i32>} : memref<32x64xf32, #tpu.memory_space<vmem>>, vector<1x16xf32>,
        %parallel_loop3A_1072 = arith.index_cast %parallel_loop3A_440 : i32 to index
        %parallel_loop3A_1073 = arith.constant 0 : index
        %parallel_loop3A_1074 = tpu.vector_load %arg13[%parallel_loop3A_1072, %parallel_loop3A_1073] {strides = array<i32>} : memref<32x64xf32, #tpu.memory_space<vmem>>, vector<1x16xf32>,
        %parallel_loop3A_1075 = vector.shape_cast %parallel_loop3A_1074 : vector<1x16xf32> to vector<16xf32>
        %parallel_loop3A_1076 = vector.shape_cast %parallel_loop3A_599 : vector<16xf32> to vector<1x16xf32>
        tpu.vector_store %arg13[%parallel_loop3A_1072, %parallel_loop3A_1073], %parallel_loop3A_1076 {strides = array<i32>} : memref<32x64xf32, #tpu.memory_space<vmem>>, vector<1x16xf32>,
        %parallel_loop3A_1077 = arith.index_cast %parallel_loop3A_440 : i32 to index
        %parallel_loop3A_1078 = arith.constant 16 : index
        %parallel_loop3A_1079 = tpu.vector_load %arg12[%parallel_loop3A_1077, %parallel_loop3A_1078] {strides = array<i32>} : memref<32x64xf32, #tpu.memory_space<vmem>>, vector<1x16xf32>,
        %parallel_loop3A_1080 = vector.shape_cast %parallel_loop3A_1079 : vector<1x16xf32> to vector<16xf32>
        %parallel_loop3A_1081 = vector.shape_cast %parallel_loop3A_753 : vector<16xf32> to vector<1x16xf32>
        tpu.vector_store %arg12[%parallel_loop3A_1077, %parallel_loop3A_1078], %parallel_loop3A_1081 {strides = array<i32>} : memref<32x64xf32, #tpu.memory_space<vmem>>, vector<1x16xf32>,
        %parallel_loop3A_1082 = arith.index_cast %parallel_loop3A_440 : i32 to index
        %parallel_loop3A_1083 = arith.constant 16 : index
        %parallel_loop3A_1084 = tpu.vector_load %arg13[%parallel_loop3A_1082, %parallel_loop3A_1083] {strides = array<i32>} : memref<32x64xf32, #tpu.memory_space<vmem>>, vector<1x16xf32>,
        %parallel_loop3A_1085 = vector.shape_cast %parallel_loop3A_1084 : vector<1x16xf32> to vector<16xf32>
        %parallel_loop3A_1086 = vector.shape_cast %parallel_loop3A_754 : vector<16xf32> to vector<1x16xf32>
        tpu.vector_store %arg13[%parallel_loop3A_1082, %parallel_loop3A_1083], %parallel_loop3A_1086 {strides = array<i32>} : memref<32x64xf32, #tpu.memory_space<vmem>>, vector<1x16xf32>,
        %parallel_loop3A_1087 = arith.index_cast %parallel_loop3A_440 : i32 to index
        %parallel_loop3A_1088 = arith.constant 32 : index
        %parallel_loop3A_1089 = tpu.vector_load %arg12[%parallel_loop3A_1087, %parallel_loop3A_1088] {strides = array<i32>} : memref<32x64xf32, #tpu.memory_space<vmem>>, vector<1x16xf32>,
        %parallel_loop3A_1090 = vector.shape_cast %parallel_loop3A_1089 : vector<1x16xf32> to vector<16xf32>
        %parallel_loop3A_1091 = vector.shape_cast %parallel_loop3A_908 : vector<16xf32> to vector<1x16xf32>
        tpu.vector_store %arg12[%parallel_loop3A_1087, %parallel_loop3A_1088], %parallel_loop3A_1091 {strides = array<i32>} : memref<32x64xf32, #tpu.memory_space<vmem>>, vector<1x16xf32>,
        %parallel_loop3A_1092 = arith.index_cast %parallel_loop3A_440 : i32 to index
        %parallel_loop3A_1093 = arith.constant 32 : index
        %parallel_loop3A_1094 = tpu.vector_load %arg13[%parallel_loop3A_1092, %parallel_loop3A_1093] {strides = array<i32>} : memref<32x64xf32, #tpu.memory_space<vmem>>, vector<1x16xf32>,
        %parallel_loop3A_1095 = vector.shape_cast %parallel_loop3A_1094 : vector<1x16xf32> to vector<16xf32>
        %parallel_loop3A_1096 = vector.shape_cast %parallel_loop3A_909 : vector<16xf32> to vector<1x16xf32>
        tpu.vector_store %arg13[%parallel_loop3A_1092, %parallel_loop3A_1093], %parallel_loop3A_1096 {strides = array<i32>} : memref<32x64xf32, #tpu.memory_space<vmem>>, vector<1x16xf32>,
        %parallel_loop3A_1097 = arith.index_cast %parallel_loop3A_440 : i32 to index
        %parallel_loop3A_1098 = arith.constant 48 : index
        %parallel_loop3A_1099 = tpu.vector_load %arg12[%parallel_loop3A_1097, %parallel_loop3A_1098] {strides = array<i32>} : memref<32x64xf32, #tpu.memory_space<vmem>>, vector<1x16xf32>,
        %parallel_loop3A_1100 = vector.shape_cast %parallel_loop3A_1099 : vector<1x16xf32> to vector<16xf32>
        %parallel_loop3A_1101 = vector.shape_cast %parallel_loop3A_1063 : vector<16xf32> to vector<1x16xf32>
        tpu.vector_store %arg12[%parallel_loop3A_1097, %parallel_loop3A_1098], %parallel_loop3A_1101 {strides = array<i32>} : memref<32x64xf32, #tpu.memory_space<vmem>>, vector<1x16xf32>,
        %parallel_loop3A_1102 = arith.index_cast %parallel_loop3A_440 : i32 to index
        %parallel_loop3A_1103 = arith.constant 48 : index
        %parallel_loop3A_1104 = tpu.vector_load %arg13[%parallel_loop3A_1102, %parallel_loop3A_1103] {strides = array<i32>} : memref<32x64xf32, #tpu.memory_space<vmem>>, vector<1x16xf32>,
        %parallel_loop3A_1105 = vector.shape_cast %parallel_loop3A_1104 : vector<1x16xf32> to vector<16xf32>
        %parallel_loop3A_1106 = vector.shape_cast %parallel_loop3A_1064 : vector<16xf32> to vector<1x16xf32>
        tpu.vector_store %arg13[%parallel_loop3A_1102, %parallel_loop3A_1103], %parallel_loop3A_1106 {strides = array<i32>} : memref<32x64xf32, #tpu.memory_space<vmem>>, vector<1x16xf32>,
        %parallel_loop3A_1107 = arith.addf %parallel_loop3A_441, %parallel_loop3A_601 : vector<16xf32>
        %parallel_loop3A_1108 = arith.addf %parallel_loop3A_442, %parallel_loop3A_756 : vector<16xf32>
        %parallel_loop3A_1109 = arith.addf %parallel_loop3A_443, %parallel_loop3A_911 : vector<16xf32>
        %parallel_loop3A_1110 = arith.addf %parallel_loop3A_444, %parallel_loop3A_1066 : vector<16xf32>
        scf.yield %parallel_loop3A_1107, %parallel_loop3A_1108, %parallel_loop3A_1109, %parallel_loop3A_1110 : vector<16xf32>, vector<16xf32>, vector<16xf32>, vector<16xf32>
      } {sc.loop_unroll_factor = 2 : i64, sc.parallel_access}
      %dma_start3A_436 = tpu.memref_slice %arg4[%add3A_384, %mul3A_426] : memref<16384x128xf32, #tpu.memory_space<hbm>> -> memref<32x64xf32, #tpu.memory_space<hbm>>
      %dma_start3A_437 = tpu.memref_slice %arg4[%add3A_384, %mul3A_426] : memref<16384x128xf32, #tpu.memory_space<hbm>> -> memref<32x64xf32, #tpu.memory_space<hbm>>
      tpu.enqueue_dma source(%arg12 : memref<32x64xf32, #tpu.memory_space<vmem>>) target(%dma_start3A_437 : memref<32x64xf32, #tpu.memory_space<hbm>>) target_semaphore(%arg18 : memref<!tpu.dma_semaphore, #tpu.memory_space<semaphore_mem>>)
      %dma_start3A_438 = tpu.memref_slice %arg5[%add3A_384, %mul3A_426] : memref<16384x128xf32, #tpu.memory_space<hbm>> -> memref<32x64xf32, #tpu.memory_space<hbm>>
      %dma_start3A_439 = tpu.memref_slice %arg5[%add3A_384, %mul3A_426] : memref<16384x128xf32, #tpu.memory_space<hbm>> -> memref<32x64xf32, #tpu.memory_space<hbm>>
      tpu.enqueue_dma source(%arg13 : memref<32x64xf32, #tpu.memory_space<vmem>>) target(%dma_start3A_439 : memref<32x64xf32, #tpu.memory_space<hbm>>) target_semaphore(%arg18 : memref<!tpu.dma_semaphore, #tpu.memory_space<semaphore_mem>>)
      scf.yield %parallel_loop3A_435#0, %parallel_loop3A_435#1, %parallel_loop3A_435#2, %parallel_loop3A_435#3 : vector<16xf32>, vector<16xf32>, vector<16xf32>, vector<16xf32>
    }
    %scan3A_71 = arith.constant 16 : i32
    %swap3A = arith.constant 0 : i32
    %swap3A_72 = arith.index_cast %swap3A : i32 to index
    %swap3A_73 = arith.constant 0 : index
    %swap3A_74 = tpu.vector_load %arg14[%swap3A_72, %swap3A_73] {strides = array<i32>} : memref<1x64xf32, #tpu.memory_space<vmem>>, vector<1x16xf32>,
    %swap3A_75 = vector.shape_cast %swap3A_74 : vector<1x16xf32> to vector<16xf32>
    %swap3A_76 = vector.shape_cast %scan3A_70#0 : vector<16xf32> to vector<1x16xf32>
    tpu.vector_store %arg14[%swap3A_72, %swap3A_73], %swap3A_76 {strides = array<i32>} : memref<1x64xf32, #tpu.memory_space<vmem>>, vector<1x16xf32>,
    %swap3A_77 = arith.constant 0 : i32
    %swap3A_78 = arith.index_cast %swap3A_77 : i32 to index
    %swap3A_79 = arith.constant 16 : index
    %swap3A_80 = tpu.vector_load %arg14[%swap3A_78, %swap3A_79] {strides = array<i32>} : memref<1x64xf32, #tpu.memory_space<vmem>>, vector<1x16xf32>,
    %swap3A_81 = vector.shape_cast %swap3A_80 : vector<1x16xf32> to vector<16xf32>
    %swap3A_82 = vector.shape_cast %scan3A_70#1 : vector<16xf32> to vector<1x16xf32>
    tpu.vector_store %arg14[%swap3A_78, %swap3A_79], %swap3A_82 {strides = array<i32>} : memref<1x64xf32, #tpu.memory_space<vmem>>, vector<1x16xf32>,
    %swap3A_83 = arith.constant 0 : i32
    %swap3A_84 = arith.index_cast %swap3A_83 : i32 to index
    %swap3A_85 = arith.constant 32 : index
    %swap3A_86 = tpu.vector_load %arg14[%swap3A_84, %swap3A_85] {strides = array<i32>} : memref<1x64xf32, #tpu.memory_space<vmem>>, vector<1x16xf32>,
    %swap3A_87 = vector.shape_cast %swap3A_86 : vector<1x16xf32> to vector<16xf32>
    %swap3A_88 = vector.shape_cast %scan3A_70#2 : vector<16xf32> to vector<1x16xf32>
    tpu.vector_store %arg14[%swap3A_84, %swap3A_85], %swap3A_88 {strides = array<i32>} : memref<1x64xf32, #tpu.memory_space<vmem>>, vector<1x16xf32>,
    %swap3A_89 = arith.constant 0 : i32
    %swap3A_90 = arith.index_cast %swap3A_89 : i32 to index
    %swap3A_91 = arith.constant 48 : index
    %swap3A_92 = tpu.vector_load %arg14[%swap3A_90, %swap3A_91] {strides = array<i32>} : memref<1x64xf32, #tpu.memory_space<vmem>>, vector<1x16xf32>,
    %swap3A_93 = vector.shape_cast %swap3A_92 : vector<1x16xf32> to vector<16xf32>
    %swap3A_94 = vector.shape_cast %scan3A_70#3 : vector<16xf32> to vector<1x16xf32>
    tpu.vector_store %arg14[%swap3A_90, %swap3A_91], %swap3A_94 {strides = array<i32>} : memref<1x64xf32, #tpu.memory_space<vmem>>, vector<1x16xf32>,
    %dma_wait3A = arith.constant 0 : i32
    %dma_wait3A_95 = arith.constant 0 : i32
    %dma_wait3A_96 = tpu.memref_slice %arg4[%dma_wait3A, %dma_wait3A_95] : memref<16384x128xf32, #tpu.memory_space<hbm>> -> memref<32x64xf32, #tpu.memory_space<hbm>>
    %dma_wait3A_97 = arith.constant 0 : i32
    %dma_wait3A_98 = arith.constant 0 : i32
    %dma_wait3A_99 = tpu.memref_slice %arg4[%dma_wait3A_97, %dma_wait3A_98] : memref<16384x128xf32, #tpu.memory_space<hbm>> -> memref<32x64xf32, #tpu.memory_space<hbm>>
    tpu.wait_dma2 semaphore(%arg17 : memref<!tpu.dma_semaphore, #tpu.memory_space<semaphore_mem>>) src(%arg10 : memref<32x64xf32, #tpu.memory_space<vmem>>) dst(%dma_wait3A_99 : memref<32x64xf32, #tpu.memory_space<hbm>>)
    %dma_wait3A_100 = arith.constant 0 : i32
    %dma_wait3A_101 = arith.constant 0 : i32
    %dma_wait3A_102 = tpu.memref_slice %arg5[%dma_wait3A_100, %dma_wait3A_101] : memref<16384x128xf32, #tpu.memory_space<hbm>> -> memref<32x64xf32, #tpu.memory_space<hbm>>
    %dma_wait3A_103 = arith.constant 0 : i32
    %dma_wait3A_104 = arith.constant 0 : i32
    %dma_wait3A_105 = tpu.memref_slice %arg5[%dma_wait3A_103, %dma_wait3A_104] : memref<16384x128xf32, #tpu.memory_space<hbm>> -> memref<32x64xf32, #tpu.memory_space<hbm>>
    tpu.wait_dma2 semaphore(%arg17 : memref<!tpu.dma_semaphore, #tpu.memory_space<semaphore_mem>>) src(%arg11 : memref<32x64xf32, #tpu.memory_space<vmem>>) dst(%dma_wait3A_105 : memref<32x64xf32, #tpu.memory_space<hbm>>)
    %dma_wait3A_106 = arith.constant 0 : i32
    %dma_wait3A_107 = arith.constant 0 : i32
    %dma_wait3A_108 = tpu.memref_slice %arg4[%dma_wait3A_106, %dma_wait3A_107] : memref<16384x128xf32, #tpu.memory_space<hbm>> -> memref<32x64xf32, #tpu.memory_space<hbm>>
    %dma_wait3A_109 = arith.constant 0 : i32
    %dma_wait3A_110 = arith.constant 0 : i32
    %dma_wait3A_111 = tpu.memref_slice %arg4[%dma_wait3A_109, %dma_wait3A_110] : memref<16384x128xf32, #tpu.memory_space<hbm>> -> memref<32x64xf32, #tpu.memory_space<hbm>>
    tpu.wait_dma2 semaphore(%arg18 : memref<!tpu.dma_semaphore, #tpu.memory_space<semaphore_mem>>) src(%arg12 : memref<32x64xf32, #tpu.memory_space<vmem>>) dst(%dma_wait3A_111 : memref<32x64xf32, #tpu.memory_space<hbm>>)
    %dma_wait3A_112 = arith.constant 0 : i32
    %dma_wait3A_113 = arith.constant 0 : i32
    %dma_wait3A_114 = tpu.memref_slice %arg5[%dma_wait3A_112, %dma_wait3A_113] : memref<16384x128xf32, #tpu.memory_space<hbm>> -> memref<32x64xf32, #tpu.memory_space<hbm>>
    %dma_wait3A_115 = arith.constant 0 : i32
    %dma_wait3A_116 = arith.constant 0 : i32
    %dma_wait3A_117 = tpu.memref_slice %arg5[%dma_wait3A_115, %dma_wait3A_116] : memref<16384x128xf32, #tpu.memory_space<hbm>> -> memref<32x64xf32, #tpu.memory_space<hbm>>
    tpu.wait_dma2 semaphore(%arg18 : memref<!tpu.dma_semaphore, #tpu.memory_space<semaphore_mem>>) src(%arg13 : memref<32x64xf32, #tpu.memory_space<vmem>>) dst(%dma_wait3A_117 : memref<32x64xf32, #tpu.memory_space<hbm>>)
    %jit3A_118 = arith.constant 2 : i32
    %div3A_119 = arith.divsi %add3A, %jit3A_118 : i32
    %sign3A_120 = arith.constant 0 : i32
    %sign3A_121 = arith.cmpi sgt, %add3A, %sign3A_120 : i32
    %sign3A_122 = arith.extui %sign3A_121 : i1 to i32
    %sign3A_123 = arith.constant 0 : i32
    %sign3A_124 = arith.cmpi slt, %add3A, %sign3A_123 : i32
    %sign3A_125 = arith.extui %sign3A_124 : i1 to i32
    %sign3A_126 = arith.subi %sign3A_122, %sign3A_125 : i32
    %sign3A_127 = arith.constant 0 : i32
    %sign3A_128 = arith.cmpi sgt, %jit3A_118, %sign3A_127 : i32
    %sign3A_129 = arith.extui %sign3A_128 : i1 to i32
    %sign3A_130 = arith.constant 0 : i32
    %sign3A_131 = arith.cmpi slt, %jit3A_118, %sign3A_130 : i32
    %sign3A_132 = arith.extui %sign3A_131 : i1 to i32
    %sign3A_133 = arith.subi %sign3A_129, %sign3A_132 : i32
    %ne3A_134 = arith.cmpi ne, %sign3A_126, %sign3A_133 : i32
    %rem3A_135 = arith.remsi %add3A, %jit3A_118 : i32
    %ne3A_136 = arith.constant 0 : i32
    %ne3A_137 = arith.cmpi ne, %rem3A_135, %ne3A_136 : i32
    %and3A_138 = arith.andi %ne3A_134, %ne3A_137 : i1
    %sub3A_139 = arith.constant 1 : i32
    %sub3A_140 = arith.subi %div3A_119, %sub3A_139 : i32
    %select_n3A_141 = arith.select %and3A_138, %sub3A_140, %div3A_119 : i32
    %jit3A_142 = arith.constant 2 : i32
    %eq3A = arith.constant 0 : i32
    %eq3A_143 = arith.cmpi eq, %jit3A_142, %eq3A : i32
    %jit3A_144 = arith.constant 1 : i32
    %select_n3A_145 = arith.select %eq3A_143, %jit3A_144, %jit3A_142 : i32
    %rem3A_146 = arith.remsi %add3A, %select_n3A_145 : i32
    %ne3A_147 = arith.constant 0 : i32
    %ne3A_148 = arith.cmpi ne, %rem3A_146, %ne3A_147 : i32
    %lt3A = arith.constant 0 : i32
    %lt3A_149 = arith.cmpi slt, %rem3A_146, %lt3A : i32
    %lt3A_150 = arith.constant 0 : i32
    %lt3A_151 = arith.cmpi slt, %select_n3A_145, %lt3A_150 : i32
    %ne3A_152 = arith.xori %lt3A_149, %lt3A_151 : i1
    %and3A_153 = arith.andi %ne3A_152, %ne3A_148 : i1
    %add3A_154 = arith.addi %rem3A_146, %select_n3A_145 : i32
    %select_n3A_155 = arith.select %and3A_153, %add3A_154, %rem3A_146 : i32
    %mul3A_156 = arith.constant 64 : i32
    %mul3A_157 = arith.muli %select_n3A_155, %mul3A_156 : i32
    %run_scoped3A = arith.constant 0 : i32
    "tpu.region"() ({
      %run_scoped3A_158 = tpu.sem_alloc : memref<!tpu.dma_semaphore, #tpu.memory_space<semaphore_mem>>
      %dma_start3A_159 = arith.constant 0 : i32
      %dma_start3A_160 = tpu.memref_slice %arg14[%run_scoped3A, %dma_start3A_159] : memref<1x64xf32, #tpu.memory_space<vmem>> -> memref<1x64xf32, #tpu.memory_space<vmem>>
      %dma_start3A_161 = tpu.memref_squeeze %dma_start3A_160 : memref<1x64xf32, #tpu.memory_space<vmem>> -> memref<64xf32, #tpu.memory_space<vmem>>
      %dma_start3A_162 = tpu.memref_slice %arg6[%select_n3A_141, %mul3A_157] : memref<16x128xf32, #tpu.memory_space<hbm>> -> memref<1x64xf32, #tpu.memory_space<hbm>>
      %dma_start3A_163 = tpu.memref_squeeze %dma_start3A_162 : memref<1x64xf32, #tpu.memory_space<hbm>> -> memref<64xf32, #tpu.memory_space<hbm>>
      %dma_start3A_164 = tpu.memref_slice %arg6[%select_n3A_141, %mul3A_157] : memref<16x128xf32, #tpu.memory_space<hbm>> -> memref<1x64xf32, #tpu.memory_space<hbm>>
      %dma_start3A_165 = tpu.memref_squeeze %dma_start3A_164 : memref<1x64xf32, #tpu.memory_space<hbm>> -> memref<64xf32, #tpu.memory_space<hbm>>
      %dma_start3A_166 = arith.constant 0 : i32
      %dma_start3A_167 = tpu.memref_slice %arg14[%run_scoped3A, %dma_start3A_166] : memref<1x64xf32, #tpu.memory_space<vmem>> -> memref<1x64xf32, #tpu.memory_space<vmem>>
      %dma_start3A_168 = tpu.memref_squeeze %dma_start3A_167 : memref<1x64xf32, #tpu.memory_space<vmem>> -> memref<64xf32, #tpu.memory_space<vmem>>
      tpu.enqueue_dma source(%dma_start3A_168 : memref<64xf32, #tpu.memory_space<vmem>>) target(%dma_start3A_165 : memref<64xf32, #tpu.memory_space<hbm>>) target_semaphore(%run_scoped3A_158 : memref<!tpu.dma_semaphore, #tpu.memory_space<semaphore_mem>>)
      %dma_wait3A_169 = arith.constant 0 : i32
      %dma_wait3A_170 = tpu.memref_slice %arg14[%run_scoped3A, %dma_wait3A_169] : memref<1x64xf32, #tpu.memory_space<vmem>> -> memref<1x64xf32, #tpu.memory_space<vmem>>
      %dma_wait3A_171 = tpu.memref_squeeze %dma_wait3A_170 : memref<1x64xf32, #tpu.memory_space<vmem>> -> memref<64xf32, #tpu.memory_space<vmem>>
      %dma_wait3A_172 = tpu.memref_slice %arg6[%select_n3A_141, %mul3A_157] : memref<16x128xf32, #tpu.memory_space<hbm>> -> memref<1x64xf32, #tpu.memory_space<hbm>>
      %dma_wait3A_173 = tpu.memref_squeeze %dma_wait3A_172 : memref<1x64xf32, #tpu.memory_space<hbm>> -> memref<64xf32, #tpu.memory_space<hbm>>
      %dma_wait3A_174 = tpu.memref_slice %arg6[%select_n3A_141, %mul3A_157] : memref<16x128xf32, #tpu.memory_space<hbm>> -> memref<1x64xf32, #tpu.memory_space<hbm>>
      %dma_wait3A_175 = tpu.memref_squeeze %dma_wait3A_174 : memref<1x64xf32, #tpu.memory_space<hbm>> -> memref<64xf32, #tpu.memory_space<hbm>>
      %dma_wait3A_176 = arith.constant 0 : i32
      %dma_wait3A_177 = tpu.memref_slice %arg14[%run_scoped3A, %dma_wait3A_176] : memref<1x64xf32, #tpu.memory_space<vmem>> -> memref<1x64xf32, #tpu.memory_space<vmem>>
      %dma_wait3A_178 = tpu.memref_squeeze %dma_wait3A_177 : memref<1x64xf32, #tpu.memory_space<vmem>> -> memref<64xf32, #tpu.memory_space<vmem>>
      tpu.wait_dma2 semaphore(%run_scoped3A_158 : memref<!tpu.dma_semaphore, #tpu.memory_space<semaphore_mem>>) src(%dma_wait3A_178 : memref<64xf32, #tpu.memory_space<vmem>>) dst(%dma_wait3A_175 : memref<64xf32, #tpu.memory_space<hbm>>)
      tpu.yield
    }) : () -> ()
    return
  }
}

module attributes {stable_mosaic.version = 14 : i64} {
  func.func @_mm_body(%arg0: i32, %arg1: memref<1x64x8192xf32, #tpu.memory_space<vmem>>, %arg2: memref<64x64xf32, #tpu.memory_space<vmem>>, %arg3: memref<64x64xf32, #tpu.memory_space<vmem>>, %arg4: memref<4096x128xf32, #tpu.memory_space<vmem>>, %arg5: memref<4096x128xf32, #tpu.memory_space<vmem>>) attributes {dimension_semantics = [#tpu.dimension_semantics<arbitrary>], iteration_bounds = array<i64: 4>, scalar_prefetch = 0 : i64, scratch_operands = 0 : i64, tpu.core_type = #tpu.core_type<tc>, window_params = [{transform_indices = @transform_0, window_bounds = array<i64: 1, 64, 8192>}, {pipeline_mode = #tpu.pipeline_mode<synchronous>, transform_indices = @transform_1, window_bounds = array<i64: 64, 64>}, {pipeline_mode = #tpu.pipeline_mode<synchronous>, transform_indices = @transform_2, window_bounds = array<i64: 64, 64>}, {transform_indices = @transform_3, window_bounds = array<i64: 4096, 128>}, {transform_indices = @transform_4, window_bounds = array<i64: 4096, 128>}]} {
    %get3A = arith.constant 0 : index
    %get3A_0 = arith.constant 0 : index
    %get3A_1 = arith.constant 0 : index
    %get3A_2 = vector.load %arg1[%get3A, %get3A_0, %get3A_1] : memref<1x64x8192xf32, #tpu.memory_space<vmem>>, vector<1x64x8192xf32>
    %get3A_3 = vector.shape_cast %get3A_2 : vector<1x64x8192xf32> to vector<64x8192xf32>
    %get3A_4 = arith.constant 0 : index
    %get3A_5 = arith.constant 0 : index
    %get3A_6 = vector.load %arg2[%get3A_4, %get3A_5] : memref<64x64xf32, #tpu.memory_space<vmem>>, vector<64x64xf32>
    %dot_general3A = arith.constant dense<0.000000e+00> : vector<8192x64xf32>
    %dot_general3A_7 = tpu.matmul %get3A_3, %get3A_6, %dot_general3A {dimension_numbers = #tpu.dot_dimension_numbers<[0], [0], [1], [1], [0, 1, 1, 1], [], []>, transpose_lhs_hint = false} : vector<64x8192xf32>, vector<64x64xf32>, vector<8192x64xf32> -> vector<8192x64xf32>
    %get3A_8 = arith.constant 0 : index
    %get3A_9 = arith.constant 0 : index
    %get3A_10 = vector.load %arg3[%get3A_8, %get3A_9] : memref<64x64xf32, #tpu.memory_space<vmem>>, vector<64x64xf32>
    %dot_general3A_11 = arith.constant dense<0.000000e+00> : vector<8192x64xf32>
    %dot_general3A_12 = tpu.matmul %get3A_3, %get3A_10, %dot_general3A_11 {dimension_numbers = #tpu.dot_dimension_numbers<[0], [0], [1], [1], [0, 1, 1, 1], [], []>, transpose_lhs_hint = false} : vector<64x8192xf32>, vector<64x64xf32>, vector<8192x64xf32> -> vector<8192x64xf32>
    %slice3A = vector.extract_strided_slice %dot_general3A_7 {offsets = [0, 0], sizes = [4096, 64], strides = [1, 1]} : vector<8192x64xf32> to vector<4096x64xf32>
    %slice3A_13 = vector.extract_strided_slice %dot_general3A_7 {offsets = [4096, 0], sizes = [4096, 64], strides = [1, 1]} : vector<8192x64xf32> to vector<4096x64xf32>
    %concatenate3A = tpu.concatenate %slice3A, %slice3A_13 in 1 : vector<4096x64xf32>, vector<4096x64xf32> -> vector<4096x128xf32>
    %swap3A = arith.constant 0 : index
    %swap3A_14 = arith.constant 0 : index
    %swap3A_15 = vector.load %arg4[%swap3A, %swap3A_14] : memref<4096x128xf32, #tpu.memory_space<vmem>>, vector<4096x128xf32>
    tpu.vector_store %arg4[%swap3A, %swap3A_14], %concatenate3A {strides = array<i32>} : memref<4096x128xf32, #tpu.memory_space<vmem>>, vector<4096x128xf32>,
    %slice3A_16 = vector.extract_strided_slice %dot_general3A_12 {offsets = [0, 0], sizes = [4096, 64], strides = [1, 1]} : vector<8192x64xf32> to vector<4096x64xf32>
    %slice3A_17 = vector.extract_strided_slice %dot_general3A_12 {offsets = [4096, 0], sizes = [4096, 64], strides = [1, 1]} : vector<8192x64xf32> to vector<4096x64xf32>
    %concatenate3A_18 = tpu.concatenate %slice3A_16, %slice3A_17 in 1 : vector<4096x64xf32>, vector<4096x64xf32> -> vector<4096x128xf32>
    %swap3A_19 = arith.constant 0 : index
    %swap3A_20 = arith.constant 0 : index
    %swap3A_21 = vector.load %arg5[%swap3A_19, %swap3A_20] : memref<4096x128xf32, #tpu.memory_space<vmem>>, vector<4096x128xf32>
    tpu.vector_store %arg5[%swap3A_19, %swap3A_20], %concatenate3A_18 {strides = array<i32>} : memref<4096x128xf32, #tpu.memory_space<vmem>>, vector<4096x128xf32>,
    return
  }
  func.func @transform_0(%arg0: i32) -> (i32, i32, i32) {
    %c0_i32 = arith.constant 0 : i32
    %c0_i32_0 = arith.constant 0 : i32
    %c0_i32_1 = arith.constant 0 : i32
    return %arg0, %c0_i32, %c0_i32_0 : i32, i32, i32
  }
  func.func @transform_1(%arg0: i32) -> (i32, i32) {
    %c0_i32 = arith.constant 0 : i32
    %c0_i32_0 = arith.constant 0 : i32
    %c0_i32_1 = arith.constant 0 : i32
    return %c0_i32, %c0_i32_0 : i32, i32
  }
  func.func @transform_2(%arg0: i32) -> (i32, i32) {
    %c0_i32 = arith.constant 0 : i32
    %c0_i32_0 = arith.constant 0 : i32
    %c0_i32_1 = arith.constant 0 : i32
    return %c0_i32, %c0_i32_0 : i32, i32
  }
  func.func @transform_3(%arg0: i32) -> (i32, i32) {
    %c0_i32 = arith.constant 0 : i32
    %c0_i32_0 = arith.constant 0 : i32
    return %arg0, %c0_i32 : i32, i32
  }
  func.func @transform_4(%arg0: i32) -> (i32, i32) {
    %c0_i32 = arith.constant 0 : i32
    %c0_i32_0 = arith.constant 0 : i32
    return %arg0, %c0_i32 : i32, i32
  }
}

module attributes {stable_mosaic.version = 14 : i64} {
  func.func @_norm_body(%arg0: i32, %arg1: memref<4096x128xf32, #tpu.memory_space<vmem>>, %arg2: memref<4096x128xf32, #tpu.memory_space<vmem>>, %arg3: memref<4096x128xf32, #tpu.memory_space<vmem>>, %arg4: memref<1x4x128xf32, #tpu.memory_space<vmem>>, %arg5: memref<1x64x8192xf32, #tpu.memory_space<vmem>>) attributes {dimension_semantics = [#tpu.dimension_semantics<arbitrary>], iteration_bounds = array<i64: 4>, scalar_prefetch = 0 : i64, scratch_operands = 0 : i64, tpu.core_type = #tpu.core_type<tc>, window_params = [{transform_indices = @transform_0, window_bounds = array<i64: 4096, 128>}, {transform_indices = @transform_1, window_bounds = array<i64: 4096, 128>}, {transform_indices = @transform_2, window_bounds = array<i64: 4096, 128>}, {transform_indices = @transform_3, window_bounds = array<i64: 1, 4, 128>}, {transform_indices = @transform_4, window_bounds = array<i64: 1, 64, 8192>}]} {
    %get3A = arith.constant 0 : index
    %get3A_0 = arith.constant 0 : index
    %get3A_1 = vector.load %arg2[%get3A, %get3A_0] : memref<4096x128xf32, #tpu.memory_space<vmem>>, vector<4096x128xf32>
    %get3A_2 = arith.constant 0 : index
    %get3A_3 = arith.constant 0 : index
    %get3A_4 = vector.load %arg3[%get3A_2, %get3A_3] : memref<4096x128xf32, #tpu.memory_space<vmem>>, vector<4096x128xf32>
    %get3A_5 = arith.constant 0 : index
    %get3A_6 = arith.constant 0 : index
    %get3A_7 = vector.load %arg1[%get3A_5, %get3A_6] : memref<4096x128xf32, #tpu.memory_space<vmem>>, vector<4096x128xf32>
    %reduce_sum3A = arith.constant dense<0.000000e+00> : vector<128xf32>
    %reduce_sum3A_8 = vector.multi_reduction <add>, %get3A_1, %reduce_sum3A [0] : vector<4096x128xf32> to vector<128xf32>
    %slice3A = vector.extract_strided_slice %reduce_sum3A_8 {offsets = [0], sizes = [64], strides = [1]} : vector<128xf32> to vector<64xf32>
    %slice3A_9 = vector.extract_strided_slice %reduce_sum3A_8 {offsets = [64], sizes = [64], strides = [1]} : vector<128xf32> to vector<64xf32>
    %add3A = arith.addf %slice3A, %slice3A_9 : vector<64xf32>
    %reduce_sum3A_10 = arith.constant dense<0.000000e+00> : vector<128xf32>
    %reduce_sum3A_11 = vector.multi_reduction <add>, %get3A_4, %reduce_sum3A_10 [0] : vector<4096x128xf32> to vector<128xf32>
    %slice3A_12 = vector.extract_strided_slice %reduce_sum3A_11 {offsets = [0], sizes = [64], strides = [1]} : vector<128xf32> to vector<64xf32>
    %slice3A_13 = vector.extract_strided_slice %reduce_sum3A_11 {offsets = [64], sizes = [64], strides = [1]} : vector<128xf32> to vector<64xf32>
    %add3A_14 = arith.addf %slice3A_12, %slice3A_13 : vector<64xf32>
    %mul3A = arith.mulf %get3A_4, %get3A_4 : vector<4096x128xf32>
    %reduce_sum3A_15 = arith.constant dense<0.000000e+00> : vector<128xf32>
    %reduce_sum3A_16 = vector.multi_reduction <add>, %mul3A, %reduce_sum3A_15 [0] : vector<4096x128xf32> to vector<128xf32>
    %slice3A_17 = vector.extract_strided_slice %reduce_sum3A_16 {offsets = [0], sizes = [64], strides = [1]} : vector<128xf32> to vector<64xf32>
    %slice3A_18 = vector.extract_strided_slice %reduce_sum3A_16 {offsets = [64], sizes = [64], strides = [1]} : vector<128xf32> to vector<64xf32>
    %add3A_19 = arith.addf %slice3A_17, %slice3A_18 : vector<64xf32>
    %mul3A_20 = arith.mulf %get3A_4, %get3A_1 : vector<4096x128xf32>
    %reduce_sum3A_21 = arith.constant dense<0.000000e+00> : vector<128xf32>
    %reduce_sum3A_22 = vector.multi_reduction <add>, %mul3A_20, %reduce_sum3A_21 [0] : vector<4096x128xf32> to vector<128xf32>
    %slice3A_23 = vector.extract_strided_slice %reduce_sum3A_22 {offsets = [0], sizes = [64], strides = [1]} : vector<128xf32> to vector<64xf32>
    %slice3A_24 = vector.extract_strided_slice %reduce_sum3A_22 {offsets = [64], sizes = [64], strides = [1]} : vector<128xf32> to vector<64xf32>
    %add3A_25 = arith.addf %slice3A_23, %slice3A_24 : vector<64xf32>
    %get3A_26 = arith.constant 0 : index
    %get3A_27 = arith.constant 0 : index
    %get3A_28 = arith.constant 0 : index
    %get3A_29 = vector.load %arg4[%get3A_26, %get3A_27, %get3A_28] : memref<1x4x128xf32, #tpu.memory_space<vmem>>, vector<1x4x128xf32>
    %get3A_30 = vector.shape_cast %get3A_29 : vector<1x4x128xf32> to vector<4x128xf32>
    %reduce_sum3A_31 = arith.constant dense<0.000000e+00> : vector<128xf32>
    %reduce_sum3A_32 = vector.multi_reduction <add>, %get3A_30, %reduce_sum3A_31 [0] : vector<4x128xf32> to vector<128xf32>
    %slice3A_33 = vector.extract_strided_slice %reduce_sum3A_32 {offsets = [0], sizes = [64], strides = [1]} : vector<128xf32> to vector<64xf32>
    %slice3A_34 = vector.extract_strided_slice %reduce_sum3A_32 {offsets = [64], sizes = [64], strides = [1]} : vector<128xf32> to vector<64xf32>
    %add3A_35 = arith.addf %slice3A_33, %slice3A_34 : vector<64xf32>
    %mul3A_36 = arith.constant 1.600000e+01 : f32
    %mul3A_37 = vector.broadcast %mul3A_36 : f32 to vector<64xf32>
    %mul3A_38 = arith.mulf %mul3A_37, %add3A_14 : vector<64xf32>
    %add3A_39 = arith.addf %add3A, %mul3A_38 : vector<64xf32>
    %div3A = arith.constant 1.310720e+05 : f32
    %div3A_40 = vector.broadcast %div3A : f32 to vector<64xf32>
    %div3A_41 = arith.divf %add3A_39, %div3A_40 : vector<64xf32>
    %mul3A_42 = arith.constant 2.000000e+00 : f32
    %mul3A_43 = vector.broadcast %mul3A_42 : f32 to vector<64xf32>
    %mul3A_44 = arith.mulf %mul3A_43, %add3A_25 : vector<64xf32>
    %add3A_45 = arith.addf %add3A_35, %mul3A_44 : vector<64xf32>
    %mul3A_46 = arith.constant 1.600000e+01 : f32
    %mul3A_47 = vector.broadcast %mul3A_46 : f32 to vector<64xf32>
    %mul3A_48 = arith.mulf %mul3A_47, %add3A_19 : vector<64xf32>
    %add3A_49 = arith.addf %add3A_45, %mul3A_48 : vector<64xf32>
    %div3A_50 = arith.constant 1.310720e+05 : f32
    %div3A_51 = vector.broadcast %div3A_50 : f32 to vector<64xf32>
    %div3A_52 = arith.divf %add3A_49, %div3A_51 : vector<64xf32>
    %mul3A_53 = arith.mulf %div3A_41, %div3A_41 : vector<64xf32>
    %sub3A = arith.subf %div3A_52, %mul3A_53 : vector<64xf32>
    %add3A_54 = arith.constant 9.99999974E-6 : f32
    %add3A_55 = vector.broadcast %add3A_54 : f32 to vector<64xf32>
    %add3A_56 = arith.addf %sub3A, %add3A_55 : vector<64xf32>
    %rsqrt3A = math.rsqrt %add3A_56 : vector<64xf32>
    %concatenate3A = tpu.concatenate %div3A_41, %div3A_41 in 0 : vector<64xf32>, vector<64xf32> -> vector<128xf32>
    %concatenate3A_57 = tpu.concatenate %rsqrt3A, %rsqrt3A in 0 : vector<64xf32>, vector<64xf32> -> vector<128xf32>
    %add3A_58 = arith.addf %get3A_7, %get3A_4 : vector<4096x128xf32>
    %broadcast_in_dim3A = vector.shape_cast %concatenate3A : vector<128xf32> to vector<1x128xf32>
    %sub3A_59 = vector.broadcast %broadcast_in_dim3A : vector<1x128xf32> to vector<4096x128xf32>
    %sub3A_60 = arith.subf %add3A_58, %sub3A_59 : vector<4096x128xf32>
    %broadcast_in_dim3A_61 = vector.shape_cast %concatenate3A_57 : vector<128xf32> to vector<1x128xf32>
    %mul3A_62 = vector.broadcast %broadcast_in_dim3A_61 : vector<1x128xf32> to vector<4096x128xf32>
    %mul3A_63 = arith.mulf %sub3A_60, %mul3A_62 : vector<4096x128xf32>
    %ge3A = arith.constant 0.000000e+00 : f32
    %ge3A_64 = vector.broadcast %ge3A : f32 to vector<4096x128xf32>
    %ge3A_65 = arith.cmpf oge, %mul3A_63, %ge3A_64 : vector<4096x128xf32>
    %mul3A_66 = arith.constant 2.000000e-01 : f32
    %mul3A_67 = vector.broadcast %mul3A_66 : f32 to vector<4096x128xf32>
    %mul3A_68 = arith.mulf %mul3A_67, %mul3A_63 : vector<4096x128xf32>
    %select_n3A = arith.select %ge3A_65, %mul3A_63, %mul3A_68 : vector<4096x128xi1>, vector<4096x128xf32>
    %slice3A_69 = vector.extract_strided_slice %select_n3A {offsets = [0, 0], sizes = [4096, 64], strides = [1, 1]} : vector<4096x128xf32> to vector<4096x64xf32>
    %transpose3A = tpu.transpose %slice3A_69, [1, 0] : vector<4096x64xf32> -> vector<64x4096xf32>
    %slice3A_70 = vector.extract_strided_slice %select_n3A {offsets = [0, 64], sizes = [4096, 64], strides = [1, 1]} : vector<4096x128xf32> to vector<4096x64xf32>
    %transpose3A_71 = tpu.transpose %slice3A_70, [1, 0] : vector<4096x64xf32> -> vector<64x4096xf32>
    %concatenate3A_72 = tpu.concatenate %transpose3A, %transpose3A_71 in 1 : vector<64x4096xf32>, vector<64x4096xf32> -> vector<64x8192xf32>
    %swap3A = arith.constant 0 : index
    %swap3A_73 = arith.constant 0 : index
    %swap3A_74 = arith.constant 0 : index
    %swap3A_75 = vector.load %arg5[%swap3A, %swap3A_73, %swap3A_74] : memref<1x64x8192xf32, #tpu.memory_space<vmem>>, vector<1x64x8192xf32>
    %swap3A_76 = vector.shape_cast %swap3A_75 : vector<1x64x8192xf32> to vector<64x8192xf32>
    %swap3A_77 = vector.shape_cast %concatenate3A_72 : vector<64x8192xf32> to vector<1x64x8192xf32>
    tpu.vector_store %arg5[%swap3A, %swap3A_73, %swap3A_74], %swap3A_77 {strides = array<i32>} : memref<1x64x8192xf32, #tpu.memory_space<vmem>>, vector<1x64x8192xf32>,
    return
  }
  func.func @transform_0(%arg0: i32) -> (i32, i32) {
    %c0_i32 = arith.constant 0 : i32
    %c0_i32_0 = arith.constant 0 : i32
    return %arg0, %c0_i32 : i32, i32
  }
  func.func @transform_1(%arg0: i32) -> (i32, i32) {
    %c0_i32 = arith.constant 0 : i32
    %c0_i32_0 = arith.constant 0 : i32
    return %arg0, %c0_i32 : i32, i32
  }
  func.func @transform_2(%arg0: i32) -> (i32, i32) {
    %c0_i32 = arith.constant 0 : i32
    %c0_i32_0 = arith.constant 0 : i32
    return %arg0, %c0_i32 : i32, i32
  }
  func.func @transform_3(%arg0: i32) -> (i32, i32, i32) {
    %c0_i32 = arith.constant 0 : i32
    %c0_i32_0 = arith.constant 0 : i32
    %c0_i32_1 = arith.constant 0 : i32
    return %arg0, %c0_i32, %c0_i32_0 : i32, i32, i32
  }
  func.func @transform_4(%arg0: i32) -> (i32, i32, i32) {
    %c0_i32 = arith.constant 0 : i32
    %c0_i32_0 = arith.constant 0 : i32
    %c0_i32_1 = arith.constant 0 : i32
    return %arg0, %c0_i32, %c0_i32_0 : i32, i32, i32
  }
}

</mosaic_0001>

<sc_bundles>
// kernel: kernel.5.cloned.1.call-start
scs
__scs_entry_jumppad:
0x0: {  	(pc) =	sbr.rel $0x88, $3  }
0x1: {  	(tag) =	ssettag $0x0;
	lr =	simm.s32 $0x1  }
0x2: {  	[smem:$0x3F9E] =	sst lr;
	_ =	strace $0xD0000000  }
0x3: {  	_ = 	snop  }
0x4: {  	_ = 	snop  }
0x5: {  	_ = 	snop  }
0x6: {  	_ = 	snop  }
0x7: {  	_ = 	snop  }
__scs_overlays_trampoline_lowered:
0x8: {  	[smem:$0x3FAD] =	sst s0  }
0x9: {  	[smem:$0x3FAE] =	sst s1  }
0xa: {  	[smem:$0x3FAF] =	sst s2  }
0xb: {  	[smem:$0x3FB0] =	sst s3  }
0xc: {  	[smem:$0x3FB1] =	sst s4  }
0xd: {  	[smem:$0x3FB2] =	sst s5  }
0xe: {  	[smem:$0x3FB3] =	sst s6  }
0xf: {  	[smem:$0x3FB4] =	sst s7  }
0x10: {  	[smem:$0x3FB5] =	sst s8  }
0x11: {  	[smem:$0x3FB6] =	sst s9;
	s0 =	simm.s32 @!p0 $0x0  }
0x12: {  	s1 =	sld [smem:$0x3F9C];
	s0 =	simm.s32 @p0 $0x1  }
0x13: {  	[smem:$0x3FB7] =	sst s0;
	s0 =	simm.s32 @!p1 $0x0  }
0x14: {  	s2 =	sld [smem:$0x3F9B];
	s0 =	simm.s32 @p1 $0x1  }
0x15: {  	[smem:$0x3FB8] =	sst s0;
	s0 =	simm.s32 @!p2 $0x0  }
0x16: {  	s3 =	sld [smem:$0x3FDB];
	s0 =	simm.s32 @p2 $0x1  }
0x17: {  	s4 =	simm.s32 $0x1BF5;
	[smem:$0x3FBA] =	sst s0  }
0x18: {  	s0 =	sld [smem:$0x3F9D];
	_ =	swait.ge [sflag:s4], $0x0  }
0x19: {  	s7 =	sld [smem:$0x3F9E]  }
0x1a: {  	s8 =	sadd.s32 $0xFFFFE003, lr  }
0x1b: {  	s9 =	sadd.s32 $0xFFFFFEF7, lr;
	s5 =	simm.s32 $0xFFFFFFFF;
	p2 =	slt.u32 s8, $0xFFFFF086  }
0x1c: {  	p1 =	slt.u32 s9, $0xF7A;
	s5 =	simm.s32 @!p2 $0x0  }
0x1d: {  	s5 =	simm.s32 @p1 $0x1;
	p0 =	seq.s32 s7, s2  }
0x1e: {  	s7 =	smul.u32 @!p0 $0xF7A, s2;
	p2 =	seq.s32 @!p0 s5, $0x0  }
0x1f: {  	s9 =	smul.u32 $0xF7A, s1;
	s8 =	simm.s32 @!p0 $0x1BF5;
	p2 =	por !p2, p0  }
0x20: {  	[sflag:s8] =	ssyncset.s32 @!p0 $0xFFFFF086;
	s6 =	sadd.s32 @!p0 s3, s7;
	s7 =	simm.s32 @!p0 $0x108  }
0x21: {  	s3 =	sadd.s32 s3, s9;
	s6 =	sadd.s32 @!p0 $0x88, s6;
	s7 =	simm.s32 @p2 $0x1082  }
0x22: {  	[simem:s7], [sflag:s8] =	dma.local @!p0 [hbm:s6], $0xF7A  }
0x23: {  	s9 =	sor.u32 $0xD0000000, s2;
	s6 =	simm.s32 $0x108;
	_ =	swait.ge @!p0 [sflag:s8], $0x0  }
0x24: {  	s3 =	sadd.s32 $0x88, s3;
	s6 =	simm.s32 @!p1 $0x1082;
	[sflag:s4] =	ssyncset.s32 $0xFFFFF086  }
0x25: {  	[simem:s6], [sflag:s4] =	dma.local [hbm:s3], $0xF7A  }
0x26: {  	[smem:$0x3F9E] =	sst s1;
	(tag) =	ssettag s2;
	_ =	strace s9  }
0x27: {  	s1 =	sld [smem:$0x3FAE]  }
0x28: {  	s2 =	sld [smem:$0x3FAF]  }
0x29: {  	s4 =	sld [smem:$0x3FB1]  }
0x2a: {  	p0 =	seq.s32 s5, $0x0;
	s5 =	sld [smem:$0x3FB2]  }
0x2b: {  	s6 =	sld [smem:$0x3FB3]  }
0x2c: {  	s7 =	sld [smem:$0x3FB4]  }
0x2d: {  	s3 =	simm.s32 $0x108;
	s8 =	sld [smem:$0x3FB5]  }
0x2e: {  	s3 =	simm.s32 @!p0 $0x1082;
	s9 =	sld [smem:$0x3FB6]  }
0x2f: {  	lr =	sadd.s32 s0, s3;
	s0 =	sld [smem:$0x3FAD]  }
0x30: {  	s3 =	sld [smem:$0x3FB0]  }
0x31: {  	[smem:$0x3FB9] =	sst s10  }
0x32: {  	s10 =	sld [smem:$0x3FB7];
	_ =	sdelay $0x3  }
0x33: {  	p0 =	seq.s32 s10, $0x1;
	s10 =	sld [smem:$0x3FB9];
	_ =	sdelay $0x3  }
0x34: {  	[smem:$0x3FB9] =	sst s10  }
0x35: {  	s10 =	sld [smem:$0x3FB8];
	_ =	sdelay $0x3  }
0x36: {  	p1 =	seq.s32 s10, $0x1;
	s10 =	sld [smem:$0x3FB9];
	_ =	sdelay $0x3  }
0x37: {  	[smem:$0x3FB9] =	sst s10  }
0x38: {  	s10 =	sld [smem:$0x3FBA]  }
0x39: {  	_ = 	snop;
	(pc) =	sbr.ind lr, $3  }
0x3a: {  	_ = 	snop  }
0x3b: {  	_ = 	snop  }
0x3c: {  	p2 =	seq.s32 s10, $0x1;
	s10 =	sld [smem:$0x3FB9]  }
0x3d: {  	_ =	shalt  }
0x3e: {  	_ =	shalt  }
0x3f: {  	_ =	shalt  }
0x40: {  	_ =	shalt  }
0x41: {  	_ =	shalt  }
0x42: {  	_ =	shalt  }
0x43: {  	_ =	shalt  }
0x44: {  	_ =	shalt  }
0x45: {  	_ =	shalt  }
0x46: {  	_ =	shalt  }
0x47: {  	_ =	shalt  }
0x48: {  	_ =	shalt  }
0x49: {  	_ =	shalt  }
0x4a: {  	_ =	shalt  }
0x4b: {  	_ =	shalt  }
0x4c: {  	_ =	shalt  }
0x4d: {  	_ =	shalt  }
0x4e: {  	_ =	shalt  }
0x4f: {  	_ =	shalt  }
0x50: {  	_ =	shalt  }
0x51: {  	_ =	shalt  }
0x52: {  	_ =	shalt  }
0x53: {  	_ =	shalt  }
0x54: {  	_ =	shalt  }
0x55: {  	_ =	shalt  }
0x56: {  	_ =	shalt  }
0x57: {  	_ =	shalt  }
0x58: {  	_ =	shalt  }
0x59: {  	_ =	shalt  }
0x5a: {  	_ =	shalt  }
0x5b: {  	_ =	shalt  }
0x5c: {  	_ =	shalt  }
0x5d: {  	_ =	shalt  }
0x5e: {  	_ =	shalt  }
0x5f: {  	_ =	shalt  }
0x60: {  	_ =	shalt  }
0x61: {  	_ =	shalt  }
0x62: {  	_ =	shalt  }
0x63: {  	_ =	shalt  }
0x64: {  	_ =	shalt  }
0x65: {  	_ =	shalt  }
0x66: {  	_ =	shalt  }
0x67: {  	_ =	shalt  }
0x68: {  	_ =	shalt  }
0x69: {  	_ =	shalt  }
0x6a: {  	_ =	shalt  }
0x6b: {  	_ =	shalt  }
0x6c: {  	_ =	shalt  }
0x6d: {  	_ =	shalt  }
0x6e: {  	_ =	shalt  }
0x6f: {  	_ =	shalt  }
0x70: {  	_ =	shalt  }
0x71: {  	_ =	shalt  }
0x72: {  	_ =	shalt  }
0x73: {  	_ =	shalt  }
0x74: {  	_ =	shalt  }
0x75: {  	_ =	shalt  }
0x76: {  	_ =	shalt  }
0x77: {  	_ =	shalt  }
0x78: {  	_ =	shalt  }
0x79: {  	_ =	shalt  }
0x7a: {  	_ =	shalt  }
0x7b: {  	_ =	shalt  }
0x7c: {  	_ =	shalt  }
0x7d: {  	_ =	shalt  }
0x7e: {  	_ =	shalt  }
0x7f: {  	_ =	shalt  }
0x80: {  	_ =	shalt  }
0x81: {  	_ =	shalt  }
0x82: {  	_ =	shalt  }
0x83: {  	_ =	shalt  }
0x84: {  	_ =	shalt  }
0x85: {  	_ =	shalt  }
0x86: {  	_ =	shalt  }
0x87: {  	_ =	shalt  }
.Lfunc_end0:
.L_simem_size_0:
called_computation_lowered:
.L_overlay_start_0:
0x88: {  	s2 =	sld [smem:$0x3FD9]  }
0x89: {  	s3 =	sld [smem:$0x3FFE];
	_ =	sdelay $0x1  }
0x8a: {  	s1 =	srdreg.scid  }
0x8b: {  	s0 =	sand.u32 $0x1, s1  }
0x8c: {  	s17 =	sshll.u32 s0, $0xA;
	s2 =	sadd.s32 s3, s2  }
0x8d: {  	s2 =	sadd.s32 s2, s17  }
0x8e: {  	[smem:$0x3FC5] =	sst s2  }
0x8f: {  	_ = 	snop  }
0x90: {  	s2 =	sld [smem:$0x3FD0];
	(tm) =	ssettm $0x1  }
0x91: {  	s18 =	sld [smem:$0x3FFB];
	_ =	sdelay $0x3  }
0x92: {  	_ =	strace s18  }
0x93: {  	s3 =	sld [smem:$0x3FFC];
	_ =	sdelay $0x3  }
0x94: {  	_ =	strace s3  }
0x95: {  	s3 =	sld [smem:$0x3FFD];
	_ =	sdelay $0x3  }
0x96: {  	_ =	strace s3  }
0x97: {  	_ =	strace $0x8FFFFFFF  }
0x98: {  	s19 =	sld [smem:$0x3FDB];
	_ =	sdelay $0x1  }
0x99: {  	s4 =	simm.s32 $_scs_section_size  }
0x9a: {  	s5 =	simm.s32 $_size__tile_overlayer_lowered;
	s6 =	simm.s32 $_tile_overlayer_lowered  }
0x9b: {  	s22 =	simm.s32 $0x1BFF;
	s21 =	sshll.u32 s6, $0x1;
	s3 =	sadd.s32 s4, s19  }
0x9c: {  	s7 =	simm.s32 $0x0;
	s20 =	sshll.u32 s5, $0x1;
	s5 =	sadd.s32 s21, s3  }
0x9d: {  	[timem:s7], [sflag:s22] =	dma.local [hbm:s5], s20  }
0x9e: {  	_ =	swait.ge [sflag:s22], s20  }
0x9f: {  	s4 =	ssub.s32 $0x0, s20;
	[sflag:s22] =	ssyncset.done $0x0  }
0xa0: {  	[sflag:s22] =	ssyncadd.s32 s4;
	_ =	sdelay $0x1  }
0xa1: {  	s23 =	simm.s32 $0x1B8B  }
0xa2: {  	_ =	swait.ge [sflag:s23], $0x1  }
0xa3: {  	[sflag:s23] =	ssyncset.done $0x0  }
0xa4: {  	s25 =	simm.s32 $0x1B8E;
	s24 =	sld [smem:$0x3FFE];
	[sflag:s23] =	ssyncadd.s32 $0xFFFFFFFF  }
0xa5: {  	s26 =	simm.s32 $execute0_lowered;
	[smem:$0x3FD2] =	sst s25  }
0xa6: {  	s5 =	sshll.u32 s26, $0x1;
	_ =	strace $0x80000046;
	[dreg:$0x1] =	wrdreg $0xFFFFFFFF  }
0xa7: {  	s28 =	simm.s32 $_size_execute0_lowered;
	s3 =	sadd.s32 s3, s5;
	[dreg:$0x0] =	wrdreg $0x0  }
0xa8: {  	s5 =	sshll.u32 s28, $0x1;
	[dreg:$0x2] =	wrdreg s3  }
0xa9: {  	[dreg:$0x3] =	wrdreg s5  }
0xaa: {  	[dreg:$0x4] =	wrdreg $0xC0  }
0xab: {  	_ =	task [dreg:s7], $0x5FFFF  }
0xac: {  	[dreg:$0x1] =	wrdreg $0xFFFFFFFF  }
0xad: {  	[dreg:$0x0] =	wrdreg $0x60  }
0xae: {  	[dreg:$0x2] =	wrdreg s2  }
0xaf: {  	[dreg:$0x3] =	wrdreg s24  }
0xb0: {  	[dreg:$0x4] =	wrdreg $0x9  }
0xb1: {  	_ =	task.clear_ibuf [dreg:s7], $0x5FFFF;
	_ =	strace $0x90000046  }
0xb2: {  	s29 =	simm.s32 $0x9;
	_ =	strace $0x80000048  }
0xb3: {  	_ =	swait.ge [sflag:s29], $0x1  }
0xb4: {  	[sflag:s29] =	ssyncadd.s32 $0xFFFFFFFF  }
0xb5: {  	_ =	strace $0x90000048  }
0xb6: {  	_ =	sfence  }
0xb7: {  	s30 =	sld [smem:$0x0];
	_ =	sdelay $0x2  }
0xb8: {  	s31 =	sshll.u32 s1, $0xD;
	s1 =	sshrl.u32 s1, $0x2  }
0xb9: {  	s3 =	sand.u32 $0x4000, s31;
	s1 =	sadd.s32 s1, s30  }
0xba: {  	s0 =	sor.u32 s3, s0;
	s1 =	sshll.u32 s1, $0x11  }
0xbb: {  	s0 =	sor.u32 s1, s0  }
0xbc: {  	s0 =	sadd.s32 $0x8F2B, s0  }
0xbd: {  	[sflag:s0] =	ssyncadd.remote.s32 $0x1  }
0xbe: {  	_ =	sfence.sel $0xFFFF  }
0xbf: {  	[dreg:$0x0] =	wrdreg $0xFFFFFFFF;
	(pc) =	sbr.abs _section_cstart, $3  }
0xc0: {  	[dreg:$0x1] =	wrdreg $0xFFFFFFFF  }
0xc1: {  	_ =	task.clear_ibuf [dreg:s7], $0x2FFFF;
	_ =	strace $0x9FFFFFFF  }
0xc2: {  	(tm) =	ssettm $0x7FFFFFFF  }
0xc3: {  	_ =	shalt  }
tec
execute0_lowered:
.L_overlay_start_1:
0x0: {  	(tag) =	ssettag $0x1  }
0x1: {  	s0 =	srdreg.scid;
	s2 =	rddreg [dreg:$0x0]  }
0x2: {  	s12 =	stileid.u32;
	s7 =	rddreg [dreg:$0x1]  }
0x3: {  	s4 =	simm.s32 $0x1;
	s3 =	simm.s32 $0x0;
	s19 =	simm.s32 $0xC000  }
0x4: {  	s20 =	simm.s32 $0xE000;
	s21 =	simm.s32 $0x10000;
	s22 =	simm.s32 $0x12000  }
0x5: {  	s23 =	simm.s32 $0x40;
	s24 =	simm.s32 $0x14000;
	s28 =	simm.s32 $0x15000  }
0x6: {  	s29 =	simm.s32 $0x15800;
	s30 =	simm.s32 $0x3;
	s31 =	simm.s32 $0x4  }
0x7: {  	s0 =	sand.u32 $0x1, s0;
	s1 =	sshll.u32 s12, $0x1;
	[smem:$0x7FF] =	sst s3  }
0x8: {  	s10 =	sshrl.u32 s12, $0x2;
	s1 =	sor.u32 s0, s1;
	p1 =	seq.s32 s0, $0x1  }
0x9: {  	s6 =	sshll.u32 s0, $0x6;
	_ =	strace $0x80000047;
	s0 =	ssub.s32 $0x2, s0  }
0xa: {  	s11 =	sshll.u32 s10, $0x13;
	s13 =	sshll.u32 s10, $0xD;
	p0 =	seq.s32 s1, $0x0  }
0xb: {  	s5 =	sshll.u32 s1, $0xB;
	s25 =	sshrl.u32 s0, $0x1;
	s1 =	sshll.u32 s1, $0x11  }
0xc: {  	p0 =	por !p0, !p1;
	s8 =	sadd.s32 s5, s7;
	s5 =	sadd.s32 $0x91600, s7  }
0xd: {  	s1 =	sand.u32 $0x60000, s1;
	s0 =	ssub.s32 s0, s25;
	p0 =	por !p0, !p0  }
0xe: {  	s25 =	simm.s32 $0x14800;
	s1 =	sor.u32 s11, s1;
	s4 =	simm.s32 @!p0 $0x0  }
0xf: {  	s10 =	smax.u32 s0, $0x1;
	s11 =	simm.s32 $0x5;
	s4 =	ssub.s32 s12, s4  }
0x10: {  	s0 =	simm.s32 $0x0;
	s12 =	sshll.u32 s12, $0x5;
	s4 =	sshll.u32 s4, $0x7  }
0x11: {  	s26 =	sand.u32 $0x40, s12;
	s12 =	simm.s32 $0x80;
	s6 =	sor.u32 s6, s4  }
0x12: {  	s4 =	sadd.s32 $0x51600, s7;
	s9 =	sshrl.u32 s6, $0x3;
	s6 =	simm.s32 $0x1  }
0x13: {  	v10 =	vmov s13;
	s9 =	sadd.s32 s9, s7;
	s7 =	sadd.s32 $0x1600, s8;
	s8 =	sor.u32 s26, s1  }
0x14: {  	[tilespmem:$0x1FFF0] =	vst v10;
	s26 =	simm.s32 $0x2;
	s1 =	simm.s32 $0x16000;
	s9 =	sadd.s32 $0xD1600, s9  }
.LBB2_1:
0x15: {  	[tilespmem:s3], [sflag:$0x5] =	stream.linear.gather [hbm4b:s7+s3], $0x4000, $0x38;
	[tilespmem:$0x16040] =	vst v63  }
0x16: {  	_ =	swait.ge [sflag:s11], $0x4000  }
0x17: {  	[sflag:s11] =	ssyncset.done $0x0  }
0x18: {  	s13 =	simm.s32 $0x0;
	[sflag:s11] =	ssyncadd.s32 $0xFFFFC000  }
0x19: {  	v0 =	vld [tilespmem:s13+$0x0]  }
0x1a: {  	v1 =	vld [tilespmem:s13+$0x10];
	_ =	sdelay $0x2  }
0x1b: {  	v2 =	vld [tilespmem:s13+$0x20]  }
0x1c: {  	v7 =	vld [tilespmem:s13+$0x30];
	v3 =	vshll.u32 v0, $0x1;
	v0 =	vshrl.u32 v0, $0xC  }
0x1d: {  	v4 =	vshll.u32 v1, $0x1;
	v3 =	vand.u32 $0x1FFE, v3;
	v0 =	vadd.s32 v10, v0  }
0x1e: {  	v1 =	vshrl.u32 v1, $0xC;
	v3 =	vadd.s32 v3, v0;
	v0 =	vand.u32 $0x1FFE, v4;
	v4 =	vld [tilespmem:s13+$0x40]  }
0x1f: {  	v1 =	vadd.s32 v10, v1  }
0x20: {  	v5 =	vshrl.u32 v2, $0xC;
	v1 =	vadd.s32 v0, v1;
	v0 =	vshll.u32 v2, $0x1;
	v2 =	vld [tilespmem:s13+$0x50]  }
0x21: {  	v8 =	vshll.u32 v7, $0x1;
	v5 =	vadd.s32 v10, v5;
	v6 =	vand.u32 $0x1FFE, v0;
	v0 =	vld [tilespmem:s13+$0x60]  }
0x22: {  	s14 =	simm.s32 $0x200;
	v7 =	vshrl.u32 v7, $0xC;
	v5 =	vadd.s32 v6, v5;
	v6 =	vand.u32 $0x1FFE, v8  }
.LBB2_2:
0x23: {  	p0 =	sne.s32 s14, $0xFE00;
	v7 =	vadd.s32 v10, v7;
	v8 =	vshll.u32 v4, $0x1;
	v4 =	vshrl.u32 v4, $0xC;
	v9 =	vld [tilespmem:s13+$0x70]  }
0x24: {  	s15 =	sshra.s32 s14, $0x2;
	[tilespmem:s13+$0x0] =	vst v3;
	v3 =	vadd.s32 v6, v7;
	v6 =	vand.u32 $0x1FFE, v8;
	v4 =	vadd.s32 v10, v4  }
0x25: {  	v7 =	vld [tilespmem:s15+$0x0];
	[tilespmem:s13+$0x10] =	vst v1;
	v1 =	vadd.s32 v6, v4;
	v4 =	vshll.u32 v2, $0x1;
	v2 =	vshrl.u32 v2, $0xC  }
0x26: {  	[tilespmem:s13+$0x20] =	vst v5;
	v4 =	vand.u32 $0x1FFE, v4;
	v2 =	vadd.s32 v10, v2;
	v5 =	vshll.u32 v0, $0x1  }
0x27: {  	v0 =	vshrl.u32 v0, $0xC;
	v6 =	vld [tilespmem:s15+$0x10];
	[tilespmem:s13+$0x30] =	vst v3;
	v2 =	vadd.s32 v4, v2;
	v3 =	vand.u32 $0x1FFE, v5  }
0x28: {  	v0 =	vadd.s32 v10, v0;
	[tilespmem:s13+$0x40] =	vst v1;
	v1 =	vshll.u32 v9, $0x1;
	v4 =	vshrl.u32 v9, $0xC  }
0x29: {  	v0 =	vadd.s32 v3, v0;
	v5 =	vld [tilespmem:s15+$0x20];
	[tilespmem:s13+$0x50] =	vst v2;
	v1 =	vand.u32 $0x1FFE, v1;
	v2 =	vadd.s32 v10, v4  }
0x2a: {  	v3 =	vshll.u32 v7, $0x1;
	v8 =	vld [tilespmem:s15+$0x30];
	[tilespmem:s13+$0x60] =	vst v0;
	v0 =	vadd.s32 v1, v2  }
0x2b: {  	v2 =	vshrl.u32 v7, $0xC;
	v1 =	vand.u32 $0x1FFE, v3;
	[tilespmem:s13+$0x70] =	vst v0;
	s13 =	smov.u32 s15  }
.Ltmp0:
0x2c: {  	v0 =	vadd.s32 v10, v2;
	v2 =	vshll.u32 v6, $0x1;
	v6 =	vshrl.u32 v6, $0xC;
	v4 =	vld [tilespmem:s13+$0x40];
	(pc) =	sbr.rel @p0 .LBB2_2-.Ltmp0, $4  }
0x2d: {  	v3 =	vadd.s32 v1, v0;
	v0 =	vand.u32 $0x1FFE, v2;
	v1 =	vadd.s32 v10, v6  }
0x2e: {  	v1 =	vadd.s32 v0, v1;
	v0 =	vshll.u32 v5, $0x1;
	v5 =	vshrl.u32 v5, $0xC;
	v2 =	vld [tilespmem:s13+$0x50]  }
0x2f: {  	v6 =	vand.u32 $0x1FFE, v0;
	v5 =	vadd.s32 v10, v5;
	v7 =	vshll.u32 v8, $0x1;
	v0 =	vld [tilespmem:s13+$0x60]  }
0x30: {  	s14 =	sadd.s32 $0x200, s14;
	v5 =	vadd.s32 v6, v5;
	v6 =	vand.u32 $0x1FFE, v7;
	v7 =	vshrl.u32 v8, $0xC  }
0x31: {  	v7 =	vadd.s32 v10, v7;
	v8 =	vshll.u32 v4, $0x1;
	v51 =	vshrl.u32 v4, $0xC;
	v9 =	vld [tilespmem:s13+$0x70]  }
0x32: {  	[tilespmem:s13+$0x0] =	vst v3;
	v52 =	vadd.s32 v6, v7;
	v53 =	vand.u32 $0x1FFE, v8;
	v4 =	vadd.s32 v10, v51  }
0x33: {  	[tilespmem:s13+$0x10] =	vst v1;
	v54 =	vadd.s32 v53, v4;
	v55 =	vshll.u32 v2, $0x1;
	v56 =	vshrl.u32 v2, $0xC  }
0x34: {  	[tilespmem:s13+$0x20] =	vst v5;
	v4 =	vand.u32 $0x1FFE, v55;
	v2 =	vadd.s32 v10, v56;
	v57 =	vshll.u32 v0, $0x1  }
0x35: {  	[tilespmem:s13+$0x30] =	vst v52;
	v59 =	vshrl.u32 v0, $0xC;
	v2 =	vadd.s32 v4, v2;
	v58 =	vand.u32 $0x1FFE, v57  }
0x36: {  	[tilespmem:s13+$0x40] =	vst v54;
	v0 =	vadd.s32 v10, v59;
	v60 =	vshll.u32 v9, $0x1;
	v61 =	vshrl.u32 v9, $0xC  }
0x37: {  	[tilespmem:s13+$0x50] =	vst v2;
	v0 =	vadd.s32 v58, v0;
	v1 =	vand.u32 $0x1FFE, v60;
	v62 =	vadd.s32 v10, v61  }
0x38: {  	[tilespmem:s13+$0x60] =	vst v0;
	v63 =	vadd.s32 v1, v62  }
0x39: {  	s14 =	simm.s32 $0x4000;
	[tilespmem:s13+$0x70] =	vst v63;
	s13 =	simm.s32 $0x0  }
0x3a: {  	[tilespmem:s14], [sflag:$0x1] =	stream.indirect.gather [hbm4b:s2+s12], $0x40, s13, s12, $0xb8;
	[tilespmem:$0x16040] =	vst v63  }
0x3b: {  	s15 =	simm.s32 $0x6000  }
0x3c: {  	[tilespmem:s15], [sflag:$0x1] =	stream.indirect.gather [hbm4b:s2+s12], $0x40, s12, s12, $0xb8;
	[tilespmem:$0x16040] =	vst v63  }
0x3d: {  	s16 =	simm.s32 $0x100;
	s15 =	simm.s32 $0x8000  }
0x3e: {  	[tilespmem:s15], [sflag:$0x1] =	stream.indirect.gather [hbm4b:s2+s12], $0x40, s16, s12, $0xb8;
	[tilespmem:$0x16040] =	vst v63  }
0x3f: {  	s17 =	simm.s32 $0x180;
	s18 =	simm.s32 $0xA000;
	v47 =	vimm.f32 $0.0e+00  }
0x40: {  	v49 =	vimm.f32 $0.0e+00;
	v11 =	vimm.f32 $0.0e+00;
	v9 =	vimm.f32 $0.0e+00;
	[tilespmem:s18], [sflag:$0x1] =	stream.indirect.gather [hbm4b:s2+s12], $0x40, s17, s12, $0xb8;
	[tilespmem:$0x16040] =	vst v63  }
.LBB2_4:
0x41: {  	_ =	swait.ge [sflag:s6], $0x8000;
	s14 =	sshllo.u32 s13, $0x1  }
0x42: {  	[sflag:s6] =	ssyncset.done $0x0;
	s15 =	sshll.u32 s14, $0x9  }
0x43: {  	[sflag:s6] =	ssyncadd.s32 $0xFFFF8000;
	s15 =	sand.u32 $0x3FFFFE00, s15  }
0x44: {  	[tilespmem:s19], [sflag:$0x2] =	stream.indirect.gather [hbm4b:s2+s12], $0x40, s15, s12, $0xb8;
	[tilespmem:$0x16040] =	vst v63  }
0x45: {  	s16 =	sor.u32 $0x80, s15  }
0x46: {  	[tilespmem:s20], [sflag:$0x2] =	stream.indirect.gather [hbm4b:s2+s12], $0x40, s16, s12, $0xb8;
	[tilespmem:$0x16040] =	vst v63  }
0x47: {  	s18 =	sor.u32 $0x100, s15  }
0x48: {  	[tilespmem:s21], [sflag:$0x2] =	stream.indirect.gather [hbm4b:s2+s12], $0x40, s18, s12, $0xb8;
	[tilespmem:$0x16040] =	vst v63  }
0x49: {  	p0 =	seq.s32 s13, $0x0;
	s15 =	sor.u32 $0x180, s15  }
0x4a: {  	[tilespmem:s22], [sflag:$0x2] =	stream.indirect.gather [hbm4b:s2+s12], $0x40, s15, s12, $0xb8;
	[tilespmem:$0x16040] =	vst v63  }
0x4b: {  	s15 =	simm.s32 @!p0 $0x3  }
0x4c: {  	_ =	swait.ge @!p0 [sflag:s15], $0x800  }
0x4d: {  	[sflag:s15] =	ssyncset.done @!p0 $0x0  }
0x4e: {  	[sflag:s15] =	ssyncadd.s32 @!p0 $0xFFFFF800  }
0x4f: {  	_ =	swait.ge @!p0 [sflag:s15], $0x800  }
0x50: {  	[sflag:s15] =	ssyncset.done @!p0 $0x0  }
0x51: {  	[sflag:s15] =	ssyncadd.s32 @!p0 $0xFFFFF800;
	s15 =	simm.s32 $0x4200  }
0x52: {  	v12 =	vld [tilespmem:s15+$0xFFFFFE00]  }
0x53: {  	v10 =	vld [tilespmem:s15+$0xFFFFFF60]  }
0x54: {  	v1 =	vld [tilespmem:s15+$0xFFFFFF20]  }
0x55: {  	v51 =	vld [tilespmem:s15+$0xD0]  }
0x56: {  	v52 =	vld [tilespmem:s15+$0x10]  }
0x57: {  	v17 =	vld [tilespmem:s15+$0xFFFFFF90]  }
0x58: {  	v40 =	vld [tilespmem:s15+$0xFFFFFF50]  }
0x59: {  	v0 =	vld [tilespmem:s15+$0xFFFFFF10]  }
0x5a: {  	v2 =	vld [tilespmem:s15+$0xFFFFFED0]  }
0x5b: {  	v13 =	vld [tilespmem:s15+$0xFFFFFE90]  }
0x5c: {  	v53 =	vld [tilespmem:s15+$0x80]  }
0x5d: {  	v14 =	vld [tilespmem:s15+$0xFFFFFE70]  }
0x5e: {  	v15 =	vld [tilespmem:s15+$0xFFFFFE30]  }
0x5f: {  	v54 =	vld [tilespmem:s15+$0xFFFFFFC0]  }
0x60: {  	v16 =	vld [tilespmem:s15+$0xFFFFFEB0]  }
0x61: {  	v59 =	vld [tilespmem:s15+$0xFFFFFF80];
	v41 =	vmul.f32 v10, v10  }
0x62: {  	v18 =	vld [tilespmem:s15+$0xFFFFFEF0];
	v4 =	vmul.f32 v1, v1;
	v8 =	vmul.f32 v51, v51  }
0x63: {  	v3 =	vld [tilespmem:s15+$0xFFFFFF40];
	v19 =	vmul.f32 v14, v14;
	v20 =	vmul.f32 v15, v15  }
0x64: {  	v22 =	vld [tilespmem:s15+$0xFFFFFF30];
	v21 =	vmul.f32 v12, v12;
	v23 =	vmul.f32 v52, v52  }
0x65: {  	v5 =	vld [tilespmem:s15+$0xFFFFFF00];
	v25 =	vmul.f32 v54, v54;
	v24 =	vmul.f32 v16, v16  }
0x66: {  	v27 =	vld [tilespmem:s15+$0xFFFFFF70];
	v26 =	vmul.f32 v53, v53;
	v28 =	vadd.f32 v14, v15;
	v29 =	vmul.f32 v0, v0  }
0x67: {  	v31 =	vld [tilespmem:s15+$0xFFFFFE80];
	v30 =	vmul.f32 v18, v18;
	v34 =	vmul.f32 v59, v59;
	v19 =	vadd.f32 v19, v20  }
0x68: {  	v33 =	vld [tilespmem:s15+$0xFFFFFFF0];
	v35 =	vmul.f32 v40, v40;
	v32 =	vmul.f32 v13, v13  }
0x69: {  	v44 =	vld [tilespmem:s15+$0xFFFFFEC0];
	v36 =	vmul.f32 v22, v22;
	v28 =	vadd.f32 v16, v28;
	v19 =	vadd.f32 v24, v19  }
0x6a: {  	v14 =	vmax.f32 v15, v14;
	v15 =	vmul.f32 v2, v2;
	v42 =	vmul.f32 v5, v5;
	v24 =	vld [tilespmem:s15+$0xFFFFFFB0]  }
0x6b: {  	v58 =	vld [tilespmem:s15+$0xFFFFFE50];
	v14 =	vmax.f32 v14, v16;
	v28 =	vadd.f32 v18, v28;
	v19 =	vadd.f32 v30, v19  }
0x6c: {  	v37 =	vld [tilespmem:s15+$0xFFFFFE10];
	v39 =	vmul.f32 v31, v31;
	v16 =	vmul.f32 v27, v27;
	v14 =	vmax.f32 v14, v18  }
0x6d: {  	v14 =	vmax.f32 v14, v22;
	v30 =	vld [tilespmem:s15+$0x30];
	v28 =	vadd.f32 v22, v28;
	v19 =	vadd.f32 v36, v19  }
0x6e: {  	v38 =	vld [tilespmem:s15+$0x70];
	v61 =	vmul.f32 v44, v44;
	v20 =	vmul.f32 v17, v17;
	v14 =	vmax.f32 v14, v27  }
0x6f: {  	v27 =	vadd.f32 v27, v28;
	v22 =	vmul.f32 v24, v24;
	v16 =	vadd.f32 v16, v19;
	v19 =	vld [tilespmem:s15+$0xFFFFFE40]  }
0x70: {  	v45 =	vld [tilespmem:s15+$0xFFFFFE60];
	v18 =	vmul.f32 v3, v3;
	v28 =	vmul.f32 v33, v33  }
0x71: {  	v14 =	vmax.f32 v14, v24;
	v16 =	vadd.f32 v22, v16;
	v22 =	vadd.f32 v24, v27  }
0x72: {  	v43 =	vld [tilespmem:s15+$0xB0];
	v14 =	vmax.f32 v14, v33;
	v24 =	vmul.f32 v30, v30;
	v27 =	vmul.f32 v58, v58  }
0x73: {  	v16 =	vadd.f32 v28, v16;
	v28 =	vmul.f32 v37, v37;
	v22 =	vadd.f32 v33, v22  }
0x74: {  	v60 =	vmul.f32 v19, v19;
	v6 =	vadd.f32 v19, v12;
	v19 =	vmax.f32 v12, v19  }
0x75: {  	v46 =	vld [tilespmem:s15+$0xFFFFFE20];
	v12 =	vmul.f32 v45, v45;
	v16 =	vadd.f32 v24, v16;
	v24 =	vmul.f32 v38, v38  }
0x76: {  	v27 =	vadd.f32 v27, v28;
	v28 =	vmax.f32 v14, v30;
	v30 =	vadd.f32 v30, v22  }
0x77: {  	v22 =	vld [tilespmem:s15+$0xFFFFFFD0];
	v19 =	vmax.f32 v19, v31;
	v14 =	vadd.f32 v60, v21;
	v21 =	vmul.f32 v43, v43  }
0x78: {  	v48 =	vld [tilespmem:s15+$0xFFFFFEA0];
	v28 =	vmax.f32 v28, v38;
	v19 =	vmax.f32 v19, v44;
	v27 =	vadd.f32 v32, v27  }
0x79: {  	v31 =	vadd.f32 v31, v6;
	v16 =	vadd.f32 v24, v16;
	v6 =	vmax.f32 v19, v5  }
0x7a: {  	v63 =	vld [tilespmem:s15+$0xFFFFFEE0];
	v14 =	vadd.f32 v39, v14;
	v15 =	vadd.f32 v15, v27;
	v27 =	vmax.f32 v46, v45  }
0x7b: {  	v39 =	vld [tilespmem:s15+$0xF0];
	v45 =	vadd.f32 v45, v46;
	v46 =	vmul.f32 v46, v46;
	v21 =	vadd.f32 v21, v16  }
0x7c: {  	v24 =	vld [tilespmem:s15+$0x40];
	v16 =	vmax.f32 v37, v58;
	v14 =	vadd.f32 v61, v14;
	v36 =	vmul.f32 v22, v22  }
0x7d: {  	v33 =	vld [tilespmem:s15+$0x130];
	v50 =	vmax.f32 v27, v48;
	v15 =	vadd.f32 v29, v15;
	v29 =	vadd.f32 v58, v37  }
0x7e: {  	v32 =	vld [tilespmem:s15+$0x0];
	v27 =	vmul.f32 v48, v48;
	v12 =	vadd.f32 v12, v46;
	v45 =	vadd.f32 v48, v45  }
0x7f: {  	v7 =	vmax.f32 v16, v13;
	v14 =	vadd.f32 v42, v14;
	v15 =	vadd.f32 v35, v15  }
0x80: {  	v56 =	vld [tilespmem:s15+$0x50];
	v13 =	vadd.f32 v13, v29;
	v29 =	vmul.f32 v39, v39;
	v12 =	vadd.f32 v27, v12  }
0x81: {  	v57 =	vld [tilespmem:s15+$0x90];
	v62 =	vmul.f32 v24, v24;
	v14 =	vadd.f32 v18, v14;
	v15 =	vadd.f32 v20, v15  }
0x82: {  	v45 =	vadd.f32 v63, v45;
	v20 =	vmul.f32 v33, v33;
	v21 =	vadd.f32 v29, v21  }
0x83: {  	v42 =	vmul.f32 v32, v32;
	v35 =	vld [tilespmem:s15+$0x170];
	v14 =	vadd.f32 v34, v14;
	v15 =	vadd.f32 v36, v15  }
0x84: {  	v58 =	vld [tilespmem:s15+$0xC0];
	v13 =	vadd.f32 v2, v13;
	v20 =	vadd.f32 v20, v21;
	v21 =	vmul.f32 v63, v63  }
0x85: {  	v16 =	vld [tilespmem:s15+$0x110];
	v14 =	vadd.f32 v25, v14;
	v25 =	vmul.f32 v56, v56;
	v15 =	vadd.f32 v23, v15  }
0x86: {  	v27 =	vmul.f32 v57, v57;
	v34 =	vadd.f32 v38, v30;
	v36 =	vld [tilespmem:s15+$0x1B0];
	v21 =	vadd.f32 v21, v12  }
0x87: {  	v55 =	vld [tilespmem:s15+$0x190];
	v2 =	vmax.f32 v7, v2;
	v23 =	vadd.f32 v42, v14;
	v15 =	vadd.f32 v25, v15  }
0x88: {  	v19 =	vld [tilespmem:s15+$0x120];
	v7 =	vmax.f32 v2, v0;
	v25 =	vmul.f32 v35, v35;
	v2 =	vadd.f32 v4, v21  }
0x89: {  	v30 =	vld [tilespmem:s15+$0x100];
	v48 =	vmul.f32 v58, v58;
	v23 =	vadd.f32 v62, v23;
	v60 =	vadd.f32 v27, v15  }
0x8a: {  	v12 =	vld [tilespmem:s15+$0x150];
	v20 =	vadd.f32 v25, v20;
	v25 =	vadd.f32 v44, v31;
	v31 =	vmul.f32 v16, v16  }
0x8b: {  	v27 =	vld [tilespmem:s15+$0x140];
	v44 =	vmax.f32 v50, v63;
	v23 =	vadd.f32 v26, v23;
	v26 =	vmul.f32 v36, v36  }
0x8c: {  	v37 =	vld [tilespmem:s15+$0xFFFFFFA0];
	v2 =	vadd.f32 v41, v2;
	v44 =	vmax.f32 v44, v1;
	v1 =	vadd.f32 v1, v45  }
0x8d: {  	v50 =	vmax.f32 v28, v43;
	v8 =	vadd.f32 v8, v60;
	v42 =	vadd.f32 v26, v20;
	v26 =	vld [tilespmem:s15+$0x180]  }
0x8e: {  	v62 =	vadd.f32 v5, v25;
	v25 =	vld [tilespmem:s15+$0x1C0];
	v23 =	vadd.f32 v48, v23;
	v20 =	vmul.f32 v30, v30  }
0x8f: {  	v61 =	vmul.f32 v12, v12;
	v5 =	vadd.f32 v43, v34;
	v34 =	vld [tilespmem:s15+$0xFFFFFFE0];
	v31 =	vadd.f32 v31, v8  }
0x90: {  	v60 =	vmul.f32 v55, v55;
	v8 =	vld [tilespmem:s15+$0x1D0];
	v63 =	vmul.f32 v27, v27;
	v20 =	vadd.f32 v20, v23  }
0x91: {  	v44 =	vmax.f32 v44, v10;
	v23 =	vadd.f32 v61, v31;
	v61 =	vmax.f32 v6, v3;
	v31 =	vld [tilespmem:s15+$0x20]  }
0x92: {  	v48 =	vld [tilespmem:s15+$0x60];
	v3 =	vadd.f32 v3, v62;
	v20 =	vadd.f32 v63, v20;
	v62 =	vmul.f32 v26, v26  }
0x93: {  	v4 =	vmax.f32 v44, v37;
	v6 =	vadd.f32 v0, v13;
	v38 =	vadd.f32 v60, v23;
	v23 =	vld [tilespmem:s15+$0xA0]  }
0x94: {  	v0 =	vmul.f32 v25, v25;
	v43 =	vmax.f32 v61, v59;
	v46 =	vadd.f32 v62, v20;
	v20 =	vld [tilespmem:s15+$0xE0]  }
0x95: {  	v18 =	vld [tilespmem:s15+$0x160];
	v61 =	vmax.f32 v50, v39;
	v60 =	vmax.f32 v4, v34;
	v63 =	vmul.f32 v8, v8  }
0x96: {  	v15 =	vld [tilespmem:s15+$0x1A0];
	v4 =	vadd.f32 v10, v1;
	v10 =	vmax.f32 v43, v54;
	v1 =	vmax.f32 v60, v31  }
0x97: {  	v43 =	vmax.f32 v10, v32;
	v44 =	vadd.f32 v63, v38;
	v38 =	vld [tilespmem:s15+$0x1F0];
	v1 =	vmax.f32 v1, v48  }
0x98: {  	v14 =	vld [tilespmem:s15+$0x1E0];
	v41 =	vmax.f32 v61, v33;
	v43 =	vmax.f32 v43, v24;
	v1 =	vmax.f32 v1, v23  }
0x99: {  	v41 =	vmax.f32 v41, v35;
	v43 =	vmax.f32 v43, v53;
	v1 =	vmax.f32 v1, v20  }
0x9a: {  	v41 =	vmax.f32 v41, v36;
	v43 =	vmax.f32 v43, v58;
	v1 =	vmax.f32 v1, v19  }
0x9b: {  	v62 =	vmax.f32 v7, v40;
	v43 =	vmax.f32 v43, v30;
	v1 =	vmax.f32 v1, v18  }
0x9c: {  	s17 =	simm.s32 $0x0;
	v43 =	vmax.f32 v43, v27;
	v41 =	vmax.f32 v41, v38;
	v1 =	vmax.f32 v1, v15  }
0x9d: {  	v7 =	vmul.f32 v37, v37;
	v43 =	vmax.f32 v43, v26;
	[tilespmem:s17+$0x14030] =	vst v41;
	v1 =	vmax.f32 v1, v14  }
0x9e: {  	v63 =	vmax.f32 v62, v17;
	v0 =	vadd.f32 v0, v46;
	[tilespmem:s17+$0x14020] =	vst v1;
	v1 =	vmax.f32 v43, v25  }
0x9f: {  	s16 =	simm.s32 $0x100;
	v10 =	vadd.f32 v44, v11;
	v41 =	vadd.f32 v40, v6;
	[tilespmem:s17+$0x14000] =	vst v1;
	v1 =	vmax.f32 v63, v22  }
.LBB2_5:
0xa0: {  	_ =	sdelay $0x3  }
0xa1: {  	v9 =	vadd.f32 v0, v9;
	v0 =	vadd.f32 v59, v3;
	_ =	sdelay $0x1  }
0xa2: {  	v0 =	vadd.f32 v54, v0;
	_ =	sdelay $0x1  }
0xa3: {  	v4 =	vadd.f32 v37, v4;
	v0 =	vadd.f32 v32, v0  }
0xa4: {  	v3 =	vadd.f32 v17, v41  }
0xa5: {  	v4 =	vadd.f32 v34, v4;
	v0 =	vadd.f32 v24, v0  }
0xa6: {  	v3 =	vadd.f32 v22, v3  }
0xa7: {  	v4 =	vadd.f32 v31, v4;
	v0 =	vadd.f32 v53, v0  }
0xa8: {  	v1 =	vmax.f32 v1, v52;
	v3 =	vadd.f32 v52, v3  }
0xa9: {  	v1 =	vmax.f32 v1, v56;
	v4 =	vadd.f32 v48, v4;
	v0 =	vadd.f32 v58, v0  }
0xaa: {  	v1 =	vmax.f32 v1, v57;
	v3 =	vadd.f32 v56, v3  }
0xab: {  	v1 =	vmax.f32 v1, v51;
	v4 =	vadd.f32 v23, v4;
	v0 =	vadd.f32 v30, v0  }
0xac: {  	v1 =	vmax.f32 v1, v16;
	v3 =	vadd.f32 v57, v3  }
0xad: {  	v1 =	vmax.f32 v1, v12;
	v4 =	vadd.f32 v20, v4;
	v0 =	vadd.f32 v27, v0  }
0xae: {  	v5 =	vadd.f32 v39, v5;
	v1 =	vmax.f32 v1, v55;
	v3 =	vadd.f32 v51, v3  }
0xaf: {  	v1 =	vmax.f32 v1, v8;
	v4 =	vadd.f32 v19, v4;
	v0 =	vadd.f32 v26, v0  }
0xb0: {  	[tilespmem:s17+$0x14010] =	vst v1;
	v1 =	vadd.f32 v33, v5;
	v3 =	vadd.f32 v16, v3  }
0xb1: {  	v4 =	vadd.f32 v18, v4;
	v0 =	vadd.f32 v25, v0  }
0xb2: {  	v3 =	vadd.f32 v12, v3  }
0xb3: {  	v4 =	vadd.f32 v15, v4;
	[tilespmem:s17+$0x14800] =	vst v0;
	v0 =	vadd.f32 v35, v1  }
0xb4: {  	v3 =	vadd.f32 v55, v3  }
0xb5: {  	v4 =	vadd.f32 v14, v4;
	v0 =	vadd.f32 v36, v0  }
0xb6: {  	v3 =	vadd.f32 v8, v3  }
0xb7: {  	[tilespmem:s17+$0x14820] =	vst v4;
	v0 =	vadd.f32 v38, v0  }
0xb8: {  	[tilespmem:s17+$0x14810] =	vst v3  }
0xb9: {  	s15 =	sadd.s32 $0x400, s15;
	[tilespmem:s17+$0x14830] =	vst v0  }
0xba: {  	v0 =	vld [tilespmem:s15+$0x1E0];
	_ =	sdelay $0x4  }
0xbb: {  	[tilespmem:$0x1FDF0] =	vst v0;
	v0 =	vld [tilespmem:s15+$0x1A0];
	_ =	sdelay $0x3  }
0xbc: {  	v2 =	vadd.f32 v7, v2;
	[tilespmem:$0x1FFE0] =	vst v9;
	v9 =	vmul.f32 v34, v34  }
0xbd: {  	[tilespmem:$0x1FDA0] =	vst v0;
	v0 =	vld [tilespmem:s15+$0x160]  }
0xbe: {  	v2 =	vadd.f32 v9, v2;
	v9 =	vmul.f32 v31, v31;
	_ =	sdelay $0x1  }
0xbf: {  	v2 =	vadd.f32 v9, v2;
	v9 =	vmul.f32 v48, v48;
	_ =	sdelay $0x1  }
0xc0: {  	v2 =	vadd.f32 v9, v2;
	v9 =	vmul.f32 v23, v23;
	[tilespmem:$0x1FDB0] =	vst v0;
	v0 =	vld [tilespmem:s15+$0x120];
	_ =	sdelay $0x1  }
0xc1: {  	v7 =	vmul.f32 v20, v20;
	v2 =	vadd.f32 v9, v2;
	_ =	sdelay $0x1  }
0xc2: {  	v23 =	vmul.f32 v19, v19;
	v2 =	vadd.f32 v7, v2  }
0xc3: {  	[tilespmem:$0x1FD70] =	vst v0;
	v0 =	vld [tilespmem:s15+$0xA0]  }
0xc4: {  	v22 =	vmul.f32 v18, v18;
	v2 =	vadd.f32 v23, v2;
	_ =	sdelay $0x1  }
0xc5: {  	v17 =	vmul.f32 v15, v15;
	v2 =	vadd.f32 v22, v2;
	_ =	sdelay $0x1  }
0xc6: {  	v11 =	vmul.f32 v14, v14;
	v2 =	vadd.f32 v17, v2;
	[tilespmem:$0x1FDC0] =	vst v0;
	v0 =	vld [tilespmem:s15+$0x60];
	_ =	sdelay $0x1  }
0xc7: {  	v2 =	vadd.f32 v11, v2;
	_ =	sdelay $0x1  }
0xc8: {  	v20 =	vadd.f32 v2, v49;
	v2 =	vld [tilespmem:s15+$0x1D0]  }
0xc9: {  	[tilespmem:$0x1FD90] =	vst v0;
	v0 =	vld [tilespmem:s15+$0xFFFFFF60];
	_ =	sdelay $0x1  }
0xca: {  	v43 =	vld [tilespmem:s15+$0xFFFFFF20];
	_ =	sdelay $0x1  }
0xcb: {  	v25 =	vld [tilespmem:s15+$0x1C0]  }
0xcc: {  	[tilespmem:$0x1FD80] =	vst v0;
	v7 =	vmul.f32 v0, v0;
	v0 =	vmul.f32 v2, v2  }
0xcd: {  	v4 =	vld [tilespmem:s15+$0x190]  }
0xce: {  	[tilespmem:$0x1FF90] =	vst v0;
	v0 =	vmul.f32 v43, v43  }
0xcf: {  	v9 =	vmul.f32 v38, v38;
	v3 =	vld [tilespmem:s15+$0x110]  }
0xd0: {  	[tilespmem:$0x1FF80] =	vst v0;
	v0 =	vmul.f32 v25, v25  }
0xd1: {  	v5 =	vadd.f32 v9, v42;
	v9 =	vld [tilespmem:s15+$0x150]  }
0xd2: {  	[tilespmem:$0x1FFA0] =	vst v0;
	v0 =	vmul.f32 v4, v4  }
0xd3: {  	v26 =	vld [tilespmem:s15+$0x180]  }
0xd4: {  	[tilespmem:$0x1FF60] =	vst v0;
	v0 =	vmul.f32 v3, v3  }
0xd5: {  	v19 =	vadd.f32 v5, v47;
	v5 =	vld [tilespmem:s15+$0xD0]  }
0xd6: {  	[tilespmem:$0x1FEE0] =	vst v0;
	v0 =	vmul.f32 v9, v9  }
0xd7: {  	v6 =	vld [tilespmem:s15+$0x10]  }
0xd8: {  	[tilespmem:$0x1FF10] =	vst v0;
	v0 =	vmul.f32 v26, v26  }
0xd9: {  	v22 =	vld [tilespmem:s15+$0xFFFFFFC0]  }
0xda: {  	v42 =	vld [tilespmem:s15+$0xFFFFFE00];
	[tilespmem:$0x1FF70] =	vst v0;
	v0 =	vmul.f32 v5, v5  }
0xdb: {  	v30 =	vld [tilespmem:s15+$0x100]  }
0xdc: {  	v29 =	vld [tilespmem:s15+$0xE0];
	[tilespmem:$0x1FEC0] =	vst v0;
	v0 =	vmul.f32 v6, v6  }
0xdd: {  	[tilespmem:$0x1FF40] =	vst v10;
	v10 =	vld [tilespmem:s15+$0xC0]  }
0xde: {  	v31 =	vld [tilespmem:s15+$0x20];
	[tilespmem:$0x1FE40] =	vst v0;
	v0 =	vmul.f32 v22, v22  }
0xdf: {  	v8 =	vld [tilespmem:s15+$0xFFFFFF90]  }
0xe0: {  	v34 =	vld [tilespmem:s15+$0xFFFFFFE0];
	[tilespmem:$0x1FE30] =	vst v0;
	v0 =	vmul.f32 v30, v30  }
0xe1: {  	v21 =	vld [tilespmem:s15+$0x80]  }
0xe2: {  	v37 =	vld [tilespmem:s15+$0xFFFFFFA0];
	[tilespmem:$0x1FF00] =	vst v0;
	v0 =	vmul.f32 v10, v10  }
0xe3: {  	v59 =	vld [tilespmem:s15+$0xFFFFFF80]  }
0xe4: {  	v57 =	vld [tilespmem:s15+$0x90];
	[tilespmem:$0x1FED0] =	vst v0;
	v0 =	vmul.f32 v8, v8  }
0xe5: {  	v44 =	vld [tilespmem:s15+$0xFFFFFF50]  }
0xe6: {  	v56 =	vld [tilespmem:s15+$0x50];
	[tilespmem:$0x1FDE0] =	vst v0;
	v0 =	vmul.f32 v21, v21  }
0xe7: {  	v24 =	vld [tilespmem:s15+$0x40]  }
0xe8: {  	v28 =	vld [tilespmem:s15+$0xFFFFFFD0];
	[tilespmem:$0x1FEA0] =	vst v0;
	v0 =	vmul.f32 v59, v59  }
0xe9: {  	v45 =	vld [tilespmem:s15+$0xFFFFFF10]  }
0xea: {  	v46 =	vld [tilespmem:s15+$0xFFFFFED0];
	[tilespmem:$0x1FE00] =	vst v0;
	v0 =	vmul.f32 v44, v44  }
0xeb: {  	v27 =	vld [tilespmem:s15+$0x140]  }
0xec: {  	v32 =	vld [tilespmem:s15+$0x0];
	[tilespmem:$0x1FDD0] =	vst v0;
	v0 =	vmul.f32 v24, v24  }
0xed: {  	v52 =	vld [tilespmem:s15+$0xFFFFFF40]  }
0xee: {  	v63 =	vld [tilespmem:s15+$0xFFFFFE80];
	[tilespmem:$0x1FE70] =	vst v0;
	v0 =	vmul.f32 v28, v28  }
0xef: {  	v49 =	vld [tilespmem:s15+$0xFFFFFE30];
	[tilespmem:$0x1FEF0] =	vst v4  }
0xf0: {  	v4 =	vld [tilespmem:s15+$0xFFFFFE70];
	[tilespmem:$0x1FE10] =	vst v0;
	v0 =	vmul.f32 v57, v57  }
0xf1: {  	v50 =	vld [tilespmem:s15+$0xFFFFFEB0]  }
0xf2: {  	v36 =	vld [tilespmem:s15+$0xFFFFFEF0];
	[tilespmem:$0x1FE90] =	vst v0;
	v0 =	vmul.f32 v27, v27  }
0xf3: {  	v38 =	vld [tilespmem:s15+$0xFFFFFF30]  }
0xf4: {  	v47 =	vld [tilespmem:s15+$0xFFFFFFF0];
	[tilespmem:$0x1FF30] =	vst v0;
	v0 =	vmul.f32 v56, v56  }
0xf5: {  	v35 =	vld [tilespmem:s15+$0x170];
	[tilespmem:$0x1FF20] =	vst v6;
	v61 =	vmul.f32 v49, v49;
	v51 =	vmul.f32 v4, v4  }
0xf6: {  	v11 =	vld [tilespmem:s15+$0xFFFFFE60];
	v6 =	vmax.f32 v49, v4;
	v4 =	vadd.f32 v4, v49;
	[tilespmem:$0x1FE60] =	vst v0;
	v0 =	vmul.f32 v32, v32  }
0xf7: {  	v13 =	vld [tilespmem:s15+$0xFFFFFE40];
	v33 =	vmul.f32 v50, v50;
	v39 =	vadd.f32 v51, v61  }
0xf8: {  	v4 =	vadd.f32 v50, v4;
	[tilespmem:$0x1FE50] =	vst v0;
	v0 =	vld [tilespmem:s15+$0xFFFFFF70]  }
0xf9: {  	v53 =	vmul.f32 v36, v36;
	[tilespmem:$0x1FFC0] =	vst v7;
	v7 =	vld [tilespmem:s15+$0xFFFFFFB0];
	v33 =	vadd.f32 v33, v39;
	v6 =	vmax.f32 v6, v50  }
0xfa: {  	[tilespmem:$0x1FE20] =	vst v9;
	v61 =	vld [tilespmem:s15+$0x70];
	v6 =	vmax.f32 v6, v36;
	v36 =	vadd.f32 v36, v4  }
0xfb: {  	[tilespmem:$0x1FEB0] =	vst v10;
	v9 =	vmul.f32 v38, v38;
	v49 =	vld [tilespmem:s15+$0x30];
	v10 =	vadd.f32 v53, v33  }
0xfc: {  	v39 =	vld [tilespmem:s15+$0xF0];
	v6 =	vmax.f32 v6, v38;
	v36 =	vadd.f32 v38, v36  }
0xfd: {  	v4 =	vld [tilespmem:s15+$0xB0];
	v9 =	vadd.f32 v9, v10;
	v6 =	vmax.f32 v6, v0;
	v40 =	vmul.f32 v0, v0  }
0xfe: {  	v1 =	vmul.f32 v37, v37;
	v33 =	vld [tilespmem:s15+$0x130];
	v0 =	vadd.f32 v0, v36;
	v6 =	vmax.f32 v6, v7  }
0xff: {  	v38 =	vld [tilespmem:s15+$0x1F0];
	v10 =	vmul.f32 v7, v7;
	v6 =	vmax.f32 v6, v47;
	v9 =	vadd.f32 v40, v9  }
0x100: {  	v23 =	vmul.f32 v42, v42;
	v53 =	vld [tilespmem:s15+$0xFFFFFE10];
	v0 =	vadd.f32 v7, v0;
	v6 =	vmax.f32 v6, v49  }
0x101: {  	v36 =	vld [tilespmem:s15+$0x1B0];
	v40 =	vmul.f32 v47, v47;
	v6 =	vmax.f32 v6, v61;
	v9 =	vadd.f32 v10, v9  }
0x102: {  	v41 =	vmul.f32 v45, v45;
	v7 =	vld [tilespmem:s15+$0xFFFFFE20];
	v0 =	vadd.f32 v47, v0;
	v6 =	vmax.f32 v6, v4  }
0x103: {  	v18 =	vmul.f32 v13, v13;
	v51 =	vld [tilespmem:s15+$0xFFFFFE50];
	v6 =	vmax.f32 v6, v39;
	v9 =	vadd.f32 v40, v9  }
0x104: {  	v58 =	vld [tilespmem:s15+$0xFFFFFEC0];
	v0 =	vadd.f32 v49, v0;
	v49 =	vmul.f32 v49, v49;
	v6 =	vmax.f32 v6, v33  }
0x105: {  	v55 =	vld [tilespmem:s15+$0xFFFFFF00];
	v48 =	vmul.f32 v63, v63;
	v18 =	vadd.f32 v18, v23;
	v6 =	vmax.f32 v6, v35  }
0x106: {  	s18 =	smov.u32 s16;
	[tilespmem:$0x1FFD0] =	vst v1;
	v1 =	vld [tilespmem:s15+$0xFFFFFE90];
	v9 =	vadd.f32 v49, v9;
	v49 =	vmul.f32 v53, v53;
	v6 =	vmax.f32 v6, v36  }
0x107: {  	s17 =	sshra.s32 s18, $0x2;
	v54 =	vld [tilespmem:s15+$0xFFFFFEA0];
	v40 =	vmul.f32 v11, v11;
	v15 =	vmax.f32 v7, v11;
	v6 =	vmax.f32 v6, v38  }
0x108: {  	v60 =	vld [tilespmem:s15+$0xFFFFFEE0];
	[tilespmem:s17+$0x14030] =	vst v6;
	v6 =	vmul.f32 v7, v7;
	v7 =	vadd.f32 v11, v7;
	v11 =	vmul.f32 v51, v51  }
0x109: {  	v14 =	vmul.f32 v58, v58;
	v17 =	vadd.f32 v13, v42;
	v18 =	vadd.f32 v48, v18  }
0x10a: {  	v13 =	vmax.f32 v42, v13;
	v11 =	vadd.f32 v11, v49;
	v49 =	vmovc v20;
	v20 =	vmov v29;
	v29 =	vld [tilespmem:$0x1FD80]  }
0x10b: {  	[tilespmem:$0x1FFB0] =	vst v2;
	v14 =	vadd.f32 v14, v18;
	v62 =	vmul.f32 v1, v1;
	v2 =	vmul.f32 v46, v46  }
0x10c: {  	v50 =	vmul.f32 v4, v4;
	v47 =	vmul.f32 v61, v61;
	v15 =	vmax.f32 v15, v54  }
0x10d: {  	v48 =	vld [tilespmem:$0x1FD90];
	v16 =	vmax.f32 v53, v51;
	v15 =	vmax.f32 v15, v60;
	v11 =	vadd.f32 v62, v11  }
0x10e: {  	v42 =	vadd.f32 v51, v53;
	v9 =	vadd.f32 v47, v9;
	v15 =	vmax.f32 v15, v43;
	v51 =	vmovc v5;
	v5 =	vld [tilespmem:$0x1FDD0]  }
0x10f: {  	[tilespmem:$0x1FE80] =	vst v8;
	v23 =	vld [tilespmem:$0x1FDC0];
	v8 =	vmul.f32 v55, v55;
	v2 =	vadd.f32 v2, v11;
	v15 =	vmax.f32 v15, v29  }
0x110: {  	v18 =	vld [tilespmem:$0x1FDB0];
	v12 =	vmul.f32 v39, v39;
	v9 =	vadd.f32 v50, v9;
	v15 =	vmax.f32 v15, v37  }
0x111: {  	v8 =	vadd.f32 v8, v14;
	v47 =	vmovc v19;
	v19 =	vld [tilespmem:$0x1FD70];
	v2 =	vadd.f32 v41, v2;
	v15 =	vmax.f32 v15, v34  }
0x112: {  	v14 =	vmul.f32 v33, v33;
	v9 =	vadd.f32 v12, v9;
	v11 =	vmax.f32 v15, v31;
	v15 =	vld [tilespmem:$0x1FDA0]  }
0x113: {  	v2 =	vadd.f32 v5, v2;
	v5 =	vld [tilespmem:$0x1FDE0];
	v11 =	vmax.f32 v11, v48  }
0x114: {  	v9 =	vadd.f32 v14, v9;
	v14 =	vld [tilespmem:$0x1FDF0];
	v11 =	vmax.f32 v11, v23  }
0x115: {  	v11 =	vmax.f32 v11, v20  }
0x116: {  	v11 =	vmax.f32 v11, v19  }
0x117: {  	v11 =	vmax.f32 v11, v18  }
0x118: {  	v2 =	vadd.f32 v5, v2;
	v5 =	vld [tilespmem:$0x1FE00];
	v11 =	vmax.f32 v11, v15  }
0x119: {  	[tilespmem:$0x1FF50] =	vst v3;
	v3 =	vmul.f32 v52, v52;
	v11 =	vmax.f32 v11, v14  }
0x11a: {  	[tilespmem:s17+$0x14020] =	vst v11;
	v11 =	vld [tilespmem:$0x1FE30]  }
0x11b: {  	v3 =	vadd.f32 v3, v8;
	_ =	sdelay $0x1  }
0x11c: {  	v12 =	vmax.f32 v13, v63;
	v13 =	vld [tilespmem:$0x1FE10];
	v3 =	vadd.f32 v5, v3  }
0x11d: {  	v8 =	vmul.f32 v54, v54;
	v6 =	vadd.f32 v40, v6  }
0x11e: {  	v3 =	vadd.f32 v11, v3;
	v11 =	vld [tilespmem:$0x1FE40]  }
0x11f: {  	v6 =	vadd.f32 v8, v6;
	v8 =	vmax.f32 v12, v58;
	v5 =	vmul.f32 v60, v60  }
0x120: {  	v8 =	vmax.f32 v8, v55  }
0x121: {  	v2 =	vadd.f32 v13, v2;
	v6 =	vadd.f32 v5, v6;
	v5 =	vmax.f32 v8, v52;
	v8 =	vld [tilespmem:$0x1FE50];
	_ =	sdelay $0x1  }
0x122: {  	v2 =	vadd.f32 v11, v2;
	v11 =	vld [tilespmem:$0x1FE70];
	_ =	sdelay $0x2  }
0x123: {  	v3 =	vadd.f32 v8, v3;
	v8 =	vld [tilespmem:$0x1FE60];
	_ =	sdelay $0x1  }
0x124: {  	v10 =	vmul.f32 v35, v35;
	v13 =	vld [tilespmem:$0x1FE90];
	v3 =	vadd.f32 v11, v3;
	v11 =	vadd.f32 v63, v17;
	_ =	sdelay $0x1  }
0x125: {  	v9 =	vadd.f32 v10, v9;
	v10 =	vadd.f32 v58, v11;
	v11 =	vld [tilespmem:$0x1FEC0]  }
0x126: {  	v2 =	vadd.f32 v8, v2;
	_ =	sdelay $0x1  }
0x127: {  	v2 =	vadd.f32 v13, v2;
	v13 =	vld [tilespmem:$0x1FEA0]  }
0x128: {  	v16 =	vmax.f32 v16, v1;
	v8 =	vmul.f32 v36, v36;
	v58 =	vld [tilespmem:$0x1FEB0]  }
0x129: {  	v7 =	vadd.f32 v54, v7;
	v54 =	vmovc v22;
	v5 =	vmax.f32 v5, v59;
	v2 =	vadd.f32 v11, v2;
	v11 =	vld [tilespmem:$0x1FED0]  }
0x12a: {  	v1 =	vadd.f32 v1, v42;
	v5 =	vmax.f32 v5, v54;
	v42 =	vadd.f32 v8, v9;
	v8 =	vld [tilespmem:$0x1FEE0]  }
0x12b: {  	v5 =	vmax.f32 v5, v32;
	v9 =	vld [tilespmem:$0x1FF00]  }
0x12c: {  	v5 =	vmax.f32 v5, v24;
	v3 =	vadd.f32 v13, v3  }
0x12d: {  	v5 =	vmax.f32 v5, v21  }
0x12e: {  	v5 =	vmax.f32 v5, v58;
	v3 =	vadd.f32 v11, v3  }
0x12f: {  	v0 =	vadd.f32 v61, v0;
	v5 =	vmax.f32 v5, v30  }
0x130: {  	v2 =	vadd.f32 v8, v2;
	v9 =	vadd.f32 v9, v3;
	v3 =	vmax.f32 v5, v27  }
0x131: {  	v8 =	vadd.f32 v55, v10;
	v5 =	vadd.f32 v4, v0;
	v0 =	vld [tilespmem:$0x1FF30];
	v10 =	vmax.f32 v3, v26  }
0x132: {  	v3 =	vld [tilespmem:$0x1FF10];
	v4 =	vmax.f32 v10, v25  }
0x133: {  	[tilespmem:s17+$0x14000] =	vst v4;
	v4 =	vld [tilespmem:$0x1FF70];
	_ =	sdelay $0x2  }
0x134: {  	v0 =	vadd.f32 v0, v9  }
0x135: {  	v2 =	vadd.f32 v3, v2;
	v3 =	vadd.f32 v52, v8;
	v8 =	vmax.f32 v16, v46  }
0x136: {  	v0 =	vadd.f32 v4, v0;
	v4 =	vmax.f32 v8, v45;
	v8 =	vld [tilespmem:$0x1FF80];
	_ =	sdelay $0x2  }
0x137: {  	v9 =	vld [tilespmem:$0x1FF60];
	_ =	sdelay $0x1  }
0x138: {  	v6 =	vadd.f32 v8, v6;
	v8 =	vmax.f32 v4, v44;
	v4 =	vld [tilespmem:$0x1FF90];
	_ =	sdelay $0x2  }
0x139: {  	v2 =	vadd.f32 v9, v2;
	_ =	sdelay $0x1  }
0x13a: {  	v9 =	vadd.f32 v4, v2;
	v2 =	vld [tilespmem:$0x1FFA0]  }
0x13b: {  	v12 =	vld [tilespmem:$0x1FE20]  }
0x13c: {  	v17 =	vld [tilespmem:$0x1FE80]  }
0x13d: {  	v55 =	vld [tilespmem:$0x1FEF0]  }
0x13e: {  	v7 =	vadd.f32 v60, v7;
	v10 =	vld [tilespmem:$0x1FF40]  }
0x13f: {  	p0 =	sne.s32 s16, $0x1F00;
	v1 =	vadd.f32 v46, v1;
	v0 =	vadd.f32 v2, v0;
	v2 =	vld [tilespmem:$0x1FFC0]  }
.Ltmp1:
0x140: {  	v7 =	vadd.f32 v43, v7;
	v52 =	vld [tilespmem:$0x1FF20];
	(pc) =	sbr.rel @p0 .LBB2_5-.Ltmp1, $4  }
0x141: {  	v1 =	vadd.f32 v45, v1;
	v16 =	vld [tilespmem:$0x1FF50]  }
0x142: {  	v4 =	vadd.f32 v29, v7;
	v7 =	vmax.f32 v8, v17;
	v8 =	vld [tilespmem:$0x1FFB0]  }
0x143: {  	v41 =	vadd.f32 v44, v1;
	v1 =	vmax.f32 v7, v28;
	v7 =	vld [tilespmem:$0x1FFD0]  }
0x144: {  	s16 =	sadd.s32 $0x100, s16;
	v53 =	vmovc v21;
	v22 =	vmov v28;
	v10 =	vadd.f32 v9, v10;
	v9 =	vld [tilespmem:$0x1FFE0];
	v2 =	vadd.f32 v2, v6  }
0x145: {  	v6 =	vadd.f32 v17, v41  }
0x146: {  	v3 =	vadd.f32 v59, v3  }
0x147: {  	v4 =	vadd.f32 v37, v4;
	v6 =	vadd.f32 v22, v6  }
0x148: {  	v3 =	vadd.f32 v54, v3  }
0x149: {  	v4 =	vadd.f32 v34, v4;
	v6 =	vadd.f32 v52, v6  }
0x14a: {  	v3 =	vadd.f32 v32, v3  }
0x14b: {  	v4 =	vadd.f32 v31, v4;
	v6 =	vadd.f32 v56, v6  }
0x14c: {  	v1 =	vmax.f32 v1, v52;
	v3 =	vadd.f32 v24, v3  }
0x14d: {  	v1 =	vmax.f32 v1, v56;
	v4 =	vadd.f32 v48, v4;
	v6 =	vadd.f32 v57, v6  }
0x14e: {  	v5 =	vadd.f32 v39, v5;
	v1 =	vmax.f32 v1, v57;
	v3 =	vadd.f32 v53, v3  }
0x14f: {  	v1 =	vmax.f32 v1, v51;
	v4 =	vadd.f32 v23, v4;
	v6 =	vadd.f32 v51, v6  }
0x150: {  	v5 =	vadd.f32 v33, v5;
	v1 =	vmax.f32 v1, v16;
	v3 =	vadd.f32 v58, v3  }
0x151: {  	v1 =	vmax.f32 v1, v12;
	v4 =	vadd.f32 v20, v4;
	v6 =	vadd.f32 v16, v6  }
0x152: {  	v5 =	vadd.f32 v35, v5;
	v1 =	vmax.f32 v1, v55;
	v3 =	vadd.f32 v30, v3  }
0x153: {  	v1 =	vmax.f32 v1, v8;
	v4 =	vadd.f32 v19, v4;
	v6 =	vadd.f32 v12, v6  }
0x154: {  	[tilespmem:s17+$0x14010] =	vst v1;
	v1 =	vadd.f32 v36, v5;
	v3 =	vadd.f32 v27, v3  }
0x155: {  	v4 =	vadd.f32 v18, v4;
	v6 =	vadd.f32 v55, v6  }
0x156: {  	v1 =	vadd.f32 v38, v1;
	v3 =	vadd.f32 v26, v3  }
0x157: {  	v4 =	vadd.f32 v15, v4;
	v6 =	vadd.f32 v8, v6  }
0x158: {  	s15 =	sshll.u32 s13, $0xD;
	[tilespmem:s17+$0x14830] =	vst v1;
	v3 =	vadd.f32 v25, v3  }
0x159: {  	s15 =	sadd.s32 s8, s15;
	v4 =	vadd.f32 v14, v4;
	[tilespmem:s17+$0x14810] =	vst v6  }
0x15a: {  	s15 =	sshrl.u32 s15, $0x3;
	[tilespmem:s17+$0x14800] =	vst v3  }
0x15b: {  	s16 =	sadd.s32 s4, s15;
	[tilespmem:s17+$0x14820] =	vst v4  }
0x15c: {  	[hbm4b:s16+s23] =	stream.strided.scatter [tilespmem:s24], [sflag:$0x3], $0x800, s12, s23, $0x38;
	[tilespmem:$0x16040] =	vst v63  }
0x15d: {  	p0 =	seq.s32 s13, $0xF;
	s15 =	sadd.s32 s5, s15  }
0x15e: {  	v2 =	vadd.f32 v7, v2;
	v7 =	vmul.f32 v34, v34;
	[hbm4b:s15+s23] =	stream.strided.scatter [tilespmem:s25], [sflag:$0x3], $0x800, s12, s23, $0x38;
	[tilespmem:$0x16040] =	vst v63  }
0x15f: {  	s15 =	sshll.u32 @!p0 s13, $0xA;
	_ =	swait.ge [sflag:s26], $0x8000  }
0x160: {  	s18 =	simm.s32 @!p0 $0x4000;
	v2 =	vadd.f32 v7, v2;
	v5 =	vmul.f32 v31, v31;
	s15 =	sand.u32 @!p0 $0x3FFFFC00, s15;
	[sflag:s26] =	ssyncset.done $0x0  }
0x161: {  	s17 =	simm.s32 @!p0 $0x80;
	s16 =	sadd.s32 @!p0 $0x400, s15;
	[sflag:s26] =	ssyncadd.s32 $0xFFFF8000  }
0x162: {  	v2 =	vadd.f32 v5, v2;
	v3 =	vmul.f32 v48, v48;
	[tilespmem:s18], [sflag:$0x1] =	stream.indirect.gather @!p0 [hbm4b:s2+s17], $0x40, s16, s17, $0xb8;
	[tilespmem:$0x16040] =	vst v63  }
0x163: {  	s16 =	sadd.s32 @!p0 $0x480, s15;
	s18 =	simm.s32 @!p0 $0x6000  }
0x164: {  	v1 =	vadd.f32 v3, v2;
	v2 =	vmul.f32 v23, v23;
	[tilespmem:s18], [sflag:$0x1] =	stream.indirect.gather @!p0 [hbm4b:s2+s17], $0x40, s16, s17, $0xb8;
	[tilespmem:$0x16040] =	vst v63  }
0x165: {  	s16 =	sadd.s32 @!p0 $0x500, s15;
	s18 =	simm.s32 @!p0 $0x8000  }
0x166: {  	v1 =	vadd.f32 v2, v1;
	v2 =	vmul.f32 v20, v20;
	[tilespmem:s18], [sflag:$0x1] =	stream.indirect.gather @!p0 [hbm4b:s2+s17], $0x40, s16, s17, $0xb8;
	[tilespmem:$0x16040] =	vst v63  }
0x167: {  	p1 =	seq.s32 @!p0 s13, $0x0;
	s15 =	sadd.s32 @!p0 $0x580, s15;
	s16 =	simm.s32 @!p0 $0xA000  }
0x168: {  	v3 =	vmul.f32 v19, v19;
	v1 =	vadd.f32 v2, v1;
	[tilespmem:s16], [sflag:$0x1] =	stream.indirect.gather @!p0 [hbm4b:s2+s17], $0x40, s15, s17, $0xb8;
	[tilespmem:$0x16040] =	vst v63  }
0x169: {  	p0 =	por p0, !p1  }
0x16a: {  	v2 =	vmul.f32 v18, v18;
	v1 =	vadd.f32 v3, v1;
	_ =	swait.ge @p0 [sflag:s31], $0x800  }
0x16b: {  	[sflag:s31] =	ssyncset.done @p0 $0x0  }
0x16c: {  	v3 =	vmul.f32 v15, v15;
	v1 =	vadd.f32 v2, v1;
	[sflag:s31] =	ssyncadd.s32 @p0 $0xFFFFF800  }
0x16d: {  	_ =	swait.ge @p0 [sflag:s31], $0x800  }
0x16e: {  	v4 =	vmul.f32 v38, v38;
	v2 =	vmul.f32 v14, v14;
	v1 =	vadd.f32 v3, v1;
	[sflag:s31] =	ssyncset.done @p0 $0x0  }
0x16f: {  	s15 =	simm.s32 $0xC200;
	[sflag:s31] =	ssyncadd.s32 @p0 $0xFFFFF800  }
0x170: {  	v1 =	vadd.f32 v2, v1;
	v2 =	vadd.f32 v4, v42;
	v4 =	vld [tilespmem:s15+$0xFFFFFE00]  }
0x171: {  	v15 =	vld [tilespmem:s15+$0xFFFFFF60]  }
0x172: {  	v19 =	vld [tilespmem:s15+$0xFFFFFF20]  }
0x173: {  	v48 =	vadd.f32 v1, v49;
	v1 =	vld [tilespmem:s15+$0xD0]  }
0x174: {  	v59 =	vld [tilespmem:s15+$0x10]  }
0x175: {  	v18 =	vld [tilespmem:s15+$0xFFFFFF90]  }
0x176: {  	v40 =	vld [tilespmem:s15+$0xFFFFFF50]  }
0x177: {  	v9 =	vadd.f32 v0, v9;
	v0 =	vld [tilespmem:s15+$0xFFFFFF10]  }
0x178: {  	v28 =	vld [tilespmem:s15+$0xFFFFFED0]  }
0x179: {  	v5 =	vld [tilespmem:s15+$0xFFFFFE90]  }
0x17a: {  	v53 =	vld [tilespmem:s15+$0x80]  }
0x17b: {  	v8 =	vld [tilespmem:s15+$0xFFFFFE70]  }
0x17c: {  	v11 =	vld [tilespmem:s15+$0xFFFFFE30]  }
0x17d: {  	v54 =	vld [tilespmem:s15+$0xFFFFFFC0]  }
0x17e: {  	v12 =	vld [tilespmem:s15+$0xFFFFFEB0]  }
0x17f: {  	v57 =	vld [tilespmem:s15+$0xFFFFFF80];
	v41 =	vmul.f32 v15, v15  }
0x180: {  	v13 =	vld [tilespmem:s15+$0xFFFFFEF0];
	v24 =	vmul.f32 v19, v19;
	v3 =	vmul.f32 v1, v1  }
0x181: {  	v21 =	vld [tilespmem:s15+$0xFFFFFF30];
	v14 =	vmul.f32 v8, v8;
	v16 =	vmul.f32 v11, v11  }
0x182: {  	v50 =	vadd.f32 v2, v47;
	v2 =	vld [tilespmem:s15+$0xFFFFFF00];
	v17 =	vmul.f32 v4, v4;
	v20 =	vmul.f32 v59, v59  }
0x183: {  	v34 =	vld [tilespmem:s15+$0xFFFFFE80];
	v22 =	vmul.f32 v54, v54;
	v23 =	vmul.f32 v12, v12;
	v26 =	vadd.f32 v8, v11  }
0x184: {  	v61 =	vld [tilespmem:s15+$0xFFFFFFF0];
	v25 =	vmul.f32 v18, v18;
	v31 =	vmul.f32 v53, v53;
	v14 =	vadd.f32 v14, v16  }
0x185: {  	v27 =	vmul.f32 v0, v0;
	v29 =	vmul.f32 v13, v13;
	v16 =	vld [tilespmem:s15+$0xFFFFFF70];
	v26 =	vadd.f32 v12, v26  }
0x186: {  	v63 =	vld [tilespmem:s15+$0xFFFFFE50];
	v32 =	vmul.f32 v57, v57;
	v33 =	vmul.f32 v40, v40;
	v14 =	vadd.f32 v23, v14  }
0x187: {  	v30 =	vmul.f32 v5, v5;
	v8 =	vmax.f32 v11, v8;
	v23 =	vld [tilespmem:s15+$0xFFFFFFB0];
	v26 =	vadd.f32 v13, v26  }
0x188: {  	[tilespmem:$0x1FD60] =	vst v1;
	v1 =	vld [tilespmem:s15+$0xFFFFFF40];
	v62 =	vmul.f32 v21, v21;
	v8 =	vmax.f32 v8, v12;
	v14 =	vadd.f32 v29, v14  }
0x189: {  	v49 =	vld [tilespmem:s15+$0xFFFFFE10];
	v11 =	vmul.f32 v28, v28;
	v8 =	vmax.f32 v8, v13;
	v26 =	vadd.f32 v21, v26  }
0x18a: {  	v8 =	vmax.f32 v8, v21;
	v29 =	vld [tilespmem:s15+$0x30];
	v12 =	vmul.f32 v16, v16;
	v14 =	vadd.f32 v62, v14  }
0x18b: {  	v44 =	vld [tilespmem:s15+$0xFFFFFEC0];
	v51 =	vmul.f32 v2, v2;
	v8 =	vmax.f32 v8, v16;
	v16 =	vadd.f32 v16, v26  }
0x18c: {  	v52 =	vmul.f32 v34, v34;
	v21 =	vmul.f32 v23, v23;
	v12 =	vadd.f32 v12, v14;
	v14 =	vld [tilespmem:s15+$0xFFFFFE40]  }
0x18d: {  	v45 =	vld [tilespmem:s15+$0xFFFFFE60];
	v13 =	vmul.f32 v1, v1;
	v8 =	vmax.f32 v8, v23;
	v16 =	vadd.f32 v23, v16  }
0x18e: {  	v38 =	vld [tilespmem:s15+$0x70];
	v26 =	vmul.f32 v61, v61;
	v8 =	vmax.f32 v8, v61;
	v12 =	vadd.f32 v21, v12  }
0x18f: {  	v43 =	vld [tilespmem:s15+$0xB0];
	v23 =	vmul.f32 v63, v63;
	v8 =	vmax.f32 v8, v29;
	v16 =	vadd.f32 v61, v16  }
0x190: {  	v55 =	vld [tilespmem:s15+$0x50];
	v21 =	vmul.f32 v29, v29;
	v12 =	vadd.f32 v26, v12;
	v26 =	vmul.f32 v49, v49  }
0x191: {  	v6 =	vadd.f32 v29, v16;
	v29 =	vmul.f32 v44, v44;
	v58 =	vmul.f32 v14, v14  }
0x192: {  	v60 =	vadd.f32 v14, v4;
	v4 =	vmax.f32 v4, v14;
	v14 =	vmul.f32 v45, v45  }
0x193: {  	v46 =	vld [tilespmem:s15+$0xFFFFFE20];
	v12 =	vadd.f32 v21, v12;
	v21 =	vmul.f32 v38, v38;
	v26 =	vadd.f32 v23, v26  }
0x194: {  	v4 =	vmax.f32 v4, v34;
	v16 =	vadd.f32 v58, v17;
	v17 =	vmul.f32 v43, v43  }
0x195: {  	v56 =	vld [tilespmem:s15+$0xFFFFFFD0];
	v58 =	vmul.f32 v55, v55;
	v34 =	vadd.f32 v34, v60;
	v4 =	vmax.f32 v4, v44  }
0x196: {  	v7 =	vld [tilespmem:s15+$0xFFFFFEA0];
	v12 =	vadd.f32 v21, v12;
	v26 =	vadd.f32 v30, v26;
	v4 =	vmax.f32 v4, v2  }
0x197: {  	v39 =	vld [tilespmem:s15+$0xF0];
	v16 =	vadd.f32 v52, v16;
	v34 =	vadd.f32 v44, v34;
	v4 =	vmax.f32 v4, v1  }
0x198: {  	v11 =	vadd.f32 v11, v26;
	v26 =	vmax.f32 v46, v45;
	v45 =	vadd.f32 v45, v46  }
0x199: {  	v21 =	vld [tilespmem:s15+$0x40];
	v46 =	vmul.f32 v46, v46;
	v12 =	vadd.f32 v17, v12;
	v16 =	vadd.f32 v29, v16  }
0x19a: {  	v17 =	vmax.f32 v49, v63;
	v34 =	vadd.f32 v2, v34;
	v11 =	vadd.f32 v27, v11  }
0x19b: {  	v30 =	vld [tilespmem:s15+$0x0];
	v27 =	vadd.f32 v63, v49;
	v62 =	vadd.f32 v14, v46;
	v63 =	vmul.f32 v56, v56  }
0x19c: {  	v52 =	vld [tilespmem:s15+$0x90];
	v46 =	vmax.f32 v17, v5;
	v17 =	vmul.f32 v39, v39;
	v45 =	vadd.f32 v7, v45  }
0x19d: {  	v29 =	vld [tilespmem:s15+$0x130];
	v49 =	vmax.f32 v26, v7;
	v16 =	vadd.f32 v51, v16;
	v1 =	vadd.f32 v1, v34  }
0x19e: {  	v61 =	vmul.f32 v21, v21;
	v11 =	vadd.f32 v33, v11;
	v5 =	vadd.f32 v5, v27  }
0x19f: {  	v42 =	vld [tilespmem:s15+$0xFFFFFEE0];
	v12 =	vadd.f32 v17, v12;
	v17 =	vmul.f32 v7, v7;
	v13 =	vadd.f32 v13, v16  }
0x1a0: {  	v27 =	vmul.f32 v30, v30;
	v7 =	vmax.f32 v8, v38;
	v11 =	vadd.f32 v25, v11  }
0x1a1: {  	v26 =	vld [tilespmem:s15+$0xC0];
	v38 =	vadd.f32 v38, v6;
	v8 =	vmul.f32 v52, v52;
	v13 =	vadd.f32 v32, v13  }
0x1a2: {  	v25 =	vmul.f32 v29, v29;
	v17 =	vadd.f32 v17, v62;
	v32 =	vld [tilespmem:s15+$0x170];
	v11 =	vadd.f32 v63, v11  }
0x1a3: {  	v14 =	vld [tilespmem:s15+$0x110];
	v7 =	vmax.f32 v7, v43;
	v2 =	vadd.f32 v43, v38;
	v13 =	vadd.f32 v22, v13  }
0x1a4: {  	v33 =	vld [tilespmem:s15+$0x1B0];
	v22 =	vadd.f32 v25, v12;
	v25 =	vmul.f32 v42, v42;
	v20 =	vadd.f32 v20, v11  }
0x1a5: {  	v5 =	vadd.f32 v28, v5;
	v28 =	vmax.f32 v46, v28;
	v12 =	vld [tilespmem:s15+$0x150];
	v13 =	vadd.f32 v27, v13  }
0x1a6: {  	v60 =	vmul.f32 v26, v26;
	v6 =	vadd.f32 v25, v17;
	v27 =	vld [tilespmem:s15+$0x100];
	v17 =	vadd.f32 v58, v20  }
0x1a7: {  	v16 =	vld [tilespmem:s15+$0x190];
	v46 =	vmax.f32 v28, v0;
	v20 =	vmul.f32 v32, v32;
	v13 =	vadd.f32 v61, v13  }
0x1a8: {  	v11 =	vadd.f32 v0, v5;
	v25 =	vld [tilespmem:s15+$0x140];
	v61 =	vmul.f32 v14, v14;
	v8 =	vadd.f32 v8, v17  }
0x1a9: {  	v20 =	vadd.f32 v20, v22;
	v22 =	vld [tilespmem:s15+$0x180];
	v17 =	vadd.f32 v31, v13;
	v31 =	vmul.f32 v33, v33  }
0x1aa: {  	v37 =	vld [tilespmem:s15+$0xFFFFFFA0];
	v5 =	vadd.f32 v24, v6;
	v62 =	vmul.f32 v12, v12;
	v3 =	vadd.f32 v3, v8  }
0x1ab: {  	v36 =	vld [tilespmem:s15+$0xFFFFFFE0];
	v35 =	vadd.f32 v60, v17;
	v44 =	vadd.f32 v31, v20;
	v20 =	vmul.f32 v27, v27  }
0x1ac: {  	v34 =	vld [tilespmem:s15+$0x60];
	v5 =	vadd.f32 v41, v5;
	v31 =	vmax.f32 v49, v42;
	v42 =	vadd.f32 v42, v45  }
0x1ad: {  	v8 =	vld [tilespmem:s15+$0x1D0];
	v63 =	vmul.f32 v25, v25;
	v3 =	vadd.f32 v61, v3;
	v35 =	vadd.f32 v20, v35  }
0x1ae: {  	v49 =	vmul.f32 v16, v16;
	v31 =	vmax.f32 v31, v19;
	v20 =	vld [tilespmem:s15+$0x1C0];
	v58 =	vmul.f32 v22, v22  }
0x1af: {  	v61 =	vmax.f32 v31, v15;
	v3 =	vadd.f32 v62, v3;
	v51 =	vadd.f32 v63, v35;
	v35 =	vld [tilespmem:s15+$0x20]  }
0x1b0: {  	v43 =	vld [tilespmem:s15+$0xA0];
	v19 =	vadd.f32 v19, v42;
	v45 =	vmax.f32 v61, v37;
	v63 =	vmax.f32 v4, v57  }
0x1b1: {  	v28 =	vld [tilespmem:s15+$0xE0];
	v61 =	vmax.f32 v46, v40;
	v3 =	vadd.f32 v49, v3;
	v49 =	vmax.f32 v63, v54  }
0x1b2: {  	v24 =	vld [tilespmem:s15+$0x120];
	v60 =	vmul.f32 v8, v8;
	v62 =	vmax.f32 v45, v36;
	v42 =	vmax.f32 v49, v30  }
0x1b3: {  	v13 =	vld [tilespmem:s15+$0x1A0];
	v38 =	vadd.f32 v58, v51;
	v0 =	vmul.f32 v20, v20;
	v42 =	vmax.f32 v42, v21  }
0x1b4: {  	v17 =	vld [tilespmem:s15+$0x160];
	v4 =	vadd.f32 v15, v19;
	v42 =	vmax.f32 v42, v53;
	v15 =	vmax.f32 v62, v35  }
0x1b5: {  	v0 =	vadd.f32 v0, v38;
	v38 =	vld [tilespmem:s15+$0x1F0];
	v42 =	vmax.f32 v42, v26;
	v51 =	vmax.f32 v15, v34  }
0x1b6: {  	v58 =	vmax.f32 v7, v39;
	v15 =	vld [tilespmem:s15+$0x1E0];
	v42 =	vmax.f32 v42, v27;
	v45 =	vmax.f32 v51, v43  }
0x1b7: {  	v41 =	vmax.f32 v58, v29;
	v42 =	vmax.f32 v42, v25;
	v45 =	vmax.f32 v45, v28  }
0x1b8: {  	v41 =	vmax.f32 v41, v32;
	v42 =	vmax.f32 v42, v22;
	v45 =	vmax.f32 v45, v24  }
0x1b9: {  	s17 =	simm.s32 $0x0;
	v41 =	vmax.f32 v41, v33;
	v62 =	vmax.f32 v42, v20;
	v45 =	vmax.f32 v45, v17  }
0x1ba: {  	v3 =	vadd.f32 v60, v3;
	v41 =	vmax.f32 v41, v38;
	[tilespmem:s17+$0x15000] =	vst v62;
	v45 =	vmax.f32 v45, v13  }
0x1bb: {  	v63 =	vmax.f32 v61, v18;
	v7 =	vmul.f32 v37, v37;
	[tilespmem:s17+$0x15030] =	vst v41;
	v60 =	vmax.f32 v45, v15  }
0x1bc: {  	s16 =	simm.s32 $0x100;
	v41 =	vadd.f32 v40, v11;
	v11 =	vadd.f32 v3, v10;
	v3 =	vmax.f32 v63, v56;
	[tilespmem:s17+$0x15020] =	vst v60  }
.LBB2_7:
0x1bd: {  	v9 =	vadd.f32 v0, v9;
	v0 =	vadd.f32 v57, v1;
	_ =	sdelay $0x1  }
0x1be: {  	v0 =	vadd.f32 v54, v0;
	_ =	sdelay $0x1  }
0x1bf: {  	v4 =	vadd.f32 v37, v4;
	v0 =	vadd.f32 v30, v0  }
0x1c0: {  	v1 =	vadd.f32 v18, v41  }
0x1c1: {  	v4 =	vadd.f32 v36, v4;
	v0 =	vadd.f32 v21, v0  }
0x1c2: {  	v1 =	vadd.f32 v56, v1  }
0x1c3: {  	v4 =	vadd.f32 v35, v4;
	v0 =	vadd.f32 v53, v0  }
0x1c4: {  	v1 =	vadd.f32 v59, v1  }
0x1c5: {  	v6 =	vld [tilespmem:$0x1FD60];
	v4 =	vadd.f32 v34, v4;
	v0 =	vadd.f32 v26, v0  }
0x1c6: {  	v1 =	vadd.f32 v55, v1  }
0x1c7: {  	v4 =	vadd.f32 v43, v4;
	v0 =	vadd.f32 v27, v0  }
0x1c8: {  	v1 =	vadd.f32 v52, v1  }
0x1c9: {  	v4 =	vadd.f32 v28, v4;
	v0 =	vadd.f32 v25, v0  }
0x1ca: {  	v2 =	vadd.f32 v39, v2;
	v3 =	vmax.f32 v3, v59;
	v1 =	vadd.f32 v6, v1  }
0x1cb: {  	v3 =	vmax.f32 v3, v55;
	v4 =	vadd.f32 v24, v4;
	v0 =	vadd.f32 v22, v0  }
0x1cc: {  	v2 =	vadd.f32 v29, v2;
	v3 =	vmax.f32 v3, v52;
	v1 =	vadd.f32 v14, v1  }
0x1cd: {  	v3 =	vmax.f32 v3, v6;
	v4 =	vadd.f32 v17, v4;
	v0 =	vadd.f32 v20, v0  }
0x1ce: {  	v3 =	vmax.f32 v3, v14;
	v1 =	vadd.f32 v12, v1  }
0x1cf: {  	v3 =	vmax.f32 v3, v12;
	v4 =	vadd.f32 v13, v4;
	[tilespmem:s17+$0x15800] =	vst v0;
	v0 =	vadd.f32 v32, v2  }
0x1d0: {  	v3 =	vmax.f32 v3, v16;
	v1 =	vadd.f32 v16, v1  }
0x1d1: {  	[tilespmem:$0x1FC50] =	vst v9;
	v3 =	vmax.f32 v3, v8;
	v4 =	vadd.f32 v15, v4;
	v0 =	vadd.f32 v33, v0  }
0x1d2: {  	[tilespmem:s17+$0x15010] =	vst v3;
	v1 =	vadd.f32 v8, v1  }
0x1d3: {  	[tilespmem:s17+$0x15820] =	vst v4;
	v0 =	vadd.f32 v38, v0  }
0x1d4: {  	[tilespmem:s17+$0x15810] =	vst v1  }
0x1d5: {  	s15 =	sadd.s32 $0x400, s15;
	v5 =	vadd.f32 v7, v5;
	v9 =	vmul.f32 v36, v36;
	[tilespmem:s17+$0x15830] =	vst v0  }
0x1d6: {  	v0 =	vld [tilespmem:s15+$0x1E0]  }
0x1d7: {  	v5 =	vadd.f32 v9, v5;
	v9 =	vmul.f32 v35, v35;
	_ =	sdelay $0x1  }
0x1d8: {  	v5 =	vadd.f32 v9, v5;
	v9 =	vmul.f32 v34, v34;
	_ =	sdelay $0x1  }
0x1d9: {  	v5 =	vadd.f32 v9, v5;
	v9 =	vmul.f32 v43, v43;
	[tilespmem:$0x1FB30] =	vst v0;
	v0 =	vld [tilespmem:s15+$0x1A0];
	_ =	sdelay $0x1  }
0x1da: {  	v7 =	vmul.f32 v28, v28;
	v5 =	vadd.f32 v9, v5;
	_ =	sdelay $0x1  }
0x1db: {  	v21 =	vmul.f32 v24, v24;
	v5 =	vadd.f32 v7, v5  }
0x1dc: {  	[tilespmem:$0x1FB50] =	vst v0;
	v0 =	vld [tilespmem:s15+$0x160]  }
0x1dd: {  	v23 =	vmul.f32 v17, v17;
	v5 =	vadd.f32 v21, v5;
	_ =	sdelay $0x1  }
0x1de: {  	v18 =	vmul.f32 v13, v13;
	v5 =	vadd.f32 v23, v5;
	_ =	sdelay $0x1  }
0x1df: {  	v10 =	vmul.f32 v15, v15;
	v5 =	vadd.f32 v18, v5;
	[tilespmem:$0x1FB10] =	vst v0;
	v0 =	vld [tilespmem:s15+$0x120];
	_ =	sdelay $0x1  }
0x1e0: {  	v5 =	vadd.f32 v10, v5;
	v37 =	vld [tilespmem:s15+$0xFFFFFFA0];
	_ =	sdelay $0x1  }
0x1e1: {  	v48 =	vadd.f32 v5, v48;
	v5 =	vld [tilespmem:s15+$0x1D0]  }
0x1e2: {  	[tilespmem:$0x1FB20] =	vst v0;
	v0 =	vld [tilespmem:s15+$0xFFFFFF60];
	_ =	sdelay $0x1  }
0x1e3: {  	v9 =	vmul.f32 v38, v38;
	v2 =	vld [tilespmem:s15+$0xFFFFFF20];
	v1 =	vmul.f32 v37, v37;
	_ =	sdelay $0x1  }
0x1e4: {  	v3 =	vadd.f32 v9, v44;
	v20 =	vld [tilespmem:s15+$0x1C0];
	[tilespmem:$0x1FD20] =	vst v1  }
0x1e5: {  	[tilespmem:$0x1FB00] =	vst v0;
	v1 =	vmul.f32 v0, v0;
	v0 =	vmul.f32 v5, v5  }
0x1e6: {  	v50 =	vadd.f32 v3, v50;
	v3 =	vld [tilespmem:s15+$0x190]  }
0x1e7: {  	[tilespmem:$0x1FD10] =	vst v0;
	v0 =	vmul.f32 v2, v2  }
0x1e8: {  	v24 =	vld [tilespmem:s15+$0x110]  }
0x1e9: {  	[tilespmem:$0x1FD00] =	vst v0;
	v0 =	vmul.f32 v20, v20  }
0x1ea: {  	v10 =	vld [tilespmem:s15+$0x150]  }
0x1eb: {  	[tilespmem:$0x1FD30] =	vst v0;
	v0 =	vmul.f32 v3, v3  }
0x1ec: {  	v31 =	vld [tilespmem:s15+$0x180]  }
0x1ed: {  	[tilespmem:$0x1FCE0] =	vst v0;
	v0 =	vmul.f32 v24, v24  }
0x1ee: {  	v8 =	vld [tilespmem:s15+$0xD0]  }
0x1ef: {  	[tilespmem:$0x1FC60] =	vst v0;
	v0 =	vmul.f32 v10, v10  }
0x1f0: {  	v59 =	vld [tilespmem:s15+$0x10]  }
0x1f1: {  	[tilespmem:$0x1FC90] =	vst v0;
	v0 =	vmul.f32 v31, v31  }
0x1f2: {  	v23 =	vld [tilespmem:s15+$0xFFFFFFC0]  }
0x1f3: {  	[tilespmem:$0x1FCF0] =	vst v0;
	v0 =	vmul.f32 v8, v8  }
0x1f4: {  	v27 =	vld [tilespmem:s15+$0x100]  }
0x1f5: {  	v44 =	vld [tilespmem:s15+$0xFFFFFE00];
	[tilespmem:$0x1FC30] =	vst v0;
	v0 =	vmul.f32 v59, v59  }
0x1f6: {  	v26 =	vld [tilespmem:s15+$0xC0]  }
0x1f7: {  	v28 =	vld [tilespmem:s15+$0xE0];
	[tilespmem:$0x1FBB0] =	vst v0;
	v0 =	vmul.f32 v23, v23  }
0x1f8: {  	v9 =	vld [tilespmem:s15+$0xFFFFFF90]  }
0x1f9: {  	v43 =	vld [tilespmem:s15+$0xA0];
	[tilespmem:$0x1FBA0] =	vst v0;
	v0 =	vmul.f32 v27, v27  }
0x1fa: {  	v22 =	vld [tilespmem:s15+$0x80]  }
0x1fb: {  	v34 =	vld [tilespmem:s15+$0x60];
	[tilespmem:$0x1FC80] =	vst v0;
	v0 =	vmul.f32 v26, v26  }
0x1fc: {  	v45 =	vld [tilespmem:s15+$0xFFFFFF10]  }
0x1fd: {  	v35 =	vld [tilespmem:s15+$0x20];
	[tilespmem:$0x1FC40] =	vst v0;
	v0 =	vmul.f32 v9, v9  }
0x1fe: {  	v57 =	vld [tilespmem:s15+$0xFFFFFF80]  }
0x1ff: {  	v36 =	vld [tilespmem:s15+$0xFFFFFFE0];
	[tilespmem:$0x1FB70] =	vst v0;
	v0 =	vmul.f32 v22, v22  }
0x200: {  	v41 =	vld [tilespmem:s15+$0xFFFFFF50]  }
0x201: {  	v6 =	vld [tilespmem:s15+$0x90];
	[tilespmem:$0x1FC20] =	vst v0;
	v0 =	vmul.f32 v45, v45  }
0x202: {  	v21 =	vld [tilespmem:s15+$0x40]  }
0x203: {  	v7 =	vld [tilespmem:s15+$0x50];
	[tilespmem:$0x1FB40] =	vst v0;
	v0 =	vmul.f32 v57, v57  }
0x204: {  	v56 =	vld [tilespmem:s15+$0xFFFFFFD0]  }
0x205: {  	v46 =	vld [tilespmem:s15+$0xFFFFFED0];
	[tilespmem:$0x1FB80] =	vst v0;
	v0 =	vmul.f32 v41, v41  }
0x206: {  	v4 =	vld [tilespmem:s15+$0xFFFFFE90]  }
0x207: {  	v25 =	vld [tilespmem:s15+$0x140];
	[tilespmem:$0x1FB60] =	vst v0;
	v0 =	vmul.f32 v21, v21  }
0x208: {  	v30 =	vld [tilespmem:s15+$0x0]  }
0x209: {  	v52 =	vld [tilespmem:s15+$0xFFFFFF40];
	[tilespmem:$0x1FBF0] =	vst v0;
	v0 =	vmul.f32 v56, v56  }
0x20a: {  	v55 =	vld [tilespmem:s15+$0xFFFFFF00]  }
0x20b: {  	v29 =	vld [tilespmem:s15+$0xFFFFFE30];
	[tilespmem:$0x1FB90] =	vst v0;
	v0 =	vmul.f32 v6, v6  }
0x20c: {  	[tilespmem:$0x1FD40] =	vst v1;
	v1 =	vld [tilespmem:s15+$0xFFFFFE70]  }
0x20d: {  	v32 =	vld [tilespmem:s15+$0xFFFFFEB0];
	[tilespmem:$0x1FC10] =	vst v0;
	v0 =	vmul.f32 v25, v25  }
0x20e: {  	v33 =	vld [tilespmem:s15+$0xFFFFFEF0]  }
0x20f: {  	v38 =	vld [tilespmem:s15+$0xFFFFFF30];
	[tilespmem:$0x1FCB0] =	vst v0;
	v0 =	vmul.f32 v7, v7  }
0x210: {  	v49 =	vld [tilespmem:s15+$0x30];
	[tilespmem:$0x1FCC0] =	vst v5;
	v61 =	vmul.f32 v29, v29  }
0x211: {  	v13 =	vld [tilespmem:s15+$0xFFFFFE60];
	v53 =	vmul.f32 v1, v1;
	[tilespmem:$0x1FBE0] =	vst v0;
	v0 =	vmul.f32 v30, v30  }
0x212: {  	v51 =	vld [tilespmem:s15+$0xFFFFFE10];
	[tilespmem:$0x1FCA0] =	vst v6;
	v6 =	vmax.f32 v29, v1;
	v1 =	vadd.f32 v1, v29  }
0x213: {  	v39 =	vadd.f32 v53, v61;
	v29 =	vmul.f32 v32, v32;
	[tilespmem:$0x1FBD0] =	vst v0;
	v0 =	vld [tilespmem:s15+$0xFFFFFF70]  }
0x214: {  	[tilespmem:$0x1FC70] =	vst v7;
	v1 =	vadd.f32 v32, v1;
	v7 =	vld [tilespmem:s15+$0xFFFFFFB0]  }
0x215: {  	v5 =	vmovc v48;
	v48 =	vld [tilespmem:s15+$0xFFFFFFF0];
	v53 =	vmul.f32 v33, v33;
	v6 =	vmax.f32 v6, v32;
	v29 =	vadd.f32 v29, v39  }
0x216: {  	[tilespmem:$0x1FBC0] =	vst v10;
	v61 =	vld [tilespmem:s15+$0x70];
	v6 =	vmax.f32 v6, v33;
	v33 =	vadd.f32 v33, v1  }
0x217: {  	[tilespmem:$0x1FC00] =	vst v9;
	v9 =	vmul.f32 v38, v38;
	v39 =	vld [tilespmem:s15+$0xF0];
	v6 =	vmax.f32 v6, v38;
	v10 =	vadd.f32 v53, v29  }
0x218: {  	v1 =	vld [tilespmem:s15+$0xB0];
	v33 =	vadd.f32 v38, v33;
	v6 =	vmax.f32 v6, v0  }
0x219: {  	[tilespmem:$0x1FD50] =	vst v11;
	v32 =	vld [tilespmem:s15+$0x170];
	v9 =	vadd.f32 v9, v10;
	v11 =	vmul.f32 v0, v0;
	v6 =	vmax.f32 v6, v7  }
0x21a: {  	v29 =	vld [tilespmem:s15+$0x130];
	v0 =	vadd.f32 v0, v33;
	v6 =	vmax.f32 v6, v48  }
0x21b: {  	v10 =	vmul.f32 v7, v7;
	v33 =	vld [tilespmem:s15+$0x1B0];
	v9 =	vadd.f32 v11, v9;
	v6 =	vmax.f32 v6, v49  }
0x21c: {  	v0 =	vadd.f32 v7, v0;
	v7 =	vld [tilespmem:s15+$0xFFFFFE20];
	v6 =	vmax.f32 v6, v61  }
0x21d: {  	v38 =	vld [tilespmem:s15+$0x1F0];
	v11 =	vmul.f32 v48, v48;
	v9 =	vadd.f32 v10, v9;
	v6 =	vmax.f32 v6, v1  }
0x21e: {  	v14 =	vld [tilespmem:s15+$0xFFFFFE50];
	v0 =	vadd.f32 v48, v0;
	v6 =	vmax.f32 v6, v39  }
0x21f: {  	v58 =	vld [tilespmem:s15+$0xFFFFFEC0];
	v9 =	vadd.f32 v11, v9;
	v6 =	vmax.f32 v6, v29  }
0x220: {  	v53 =	vld [tilespmem:s15+$0xFFFFFE40];
	v0 =	vadd.f32 v49, v0;
	v49 =	vmul.f32 v49, v49;
	v6 =	vmax.f32 v6, v32  }
0x221: {  	s18 =	smov.u32 s16;
	v63 =	vld [tilespmem:s15+$0xFFFFFE80];
	v11 =	vmul.f32 v13, v13;
	v16 =	vmax.f32 v7, v13;
	v6 =	vmax.f32 v6, v33  }
0x222: {  	s17 =	sshra.s32 s18, $0x2;
	v60 =	vld [tilespmem:s15+$0xFFFFFEE0];
	v9 =	vadd.f32 v49, v9;
	v49 =	vmul.f32 v51, v51;
	v6 =	vmax.f32 v6, v38  }
0x223: {  	v54 =	vld [tilespmem:s15+$0xFFFFFEA0];
	[tilespmem:s17+$0x15030] =	vst v6;
	v6 =	vmul.f32 v7, v7;
	v7 =	vadd.f32 v13, v7;
	v13 =	vmul.f32 v14, v14  }
0x224: {  	[tilespmem:$0x1FAF0] =	vst v2  }
0x225: {  	v42 =	vmul.f32 v44, v44;
	v18 =	vadd.f32 v53, v44;
	v13 =	vadd.f32 v13, v49;
	v49 =	vld [tilespmem:$0x1FAF0]  }
0x226: {  	v40 =	vmul.f32 v53, v53;
	v44 =	vmax.f32 v44, v53;
	v53 =	vmovc v22;
	v22 =	vmov v31;
	v31 =	vld [tilespmem:$0x1FB00];
	_ =	sdelay $0x1  }
0x227: {  	v16 =	vmax.f32 v16, v54  }
0x228: {  	v48 =	vmul.f32 v61, v61;
	v16 =	vmax.f32 v16, v60  }
0x229: {  	v62 =	vmul.f32 v4, v4;
	v16 =	vmax.f32 v16, v49  }
0x22a: {  	v16 =	vmax.f32 v16, v31  }
0x22b: {  	v13 =	vadd.f32 v62, v13;
	v62 =	vmax.f32 v16, v37  }
0x22c: {  	v9 =	vadd.f32 v48, v9;
	v48 =	vmov v5;
	v5 =	vmax.f32 v62, v36  }
0x22d: {  	v12 =	vmul.f32 v1, v1;
	v6 =	vadd.f32 v11, v6;
	v11 =	vmax.f32 v5, v35;
	v5 =	vld [tilespmem:$0x1FB40]  }
0x22e: {  	v47 =	vmul.f32 v46, v46  }
0x22f: {  	v9 =	vadd.f32 v12, v9  }
0x230: {  	v12 =	vadd.f32 v14, v51;
	v13 =	vadd.f32 v47, v13  }
0x231: {  	v17 =	vmax.f32 v51, v14  }
0x232: {  	v16 =	vmax.f32 v17, v4;
	v4 =	vadd.f32 v4, v12;
	v12 =	vadd.f32 v5, v13;
	v5 =	vld [tilespmem:$0x1FB60];
	_ =	sdelay $0x3  }
0x233: {  	v2 =	vmul.f32 v63, v63;
	v40 =	vadd.f32 v40, v42  }
0x234: {  	v12 =	vadd.f32 v5, v12;
	v5 =	vld [tilespmem:$0x1FB70]  }
0x235: {  	v15 =	vmul.f32 v58, v58;
	v2 =	vadd.f32 v2, v40;
	v14 =	vmov v24;
	v24 =	vld [tilespmem:$0x1FB20]  }
0x236: {  	v17 =	vld [tilespmem:$0x1FB10]  }
0x237: {  	[tilespmem:$0x1FD60] =	vst v8;
	v8 =	vmul.f32 v55, v55;
	v2 =	vadd.f32 v15, v2;
	v11 =	vmax.f32 v11, v34;
	v13 =	vld [tilespmem:$0x1FB50]  }
0x238: {  	[tilespmem:$0x1FCD0] =	vst v3;
	v19 =	vmul.f32 v52, v52;
	v3 =	vmul.f32 v39, v39;
	v15 =	vld [tilespmem:$0x1FB30];
	v11 =	vmax.f32 v11, v43  }
0x239: {  	v2 =	vadd.f32 v8, v2;
	v8 =	vmax.f32 v11, v28;
	v12 =	vadd.f32 v5, v12;
	v5 =	vld [tilespmem:$0x1FB80]  }
0x23a: {  	v3 =	vadd.f32 v3, v9;
	v9 =	vmul.f32 v54, v54;
	v8 =	vmax.f32 v8, v24  }
0x23b: {  	v11 =	vmul.f32 v29, v29;
	v8 =	vmax.f32 v8, v17  }
0x23c: {  	v2 =	vadd.f32 v19, v2;
	v6 =	vadd.f32 v9, v6;
	v8 =	vmax.f32 v8, v13  }
0x23d: {  	v3 =	vadd.f32 v11, v3;
	v11 =	vmax.f32 v44, v63;
	v8 =	vmax.f32 v8, v15  }
0x23e: {  	v9 =	vld [tilespmem:$0x1FBA0];
	[tilespmem:s17+$0x15020] =	vst v8;
	v8 =	vmax.f32 v11, v58;
	v2 =	vadd.f32 v5, v2;
	v5 =	vmul.f32 v60, v60  }
0x23f: {  	v8 =	vmax.f32 v8, v55  }
0x240: {  	v5 =	vadd.f32 v5, v6;
	v6 =	vmax.f32 v8, v52;
	v8 =	vld [tilespmem:$0x1FBD0]  }
0x241: {  	v19 =	vld [tilespmem:$0x1FB90];
	_ =	sdelay $0x1  }
0x242: {  	v2 =	vadd.f32 v9, v2;
	v9 =	vld [tilespmem:$0x1FBB0];
	_ =	sdelay $0x1  }
0x243: {  	v2 =	vadd.f32 v8, v2;
	v8 =	vld [tilespmem:$0x1FBE0]  }
0x244: {  	v12 =	vadd.f32 v19, v12;
	v6 =	vmax.f32 v6, v57  }
0x245: {  	v10 =	vmul.f32 v32, v32;
	v6 =	vmax.f32 v6, v23  }
0x246: {  	v19 =	vld [tilespmem:$0x1FC10];
	v6 =	vmax.f32 v6, v30;
	v9 =	vadd.f32 v9, v12  }
0x247: {  	v3 =	vadd.f32 v10, v3;
	v6 =	vmax.f32 v6, v21  }
0x248: {  	v10 =	vld [tilespmem:$0x1FC30];
	v6 =	vmax.f32 v6, v53;
	v8 =	vadd.f32 v8, v9;
	v9 =	vmul.f32 v33, v33  }
0x249: {  	v11 =	vld [tilespmem:$0x1FBF0];
	v6 =	vmax.f32 v6, v26  }
0x24a: {  	v44 =	vadd.f32 v9, v3;
	v3 =	vmax.f32 v6, v27;
	v6 =	vld [tilespmem:$0x1FC60]  }
0x24b: {  	v8 =	vadd.f32 v19, v8;
	v19 =	vld [tilespmem:$0x1FC20];
	_ =	sdelay $0x1  }
0x24c: {  	v8 =	vadd.f32 v10, v8;
	v10 =	vld [tilespmem:$0x1FC40]  }
0x24d: {  	v2 =	vadd.f32 v11, v2  }
0x24e: {  	v6 =	vadd.f32 v6, v8;
	v8 =	vld [tilespmem:$0x1FC80]  }
0x24f: {  	v2 =	vadd.f32 v19, v2;
	_ =	sdelay $0x1  }
0x250: {  	v2 =	vadd.f32 v10, v2;
	_ =	sdelay $0x1  }
0x251: {  	v8 =	vadd.f32 v8, v2;
	v2 =	vmax.f32 v3, v25  }
0x252: {  	v3 =	vmax.f32 v2, v22;
	v2 =	vld [tilespmem:$0x1FC90];
	_ =	sdelay $0x1  }
0x253: {  	v4 =	vadd.f32 v46, v4  }
0x254: {  	v0 =	vadd.f32 v61, v0  }
0x255: {  	v11 =	vadd.f32 v45, v4;
	v4 =	vadd.f32 v63, v18  }
0x256: {  	v6 =	vadd.f32 v2, v6;
	v2 =	vadd.f32 v1, v0;
	v0 =	vld [tilespmem:$0x1FCB0]  }
0x257: {  	v3 =	vmax.f32 v3, v20  }
0x258: {  	v4 =	vadd.f32 v58, v4;
	[tilespmem:s17+$0x15000] =	vst v3;
	v3 =	vld [tilespmem:$0x1FCF0]  }
0x259: {  	v10 =	vld [tilespmem:$0x1FCE0]  }
0x25a: {  	v4 =	vadd.f32 v55, v4  }
0x25b: {  	v0 =	vadd.f32 v0, v8  }
0x25c: {  	v1 =	vadd.f32 v52, v4;
	v4 =	vmax.f32 v16, v46  }
0x25d: {  	v0 =	vadd.f32 v3, v0;
	v3 =	vmax.f32 v4, v45;
	v4 =	vld [tilespmem:$0x1FD00]  }
0x25e: {  	v6 =	vadd.f32 v10, v6;
	v10 =	vld [tilespmem:$0x1FD30]  }
0x25f: {  	v12 =	vld [tilespmem:$0x1FBC0]  }
0x260: {  	v18 =	vld [tilespmem:$0x1FC00]  }
0x261: {  	v55 =	vld [tilespmem:$0x1FC70]  }
0x262: {  	v5 =	vadd.f32 v4, v5;
	v4 =	vld [tilespmem:$0x1FD10]  }
0x263: {  	v7 =	vadd.f32 v54, v7;
	v0 =	vadd.f32 v10, v0;
	v10 =	vld [tilespmem:$0x1FD40]  }
0x264: {  	p0 =	sne.s32 s16, $0x1F00;
	v3 =	vmax.f32 v3, v41;
	v41 =	vadd.f32 v41, v11;
	v11 =	vld [tilespmem:$0x1FD50]  }
.Ltmp2:
0x265: {  	v7 =	vadd.f32 v60, v7;
	v9 =	vld [tilespmem:$0x1FC50];
	(pc) =	sbr.rel @p0 .LBB2_7-.Ltmp2, $4  }
0x266: {  	v52 =	vld [tilespmem:$0x1FCA0]  }
0x267: {  	v7 =	vadd.f32 v49, v7;
	v16 =	vld [tilespmem:$0x1FCD0];
	v6 =	vadd.f32 v4, v6  }
0x268: {  	v8 =	vld [tilespmem:$0x1FCC0];
	v3 =	vmax.f32 v3, v18;
	v5 =	vadd.f32 v10, v5  }
0x269: {  	s16 =	sadd.s32 $0x100, s16;
	v54 =	vmovc v23;
	v3 =	vmax.f32 v3, v56;
	v4 =	vadd.f32 v31, v7;
	v7 =	vld [tilespmem:$0x1FD20];
	v11 =	vadd.f32 v6, v11  }
0x26a: {  	v6 =	vadd.f32 v18, v41;
	v1 =	vadd.f32 v57, v1  }
0x26b: {  	v2 =	vadd.f32 v39, v2;
	v4 =	vadd.f32 v37, v4  }
0x26c: {  	v6 =	vadd.f32 v56, v6;
	v1 =	vadd.f32 v54, v1  }
0x26d: {  	v2 =	vadd.f32 v29, v2;
	v4 =	vadd.f32 v36, v4  }
0x26e: {  	v46 =	vmul.f32 v36, v36;
	v5 =	vadd.f32 v7, v5;
	v6 =	vadd.f32 v59, v6  }
0x26f: {  	v47 =	vmul.f32 v35, v35;
	v1 =	vadd.f32 v30, v1;
	v2 =	vadd.f32 v32, v2  }
0x270: {  	v49 =	vmul.f32 v34, v34;
	v10 =	vld [tilespmem:$0x1FD60];
	v4 =	vadd.f32 v35, v4;
	v5 =	vadd.f32 v46, v5  }
0x271: {  	v51 =	vmul.f32 v43, v43;
	v6 =	vadd.f32 v55, v6;
	v1 =	vadd.f32 v21, v1  }
0x272: {  	v3 =	vmax.f32 v3, v59;
	v2 =	vadd.f32 v33, v2;
	v4 =	vadd.f32 v34, v4  }
0x273: {  	v57 =	vmul.f32 v17, v17;
	v5 =	vadd.f32 v47, v5;
	v6 =	vadd.f32 v52, v6  }
0x274: {  	v3 =	vmax.f32 v3, v55;
	v1 =	vadd.f32 v53, v1;
	v58 =	vadd.f32 v38, v2  }
0x275: {  	v54 =	vmul.f32 v28, v28;
	v4 =	vadd.f32 v43, v4;
	v6 =	vadd.f32 v10, v6  }
0x276: {  	v3 =	vmax.f32 v3, v52;
	v5 =	vadd.f32 v49, v5;
	v1 =	vadd.f32 v26, v1  }
0x277: {  	v3 =	vmax.f32 v3, v10;
	v4 =	vadd.f32 v28, v4;
	v6 =	vadd.f32 v14, v6  }
0x278: {  	v3 =	vmax.f32 v3, v14;
	v5 =	vadd.f32 v51, v5;
	v1 =	vadd.f32 v27, v1  }
0x279: {  	v55 =	vmul.f32 v24, v24;
	v4 =	vadd.f32 v24, v4;
	v6 =	vadd.f32 v12, v6  }
0x27a: {  	v3 =	vmax.f32 v3, v12;
	v5 =	vadd.f32 v54, v5;
	v1 =	vadd.f32 v25, v1  }
0x27b: {  	v3 =	vmax.f32 v3, v16;
	v4 =	vadd.f32 v17, v4;
	v6 =	vadd.f32 v16, v6  }
0x27c: {  	v3 =	vmax.f32 v3, v8;
	v1 =	vadd.f32 v22, v1;
	v5 =	vadd.f32 v55, v5  }
0x27d: {  	[tilespmem:s17+$0x15010] =	vst v3;
	v4 =	vadd.f32 v13, v4;
	v6 =	vadd.f32 v8, v6  }
0x27e: {  	s14 =	sshll.u32 s14, $0xC;
	s13 =	sadd.s32 $0x1, s13;
	v59 =	vmul.f32 v13, v13;
	[tilespmem:s17+$0x15830] =	vst v58;
	v1 =	vadd.f32 v20, v1;
	v60 =	vadd.f32 v57, v5  }
0x27f: {  	s14 =	sadd.s32 s8, s14;
	p0 =	sne.s32 s13, $0x10;
	v56 =	vadd.f32 v15, v4;
	[tilespmem:s17+$0x15810] =	vst v6  }
.Ltmp3:
0x280: {  	v61 =	vmul.f32 v15, v15;
	v62 =	vmul.f32 v38, v38;
	s14 =	sshrl.u32 s14, $0x3;
	[tilespmem:s17+$0x15800] =	vst v1;
	v2 =	vadd.f32 v59, v60;
	(pc) =	sbr.rel @p0 .LBB2_4-.Ltmp3, $4  }
0x281: {  	s15 =	sadd.s32 s4, s14;
	[tilespmem:s17+$0x15820] =	vst v56  }
0x282: {  	v63 =	vadd.f32 v62, v44;
	[hbm4b:s15+s23] =	stream.strided.scatter [tilespmem:s28], [sflag:$0x4], $0x800, s12, s23, $0x38;
	v1 =	vadd.f32 v61, v2;
	[tilespmem:$0x16040] =	vst v63  }
0x283: {  	v9 =	vadd.f32 v0, v9;
	s14 =	sadd.s32 s5, s14  }
0x284: {  	v47 =	vadd.f32 v63, v50;
	[hbm4b:s14+s23] =	stream.strided.scatter [tilespmem:s29], [sflag:$0x4], $0x800, s12, s23, $0x38;
	v49 =	vadd.f32 v1, v48;
	[tilespmem:$0x16040] =	vst v63  }
0x285: {  	[tilespmem:$0x16000] =	vst v9  }
0x286: {  	[tilespmem:$0x16010] =	vst v11  }
0x287: {  	[tilespmem:$0x16020] =	vst v49  }
0x288: {  	[tilespmem:$0x16030] =	vst v47  }
0x289: {  	_ =	swait.ge [sflag:s30], $0x800  }
0x28a: {  	[sflag:s30] =	ssyncset.done $0x0  }
0x28b: {  	[sflag:s30] =	ssyncadd.s32 $0xFFFFF800  }
0x28c: {  	_ =	swait.ge [sflag:s30], $0x800  }
0x28d: {  	[sflag:s30] =	ssyncset.done $0x0  }
0x28e: {  	[sflag:s30] =	ssyncadd.s32 $0xFFFFF800  }
0x28f: {  	_ =	swait.ge [sflag:s31], $0x800  }
0x290: {  	[sflag:s31] =	ssyncset.done $0x0  }
0x291: {  	[sflag:s31] =	ssyncadd.s32 $0xFFFFF800  }
0x292: {  	_ =	swait.ge [sflag:s31], $0x800  }
0x293: {  	[sflag:s31] =	ssyncset.done $0x0  }
0x294: {  	s0 =	sadd.s32 $0x1, s0;
	[sflag:s31] =	ssyncadd.s32 $0xFFFFF800  }
0x295: {  	[hbm4b:s9+s3] =	stream.linear.scatter [tilespmem:s1], [sflag:$0x5], $0x40, $0x38;
	[tilespmem:$0x16040] =	vst v63  }
0x296: {  	p0 =	sne.s32 s0, s10;
	_ =	swait.ge [sflag:s11], $0x40  }
.Ltmp4:
0x297: {  	v10 =	vld [tilespmem:$0x1FFF0];
	(pc) =	sbr.rel @p0 .LBB2_1-.Ltmp4, $3  }
0x298: {  	_ =	sdelay $0x1  }
0x299: {  	[sflag:s11] =	ssyncset.done $0x0  }
0x29a: {  	[sflag:s11] =	ssyncadd.s32 $0xFFFFFFC0  }
0x29b: {  	_ =	sfence.sel $0x180000  }
0x29c: {  	[bflag:$0x0] =	sbarrier.arrive $0xFFFF  }
0x29d: {  	_ =	strace $0x90000047  }
0x29e: {  	s0 =	stileid.u32;
	[bflag:$0x2] =	sbarrier.arrive $0xFFFF  }
0x29f: {  	p0 =	sne.s32 s0, $0x0;
	s0 =	rddreg [dreg:$0x2]  }
0x2a0: {  	s0 =	sadd.s32 @!p0 $0x100000, s0  }
0x2a1: {  	[sflag:s0] =	ssyncadd.tile.s32 @!p0 $0x1;
	_ =	shalt  }
.Lfunc_end2:
_tile_overlayer_lowered:
.L_overlay_start_2:
0x2a2: {  	(tag) =	ssettag $0x2  }
0x2a3: {  	s0 =	rddreg [dreg:$0x0];
	s2 =	stileid.u32  }
0x2a4: {  	s1 =	rddreg [dreg:$0x1];
	p0 =	sne.s32 s2, $0x0  }
0x2a5: {  	s3 =	rddreg [dreg:$0x2];
	[bflag:$0x3] =	sbarrier.arrive $0xFFFF;
	s2 =	simm.s32 @!p0 $0x1C05  }
0x2a6: {  	[timem:s3], [sflag:s2] =	dma.local @!p0 [hbm:s0], s1  }
0x2a7: {  	s0 =	simm.s32 @!p0 $0x5  }
0x2a8: {  	_ =	swait.ge @!p0 [sflag:s0], s1  }
0x2a9: {  	s1 =	ssub.s32 @!p0 $0x0, s1;
	[sflag:s0] =	ssyncset.done @!p0 $0x0  }
0x2aa: {  	[sflag:s0] =	ssyncadd.s32 @!p0 s1  }
0x2ab: {  	[bflag:$0x3] =	sbarrier.arrive $0xFFFF  }
0x2ac: {  	_ =	shalt  }

</sc_bundles>
